<compile_context>
chip_gen: v7x
topology: tpu7x:2x2x1
jax: 0.10.2.dev20260603
libtpu: 0.0.44.dev20260713+nightly
codegen_flags: <defaults>
</compile_context>

<pallas_src>
import functools

import jax
import jax.numpy as jnp
from jax import lax
from jax.experimental import pallas as pl
from jax.experimental.pallas import tpu as pltpu
from jax.experimental.pallas import tpu_sc as plsc

N = 10000
D = 128
E = 320000
HID = 128
OUT = 64
NEG = 0.2

NP = 10240
SCW = 80
WA = 80
WB = 48
DEN = 48
GB = 1024
GRID = NP // GB

NC, NS, L = 2, 16, 16
EPT = E // NS
CH = 80
NCHUNK = EPT // CH
RPT = NP // NS
ZR = 64


def _project_tail(i, feat_list, ws_ref, wd_ref, ats_ref, atd_ref,
                  aug_ref, as_ref, ad_ref, ms_ref, md_ref):
    xs = sum(jnp.dot(f, ws_ref[pl.ds(o, f.shape[1]), :],
                     preferred_element_type=jnp.float32)
             for f, o in feat_list)
    xd = sum(jnp.dot(f, wd_ref[pl.ds(o, f.shape[1]), :],
                     preferred_element_type=jnp.float32)
             for f, o in feat_list)
    avs = jnp.sum(xs * ats_ref[...], axis=1, keepdims=True)
    avd = jnp.sum(xd * atd_ref[...], axis=1, keepdims=True)
    ones = jnp.ones((GB, 1), jnp.float32)
    zpad = jnp.zeros((GB, SCW - WB - 1), jnp.float32)
    aug_ref[0] = xs[:, :WA]
    aug_ref[1] = jnp.concatenate([xs[:, WA:D], ones, zpad], axis=1)
    as_ref[...] = avs
    ad_ref[...] = avd

    @pl.when(i == 0)
    def _():
        ms_ref[...] = jnp.full((1, 1), -jnp.inf, jnp.float32)
        md_ref[...] = jnp.full((1, 1), -jnp.inf, jnp.float32)

    ms_ref[...] = jnp.maximum(ms_ref[...], jnp.broadcast_to(jnp.max(avs), (1, 1)))
    md_ref[...] = jnp.maximum(md_ref[...], jnp.broadcast_to(jnp.max(avd), (1, 1)))


def _normalize(part_ref, augp_ref, asp_ref, adp_ref, msp_ref, mdp_ref,
               ba_ref, bb_ref):
    p0 = part_ref[0]
    p1 = part_ref[1]
    sel = jnp.where(
        lax.broadcasted_iota(jnp.int32, (SCW, 1), 0) == DEN, 1.0, 0.0
    ).astype(jnp.float32)
    den = jnp.dot(p1, sel, preferred_element_type=jnp.float32)
    m11 = jnp.maximum(msp_ref[...] + mdp_ref[...], 0.0)
    z = asp_ref[...] + adp_ref[...]
    alpha = jnp.where(z > 0, z, NEG * z)
    wself = jnp.exp(alpha - m11)
    numa = p0 + wself * augp_ref[0]
    numb = p1[:, :WB] + wself * augp_ref[1][:, :WB]
    dent = den + wself + 1e-16
    ha = jnp.maximum(numa / dent + ba_ref[...], 0.0)
    hb = jnp.maximum(numb / dent + bb_ref[...], 0.0)
    return ha, hb


_NORM_SPECS = [
    pl.BlockSpec((NC, GB, SCW), lambda i: (0, i, 0)),
    pl.BlockSpec((NC, GB, SCW), lambda i: (0, i, 0)),
    pl.BlockSpec((GB, 1), lambda i: (i, 0)),
    pl.BlockSpec((GB, 1), lambda i: (i, 0)),
    pl.BlockSpec((1, 1), lambda i: (0, 0)),
    pl.BlockSpec((1, 1), lambda i: (0, 0)),
    pl.BlockSpec((1, WA), lambda i: (0, 0)),
    pl.BlockSpec((1, WB), lambda i: (0, 0)),
]

_PROJ_IN_SPECS = [
    pl.BlockSpec((D, HID), lambda i: (0, 0)),
    pl.BlockSpec((D, HID), lambda i: (0, 0)),
    pl.BlockSpec((1, HID), lambda i: (0, 0)),
    pl.BlockSpec((1, HID), lambda i: (0, 0)),
]

_PROJ_OUT_SPECS = [
    pl.BlockSpec((NC, GB, SCW), lambda i: (0, i, 0)),
    pl.BlockSpec((GB, 1), lambda i: (i, 0)),
    pl.BlockSpec((GB, 1), lambda i: (i, 0)),
    pl.BlockSpec((1, 1), lambda i: (0, 0)),
    pl.BlockSpec((1, 1), lambda i: (0, 0)),
]

_PROJ_OUT_SHAPE = [
    jax.ShapeDtypeStruct((NC, NP, SCW), jnp.float32),
    jax.ShapeDtypeStruct((NP, 1), jnp.float32),
    jax.ShapeDtypeStruct((NP, 1), jnp.float32),
    jax.ShapeDtypeStruct((1, 1), jnp.float32),
    jax.ShapeDtypeStruct((1, 1), jnp.float32),
]


def _project(feat, ws, wd, ats, atd):
    def body(f_ref, ws_ref, wd_ref, ats_ref, atd_ref,
             aug_ref, as_ref, ad_ref, ms_ref, md_ref):
        i = pl.program_id(0)
        _project_tail(i, [(f_ref[...], 0)], ws_ref, wd_ref, ats_ref, atd_ref,
                      aug_ref, as_ref, ad_ref, ms_ref, md_ref)

    return pl.pallas_call(
        body,
        grid=(GRID,),
        in_specs=[pl.BlockSpec((GB, D), lambda i: (i, 0))] + _PROJ_IN_SPECS,
        out_specs=_PROJ_OUT_SPECS,
        out_shape=_PROJ_OUT_SHAPE,
    )(feat, ws, wd, ats, atd)


def _norm_project(part, augp, asp, adp, msp, mdp, ba, bb, ws, wd, ats, atd):
    def body(part_ref, augp_ref, asp_ref, adp_ref, msp_ref, mdp_ref,
             ba_ref, bb_ref, ws_ref, wd_ref, ats_ref, atd_ref,
             aug_ref, as_ref, ad_ref, ms_ref, md_ref):
        i = pl.program_id(0)
        ha, hb = _normalize(part_ref, augp_ref, asp_ref, adp_ref, msp_ref,
                            mdp_ref, ba_ref, bb_ref)
        _project_tail(i, [(ha, 0), (hb, WA)], ws_ref, wd_ref, ats_ref,
                      atd_ref, aug_ref, as_ref, ad_ref, ms_ref, md_ref)

    return pl.pallas_call(
        body,
        grid=(GRID,),
        in_specs=_NORM_SPECS + _PROJ_IN_SPECS,
        out_specs=_PROJ_OUT_SPECS,
        out_shape=_PROJ_OUT_SHAPE,
    )(part, augp, asp, adp, msp, mdp, ba, bb, ws, wd, ats, atd)


def _head(part, augp, asp, adp, msp, mdp, ba, bb,
          wf1, bf1, gamma, beta, wf2, bf2):
    bn_scale = float(1.0 / (1.0 + 1e-5) ** 0.5)

    def body(part_ref, augp_ref, asp_ref, adp_ref, msp_ref, mdp_ref,
             ba_ref, bb_ref, wf1_ref, bf1_ref, g_ref, be_ref, wf2_ref,
             bf2_ref, y_ref):
        ha, hb = _normalize(part_ref, augp_ref, asp_ref, adp_ref, msp_ref,
                            mdp_ref, ba_ref, bb_ref)
        f = (jnp.dot(ha, wf1_ref[pl.ds(0, WA), :],
                     preferred_element_type=jnp.float32)
             + jnp.dot(hb, wf1_ref[pl.ds(WA, WB), :],
                       preferred_element_type=jnp.float32))
        f = f + bf1_ref[...]
        f = g_ref[...] * (f * bn_scale) + be_ref[...]
        f = jnp.maximum(f, 0.0)
        g = jnp.dot(f, wf2_ref[...], preferred_element_type=jnp.float32)
        g = g + bf2_ref[...]
        mx = jnp.max(g, axis=1, keepdims=True)
        eg = jnp.exp(g - mx)
        y_ref[...] = g - mx - jnp.log(jnp.sum(eg, axis=1, keepdims=True))

    return pl.pallas_call(
        body,
        grid=(GRID,),
        in_specs=_NORM_SPECS + [
            pl.BlockSpec((HID, OUT), lambda i: (0, 0)),
            pl.BlockSpec((1, OUT), lambda i: (0, 0)),
            pl.BlockSpec((1, OUT), lambda i: (0, 0)),
            pl.BlockSpec((1, OUT), lambda i: (0, 0)),
            pl.BlockSpec((OUT, OUT), lambda i: (0, 0)),
            pl.BlockSpec((1, OUT), lambda i: (0, 0)),
        ],
        out_specs=pl.BlockSpec((GB, OUT), lambda i: (i, 0)),
        out_shape=jax.ShapeDtypeStruct((NP, OUT), jnp.float32),
    )(part, augp, asp, adp, msp, mdp, ba, bb,
      wf1, bf1, gamma, beta, wf2, bf2)


def _edge_pass(src2, dst2, asrc, adst, mvec, xstk):
    mesh = plsc.VectorSubcoreMesh(core_axis_name="c", subcore_axis_name="s")

    @functools.partial(
        pl.kernel,
        out_type=jax.ShapeDtypeStruct((NC, NP, SCW), jnp.float32),
        mesh=mesh,
        compiler_params=pltpu.CompilerParams(
            needs_layout_passes=False, use_tc_tiling_on_sc=False),
        scratch_types=[
            pltpu.VMEM((NP,), jnp.float32),
            pltpu.VMEM((NP,), jnp.float32),
            pltpu.VMEM((L,), jnp.float32),
            pltpu.VMEM((CH,), jnp.int32),
            pltpu.VMEM((CH,), jnp.int32),
            pltpu.VMEM((CH,), jnp.int32),
            pltpu.VMEM((CH,), jnp.int32),
            pltpu.VMEM((CH,), jnp.float32),
            pltpu.VMEM((CH,), jnp.float32),
            pltpu.VMEM((CH, SCW), jnp.float32),
            pltpu.VMEM((CH, SCW), jnp.float32),
            pltpu.VMEM((ZR, SCW), jnp.float32),
            pltpu.VMEM_SHARED((NP, SCW), jnp.float32),
            pltpu.SemaphoreType.DMA,
            pltpu.SemaphoreType.DMA,
            pltpu.SemaphoreType.DMA,
            pltpu.SemaphoreType.DMA,
            pltpu.SemaphoreType.DMA,
            pltpu.SemaphoreType.DMA,
        ],
    )
    def k(src_h, dst_h, as_h, ad_h, m_h, xs_h, out_h,
          as_v, ad_v, m_v, si0, si1, di0, di1, w0, w1, rows0, rows1,
          z_v, acc_sh, isem0, isem1, gsem0, gsem1, ssem0, ssem1):
        c = lax.axis_index("c")
        s = lax.axis_index("s")

        pltpu.sync_copy(as_h, as_v)
        pltpu.sync_copy(ad_h, ad_v)
        pltpu.sync_copy(m_h, m_v)

        m16 = m_v[...]
        coff = jnp.full((L,), c * NP, jnp.int32)
        zeros16 = jnp.zeros((L,), jnp.float32)

        def zfill(r, carry):
            for j in range(SCW // L):
                z_v[r, pl.ds(j * L, L)] = zeros16
            return carry

        lax.fori_loop(0, ZR, zfill, 0)

        row0 = s * RPT

        def zcopy(kk, carry):
            pltpu.sync_copy(z_v, acc_sh.at[pl.ds(row0 + kk * ZR, ZR)])
            return carry

        lax.fori_loop(0, RPT // ZR, zcopy, 0)
        plsc.subcore_barrier()

        sis = (si0, si1)
        dis = (di0, di1)
        ws = (w0, w1)
        bufs = (rows0, rows1)
        isems = (isem0, isem1)
        gsems = (gsem0, gsem1)
        ssems = (ssem0, ssem1)
        ebase = s * EPT

        def fire_idx(kk, b):
            base = ebase + kk * CH
            pltpu.async_copy(src_h.at[pl.ds(base, CH)], sis[b], isems[b])
            pltpu.async_copy(dst_h.at[pl.ds(base, CH)], dis[b], isems[b])

        def wait_idx(kk, b):
            base = ebase + kk * CH
            pltpu.make_async_copy(
                src_h.at[pl.ds(base, CH)], sis[b], isems[b]).wait()
            pltpu.make_async_copy(
                dst_h.at[pl.ds(base, CH)], dis[b], isems[b]).wait()

        fire_idx(0, 0)

        @pl.loop(0, NCHUNK, step=2)
        def _(kk0):
            for b in range(2):
                kk = kk0 + b
                nb = 1 - b
                si_b, di_b, w_b, rows_b = sis[b], dis[b], ws[b], bufs[b]

                wait_idx(kk, b)

                def wbody(i, carry2):
                    sl = pl.ds(i * L, L)
                    si = si_b[sl]
                    di = di_b[sl]
                    av = plsc.load_gather(as_v, [si])
                    bv = plsc.load_gather(ad_v, [di])
                    zz = av + bv
                    al = jnp.where(zz > 0, zz, NEG * zz)
                    w_b[sl] = jnp.exp(al - m16)
                    si_b[sl] = si + coff
                    return carry2

                lax.fori_loop(0, CH // L, wbody, 0)

                pltpu.async_copy(xs_h.at[si_b], rows_b, gsems[b])

                nxt = kk + 1

                @pl.when(nxt < NCHUNK)
                def _():
                    @pl.when(kk >= 1)
                    def _():
                        pltpu.make_async_copy(
                            bufs[nb], acc_sh.at[dis[nb]], ssems[nb]).wait()

                    fire_idx(nxt, nb)

                pltpu.make_async_copy(xs_h.at[si_b], rows_b, gsems[b]).wait()

                def mbody(r, carry2):
                    wb = plsc.load_gather(w_b, [jnp.full((L,), r, jnp.int32)])
                    for j in range(SCW // L):
                        rows_b[r, pl.ds(j * L, L)] = (
                            rows_b[r, pl.ds(j * L, L)] * wb)
                    return carry2

                lax.fori_loop(0, CH, mbody, 0)

                pltpu.async_copy(rows_b, acc_sh.at[di_b], ssems[b], add=True)

        for b in ((NCHUNK - 2) % 2, (NCHUNK - 1) % 2):
            pltpu.make_async_copy(
                bufs[b], acc_sh.at[dis[b]], ssems[b]).wait()
        plsc.subcore_barrier()

        def wback(kk, carry):
            pltpu.sync_copy(acc_sh.at[pl.ds(row0 + kk * ZR, ZR)],
                            out_h.at[c, pl.ds(row0 + kk * ZR, ZR)])
            return carry

        lax.fori_loop(0, RPT // ZR, wback, 0)

    return k(src2, dst2, asrc, adst, mvec, xstk)


def kernel(x, edge_index, W1_src, W1_dst, att1_src, att1_dst, b1,
           W2_src, W2_dst, att2_src, att2_dst, b2,
           Wf1, bf1, gamma, beta, Wf2, bf2):
    xp = jnp.pad(x, ((0, NP - N), (0, 0)))
    src = edge_index[0].astype(jnp.int32)
    dst = edge_index[1].astype(jnp.int32)

    aug1, as1, ad1, ms1, md1 = _project(
        xp, W1_src, W1_dst, att1_src.reshape(1, -1), att1_dst.reshape(1, -1))
    m1 = jnp.maximum(ms1[0, 0] + md1[0, 0], 0.0)
    part1 = _edge_pass(src, dst, as1.reshape(NP), ad1.reshape(NP),
                       jnp.full((L,), 1.0, jnp.float32) * m1,
                       aug1.reshape(NC * NP, SCW))

    b1a, b1b = b1[:WA].reshape(1, -1), b1[WA:].reshape(1, -1)
    aug2, as2, ad2, ms2, md2 = _norm_project(
        part1, aug1, as1, ad1, ms1, md1, b1a, b1b,
        W2_src, W2_dst, att2_src.reshape(1, -1), att2_dst.reshape(1, -1))
    m2 = jnp.maximum(ms2[0, 0] + md2[0, 0], 0.0)
    part2 = _edge_pass(src, dst, as2.reshape(NP), ad2.reshape(NP),
                       jnp.full((L,), 1.0, jnp.float32) * m2,
                       aug2.reshape(NC * NP, SCW))

    b2a, b2b = b2[:WA].reshape(1, -1), b2[WA:].reshape(1, -1)
    y = _head(part2, aug2, as2, ad2, ms2, md2, b2a, b2b,
              Wf1, bf1.reshape(1, -1), gamma.reshape(1, -1),
              beta.reshape(1, -1), Wf2, bf2.reshape(1, -1))
    return y[:N]

# --- scband reference (transcript-rebuilt; emitter-appended) ---
"""Pipeline reference for scband-gat-37709812858998 (READ-ONLY COPY).

The authoritative reference and input builder live on the scoring server;
editing this copy changes nothing except your own understanding.
"""

import jax, jax.numpy as jnp
import numpy as np

N = 10000
D = 128
E = 320000
HID = 128
OUT = 64
NEG_SLOPE = 0.2


def setup_inputs(seed: int = 0):
    key = jax.random.key(seed)
    ks = jax.random.split(key, 20)
    x = jax.random.normal(ks[0], (N, D), dtype=jnp.float32)
    edge_index = jax.random.randint(ks[1], (2, E), 0, N, dtype=jnp.int64)
    s = 0.05
    return {
        'x': x,
        'edge_index': edge_index,
        'W1_src': jax.random.normal(ks[2], (D, HID), dtype=jnp.float32) * s,
        'W1_dst': jax.random.normal(ks[3], (D, HID), dtype=jnp.float32) * s,
        'att1_src': jax.random.normal(ks[4], (HID,), dtype=jnp.float32) * s,
        'att1_dst': jax.random.normal(ks[5], (HID,), dtype=jnp.float32) * s,
        'b1': jnp.zeros((HID,), dtype=jnp.float32),
        'W2_src': jax.random.normal(ks[6], (HID, 128), dtype=jnp.float32) * s,
        'W2_dst': jax.random.normal(ks[7], (HID, 128), dtype=jnp.float32) * s,
        'att2_src': jax.random.normal(ks[8], (128,), dtype=jnp.float32) * s,
        'att2_dst': jax.random.normal(ks[9], (128,), dtype=jnp.float32) * s,
        'b2': jnp.zeros((128,), dtype=jnp.float32),
        'Wf1': jax.random.normal(ks[10], (128, 64), dtype=jnp.float32) * s,
        'bf1': jnp.zeros((64,), dtype=jnp.float32),
        'gamma': jnp.ones((64,), dtype=jnp.float32),
        'beta': jnp.zeros((64,), dtype=jnp.float32),
        'Wf2': jax.random.normal(ks[11], (64, OUT), dtype=jnp.float32) * s,
        'bf2': jnp.zeros((OUT,), dtype=jnp.float32),
    }


def _add_self_loops(edge_index, n):
    loop = jnp.arange(n, dtype=edge_index.dtype)
    loops = jnp.stack([loop, loop], axis=0)
    return jnp.concatenate([edge_index, loops], axis=1)


def _gat_conv(x, edge_index, W_src, W_dst, att_src, att_dst, b, n):
    src = edge_index[0]
    dst = edge_index[1]
    xs = x @ W_src
    xd = x @ W_dst
    a_src = xs @ att_src  # [n]
    a_dst = xd @ att_dst  # [n]
    alpha = jax.nn.leaky_relu(a_src[src] + a_dst[dst], negative_slope=NEG_SLOPE)
    # softmax over incoming edges per destination node
    m = jax.ops.segment_max(alpha, dst, num_segments=n)
    alpha = jnp.exp(alpha - m[dst])
    denom = jax.ops.segment_sum(alpha, dst, num_segments=n)
    alpha = alpha / (denom[dst] + 1e-16)
    out = jax.ops.segment_sum(alpha[:, None] * xs[src], dst, num_segments=n)
    return out + b


def reference(x, edge_index, W1_src, W1_dst, att1_src, att1_dst, b1,
              W2_src, W2_dst, att2_src, att2_dst, b2,
              Wf1, bf1, gamma, beta, Wf2, bf2):
    ei = _add_self_loops(edge_index, N)
    h = _gat_conv(x, ei, W1_src, W1_dst, att1_src, att1_dst, b1, N)
    h = jax.nn.relu(h)
    # dropout is identity in eval mode
    h = _gat_conv(h, ei, W2_src, W2_dst, att2_src, att2_dst, b2, N)
    h = jax.nn.relu(h)
    h = h @ Wf1 + bf1
    # BatchNorm1d in eval mode with fresh running stats (mean=0, var=1)
    h = gamma * (h / jnp.sqrt(1.0 + 1e-5)) + beta
    h = jax.nn.relu(h)
    h = h @ Wf2 + bf2
    return jax.nn.log_softmax(h, axis=-1)

if __name__ == "__main__":
    import jax
    _d = setup_inputs()
    print(jax.jit(kernel)(*tuple(_d.values())))

</pallas_src>

<mosaic_0001>
#map = affine_map<(d0, d1) -> (0)>
#map1 = affine_map<(d0, d1) -> (0, 0)>
#map2 = affine_map<(d0, d1) -> (0, 0, 0)>
module attributes {stable_mosaic.version = 14 : i64} {
  func.func @k(%arg0: i32, %arg1: i32, %arg2: memref<320000xi32, #tpu.memory_space<hbm>>, %arg3: memref<320000xi32, #tpu.memory_space<hbm>>, %arg4: memref<10240xf32, #tpu.memory_space<hbm>>, %arg5: memref<10240xf32, #tpu.memory_space<hbm>>, %arg6: memref<16xf32, #tpu.memory_space<hbm>>, %arg7: memref<20480x80xf32, #tpu.memory_space<hbm>>, %arg8: memref<2x10240x80xf32, #tpu.memory_space<hbm>>, %arg9: memref<10240xf32, #tpu.memory_space<vmem>>, %arg10: memref<10240xf32, #tpu.memory_space<vmem>>, %arg11: memref<16xf32, #tpu.memory_space<vmem>>, %arg12: memref<80xi32, #tpu.memory_space<vmem>>, %arg13: memref<80xi32, #tpu.memory_space<vmem>>, %arg14: memref<80xi32, #tpu.memory_space<vmem>>, %arg15: memref<80xi32, #tpu.memory_space<vmem>>, %arg16: memref<80xf32, #tpu.memory_space<vmem>>, %arg17: memref<80xf32, #tpu.memory_space<vmem>>, %arg18: memref<80x80xf32, #tpu.memory_space<vmem>>, %arg19: memref<80x80xf32, #tpu.memory_space<vmem>>, %arg20: memref<64x80xf32, #tpu.memory_space<vmem>>, %arg21: memref<10240x80xf32, #tpu.memory_space<vmem_shared>>, %arg22: memref<!tpu.dma_semaphore, #tpu.memory_space<semaphore_mem>>, %arg23: memref<!tpu.dma_semaphore, #tpu.memory_space<semaphore_mem>>, %arg24: memref<!tpu.dma_semaphore, #tpu.memory_space<semaphore_mem>>, %arg25: memref<!tpu.dma_semaphore, #tpu.memory_space<semaphore_mem>>, %arg26: memref<!tpu.dma_semaphore, #tpu.memory_space<semaphore_mem>>, %arg27: memref<!tpu.dma_semaphore, #tpu.memory_space<semaphore_mem>>) attributes {dimension_semantics = [#tpu.dimension_semantics<core_parallel>, #tpu.dimension_semantics<subcore_parallel>], iteration_bounds = array<i64: 2, 16>, scalar_prefetch = 0 : i64, scratch_operands = 19 : i64, tpu.core_type = #tpu.core_type<sc_vector_subcore>, window_params = [{transform_indices = #map}, {transform_indices = #map}, {transform_indices = #map}, {transform_indices = #map}, {transform_indices = #map}, {transform_indices = #map1}, {transform_indices = #map2}]} {
    "tpu.region"() ({
      %run_scoped3A = tpu.sem_alloc : memref<!tpu.dma_semaphore, #tpu.memory_space<semaphore_mem>>
      tpu.enqueue_dma source(%arg4 : memref<10240xf32, #tpu.memory_space<hbm>>) target(%arg9 : memref<10240xf32, #tpu.memory_space<vmem>>) target_semaphore(%run_scoped3A : memref<!tpu.dma_semaphore, #tpu.memory_space<semaphore_mem>>)
      tpu.wait_dma2 semaphore(%run_scoped3A : memref<!tpu.dma_semaphore, #tpu.memory_space<semaphore_mem>>) src(%arg4 : memref<10240xf32, #tpu.memory_space<hbm>>) dst(%arg9 : memref<10240xf32, #tpu.memory_space<vmem>>)
      tpu.yield
    }) : () -> ()
    "tpu.region"() ({
      %run_scoped3A = tpu.sem_alloc : memref<!tpu.dma_semaphore, #tpu.memory_space<semaphore_mem>>
      tpu.enqueue_dma source(%arg5 : memref<10240xf32, #tpu.memory_space<hbm>>) target(%arg10 : memref<10240xf32, #tpu.memory_space<vmem>>) target_semaphore(%run_scoped3A : memref<!tpu.dma_semaphore, #tpu.memory_space<semaphore_mem>>)
      tpu.wait_dma2 semaphore(%run_scoped3A : memref<!tpu.dma_semaphore, #tpu.memory_space<semaphore_mem>>) src(%arg5 : memref<10240xf32, #tpu.memory_space<hbm>>) dst(%arg10 : memref<10240xf32, #tpu.memory_space<vmem>>)
      tpu.yield
    }) : () -> ()
    "tpu.region"() ({
      %run_scoped3A = tpu.sem_alloc : memref<!tpu.dma_semaphore, #tpu.memory_space<semaphore_mem>>
      tpu.enqueue_dma source(%arg6 : memref<16xf32, #tpu.memory_space<hbm>>) target(%arg11 : memref<16xf32, #tpu.memory_space<vmem>>) target_semaphore(%run_scoped3A : memref<!tpu.dma_semaphore, #tpu.memory_space<semaphore_mem>>)
      tpu.wait_dma2 semaphore(%run_scoped3A : memref<!tpu.dma_semaphore, #tpu.memory_space<semaphore_mem>>) src(%arg6 : memref<16xf32, #tpu.memory_space<hbm>>) dst(%arg11 : memref<16xf32, #tpu.memory_space<vmem>>)
      tpu.yield
    }) : () -> ()
    %get3A = arith.constant 0 : index
    %get3A_0 = tpu.vector_load %arg11[%get3A] {strides = array<i32>} : memref<16xf32, #tpu.memory_space<vmem>>, vector<16xf32>,
    %mul3A = arith.constant 10240 : i32
    %mul3A_1 = arith.muli %arg0, %mul3A : i32
    %broadcast_in_dim3A = vector.broadcast %mul3A_1 : i32 to vector<16xi32>
    %broadcast_in_dim3A_2 = arith.constant 0.000000e+00 : f32
    %broadcast_in_dim3A_3 = vector.broadcast %broadcast_in_dim3A_2 : f32 to vector<16xf32>
    %scan3A = arith.constant 0 : i32
    %scan3A_4 = arith.constant 0 : i32
    %scan3A_5 = arith.constant 64 : i32
    %scan3A_6 = arith.addi %scan3A_4, %scan3A_5 : i32
    %scan3A_7 = arith.constant 1 : i32
    scf.for %scan3A_40 = %scan3A_4 to %scan3A_6 step %scan3A_7  : i32 {
      %swap3A = arith.index_cast %scan3A_40 : i32 to index
      %swap3A_41 = arith.constant 0 : index
      %swap3A_42 = tpu.vector_load %arg20[%swap3A, %swap3A_41] {strides = array<i32>} : memref<64x80xf32, #tpu.memory_space<vmem>>, vector<16xf32>,
      tpu.vector_store %arg20[%swap3A, %swap3A_41], %broadcast_in_dim3A_3 {strides = array<i32>} : memref<64x80xf32, #tpu.memory_space<vmem>>, vector<16xf32>,
      %swap3A_43 = arith.index_cast %scan3A_40 : i32 to index
      %swap3A_44 = arith.constant 16 : index
      %swap3A_45 = tpu.vector_load %arg20[%swap3A_43, %swap3A_44] {strides = array<i32>} : memref<64x80xf32, #tpu.memory_space<vmem>>, vector<16xf32>,
      tpu.vector_store %arg20[%swap3A_43, %swap3A_44], %broadcast_in_dim3A_3 {strides = array<i32>} : memref<64x80xf32, #tpu.memory_space<vmem>>, vector<16xf32>,
      %swap3A_46 = arith.index_cast %scan3A_40 : i32 to index
      %swap3A_47 = arith.constant 32 : index
      %swap3A_48 = tpu.vector_load %arg20[%swap3A_46, %swap3A_47] {strides = array<i32>} : memref<64x80xf32, #tpu.memory_space<vmem>>, vector<16xf32>,
      tpu.vector_store %arg20[%swap3A_46, %swap3A_47], %broadcast_in_dim3A_3 {strides = array<i32>} : memref<64x80xf32, #tpu.memory_space<vmem>>, vector<16xf32>,
      %swap3A_49 = arith.index_cast %scan3A_40 : i32 to index
      %swap3A_50 = arith.constant 48 : index
      %swap3A_51 = tpu.vector_load %arg20[%swap3A_49, %swap3A_50] {strides = array<i32>} : memref<64x80xf32, #tpu.memory_space<vmem>>, vector<16xf32>,
      tpu.vector_store %arg20[%swap3A_49, %swap3A_50], %broadcast_in_dim3A_3 {strides = array<i32>} : memref<64x80xf32, #tpu.memory_space<vmem>>, vector<16xf32>,
      %swap3A_52 = arith.index_cast %scan3A_40 : i32 to index
      %swap3A_53 = arith.constant 64 : index
      %swap3A_54 = tpu.vector_load %arg20[%swap3A_52, %swap3A_53] {strides = array<i32>} : memref<64x80xf32, #tpu.memory_space<vmem>>, vector<16xf32>,
      tpu.vector_store %arg20[%swap3A_52, %swap3A_53], %broadcast_in_dim3A_3 {strides = array<i32>} : memref<64x80xf32, #tpu.memory_space<vmem>>, vector<16xf32>,
    }
    %scan3A_8 = arith.constant 64 : i32
    %mul3A_9 = arith.constant 640 : i32
    %mul3A_10 = arith.muli %arg1, %mul3A_9 : i32
    %scan3A_11 = arith.constant 0 : i32
    %scan3A_12 = arith.constant 0 : i32
    %scan3A_13 = arith.constant 10 : i32
    %scan3A_14 = arith.addi %scan3A_12, %scan3A_13 : i32
    %scan3A_15 = arith.constant 1 : i32
    scf.for %scan3A_40 = %scan3A_12 to %scan3A_14 step %scan3A_15  : i32 {
      %mul3A_41 = arith.constant 64 : i32
      %mul3A_42 = arith.muli %scan3A_40, %mul3A_41 : i32
      %add3A_43 = arith.addi %mul3A_10, %mul3A_42 : i32
      "tpu.region"() ({
        %run_scoped3A = tpu.sem_alloc : memref<!tpu.dma_semaphore, #tpu.memory_space<semaphore_mem>>
        %dma_start3A_44 = arith.constant 0 : i32
        %dma_start3A_45 = tpu.memref_slice %arg21[%add3A_43, %dma_start3A_44] : memref<10240x80xf32, #tpu.memory_space<vmem_shared>> -> memref<64x80xf32, #tpu.memory_space<vmem_shared>>
        %dma_start3A_46 = arith.constant 0 : i32
        %dma_start3A_47 = tpu.memref_slice %arg21[%add3A_43, %dma_start3A_46] : memref<10240x80xf32, #tpu.memory_space<vmem_shared>> -> memref<64x80xf32, #tpu.memory_space<vmem_shared>>
        tpu.enqueue_dma source(%arg20 : memref<64x80xf32, #tpu.memory_space<vmem>>) target(%dma_start3A_47 : memref<64x80xf32, #tpu.memory_space<vmem_shared>>) target_semaphore(%run_scoped3A : memref<!tpu.dma_semaphore, #tpu.memory_space<semaphore_mem>>)
        %dma_wait3A_48 = arith.constant 0 : i32
        %dma_wait3A_49 = tpu.memref_slice %arg21[%add3A_43, %dma_wait3A_48] : memref<10240x80xf32, #tpu.memory_space<vmem_shared>> -> memref<64x80xf32, #tpu.memory_space<vmem_shared>>
        %dma_wait3A_50 = arith.constant 0 : i32
        %dma_wait3A_51 = tpu.memref_slice %arg21[%add3A_43, %dma_wait3A_50] : memref<10240x80xf32, #tpu.memory_space<vmem_shared>> -> memref<64x80xf32, #tpu.memory_space<vmem_shared>>
        tpu.wait_dma2 semaphore(%run_scoped3A : memref<!tpu.dma_semaphore, #tpu.memory_space<semaphore_mem>>) src(%arg20 : memref<64x80xf32, #tpu.memory_space<vmem>>) dst(%dma_wait3A_51 : memref<64x80xf32, #tpu.memory_space<vmem_shared>>)
        tpu.yield
      }) : () -> ()
    }
    %scan3A_16 = arith.constant 10 : i32
    %barrier3A = arith.constant 0 : index
    tpu.barrier barrier_id(%barrier3A)
    %mul3A_17 = arith.constant 20000 : i32
    %mul3A_18 = arith.muli %arg1, %mul3A_17 : i32
    %add3A = arith.constant 0 : i32
    %add3A_19 = arith.addi %mul3A_18, %add3A : i32
    %dma_start3A = tpu.memref_slice %arg2[%add3A_19] : memref<320000xi32, #tpu.memory_space<hbm>> -> memref<80xi32, #tpu.memory_space<hbm>>
    %dma_start3A_20 = tpu.memref_slice %arg2[%add3A_19] : memref<320000xi32, #tpu.memory_space<hbm>> -> memref<80xi32, #tpu.memory_space<hbm>>
    tpu.enqueue_dma source(%dma_start3A_20 : memref<80xi32, #tpu.memory_space<hbm>>) target(%arg12 : memref<80xi32, #tpu.memory_space<vmem>>) target_semaphore(%arg22 : memref<!tpu.dma_semaphore, #tpu.memory_space<semaphore_mem>>)
    %dma_start3A_21 = tpu.memref_slice %arg3[%add3A_19] : memref<320000xi32, #tpu.memory_space<hbm>> -> memref<80xi32, #tpu.memory_space<hbm>>
    %dma_start3A_22 = tpu.memref_slice %arg3[%add3A_19] : memref<320000xi32, #tpu.memory_space<hbm>> -> memref<80xi32, #tpu.memory_space<hbm>>
    tpu.enqueue_dma source(%dma_start3A_22 : memref<80xi32, #tpu.memory_space<hbm>>) target(%arg14 : memref<80xi32, #tpu.memory_space<vmem>>) target_semaphore(%arg22 : memref<!tpu.dma_semaphore, #tpu.memory_space<semaphore_mem>>)
    %scan3A_23 = arith.constant 0 : i32
    %scan3A_24 = arith.constant 125 : i32
    %scan3A_25 = arith.addi %scan3A_23, %scan3A_24 : i32
    %scan3A_26 = arith.constant 1 : i32
    scf.for %scan3A_40 = %scan3A_23 to %scan3A_25 step %scan3A_26  : i32 {
      %mul3A_41 = arith.constant 2 : i32
      %mul3A_42 = arith.muli %scan3A_40, %mul3A_41 : i32
      %add3A_43 = arith.constant 0 : i32
      %add3A_44 = arith.addi %add3A_43, %mul3A_42 : i32
      %add3A_45 = arith.constant 0 : i32
      %add3A_46 = arith.addi %add3A_44, %add3A_45 : i32
      %mul3A_47 = arith.constant 80 : i32
      %mul3A_48 = arith.muli %add3A_46, %mul3A_47 : i32
      %add3A_49 = arith.addi %mul3A_18, %mul3A_48 : i32
      %dma_wait3A_50 = tpu.memref_slice %arg2[%add3A_49] : memref<320000xi32, #tpu.memory_space<hbm>> -> memref<80xi32, #tpu.memory_space<hbm>>
      %dma_wait3A_51 = tpu.memref_slice %arg2[%add3A_49] : memref<320000xi32, #tpu.memory_space<hbm>> -> memref<80xi32, #tpu.memory_space<hbm>>
      tpu.wait_dma2 semaphore(%arg22 : memref<!tpu.dma_semaphore, #tpu.memory_space<semaphore_mem>>) src(%dma_wait3A_51 : memref<80xi32, #tpu.memory_space<hbm>>) dst(%arg12 : memref<80xi32, #tpu.memory_space<vmem>>)
      %dma_wait3A_52 = tpu.memref_slice %arg3[%add3A_49] : memref<320000xi32, #tpu.memory_space<hbm>> -> memref<80xi32, #tpu.memory_space<hbm>>
      %dma_wait3A_53 = tpu.memref_slice %arg3[%add3A_49] : memref<320000xi32, #tpu.memory_space<hbm>> -> memref<80xi32, #tpu.memory_space<hbm>>
      tpu.wait_dma2 semaphore(%arg22 : memref<!tpu.dma_semaphore, #tpu.memory_space<semaphore_mem>>) src(%dma_wait3A_53 : memref<80xi32, #tpu.memory_space<hbm>>) dst(%arg14 : memref<80xi32, #tpu.memory_space<vmem>>)
      %scan3A_54 = arith.constant 0 : i32
      %scan3A_55 = arith.constant 0 : i32
      %scan3A_56 = arith.constant 5 : i32
      %scan3A_57 = arith.addi %scan3A_55, %scan3A_56 : i32
      %scan3A_58 = arith.constant 1 : i32
      scf.for %scan3A_116 = %scan3A_55 to %scan3A_57 step %scan3A_58  : i32 {
        %mul3A_117 = arith.constant 16 : i32
        %mul3A_118 = arith.muli %scan3A_116, %mul3A_117 : i32
        %get3A_119 = arith.index_cast %mul3A_118 : i32 to index
        %get3A_120 = tpu.vector_load %arg12[%get3A_119] {strides = array<i32>} : memref<80xi32, #tpu.memory_space<vmem>>, vector<16xi32>,
        %get3A_121 = arith.index_cast %mul3A_118 : i32 to index
        %get3A_122 = tpu.vector_load %arg14[%get3A_121] {strides = array<i32>} : memref<80xi32, #tpu.memory_space<vmem>>, vector<16xi32>,
        %gather3A = tpu.vector_load_idx %arg9[%get3A_120] : memref<10240xf32, #tpu.memory_space<vmem>>[vector<16xi32>], vector<16xf32>,
        %gather3A_123 = tpu.vector_load_idx %arg10[%get3A_122] : memref<10240xf32, #tpu.memory_space<vmem>>[vector<16xi32>], vector<16xf32>,
        %add3A_124 = arith.addf %gather3A, %gather3A_123 : vector<16xf32>
        %gt3A = arith.constant 0.000000e+00 : f32
        %gt3A_125 = vector.broadcast %gt3A : f32 to vector<16xf32>
        %gt3A_126 = arith.cmpf ogt, %add3A_124, %gt3A_125 : vector<16xf32>
        %mul3A_127 = arith.constant 2.000000e-01 : f32
        %mul3A_128 = vector.broadcast %mul3A_127 : f32 to vector<16xf32>
        %mul3A_129 = arith.mulf %mul3A_128, %add3A_124 : vector<16xf32>
        %select_n3A = arith.select %gt3A_126, %add3A_124, %mul3A_129 : vector<16xi1>, vector<16xf32>
        %sub3A = arith.subf %select_n3A, %get3A_0 : vector<16xf32>
        %exp3A = math.exp %sub3A : vector<16xf32>
        %swap3A = arith.index_cast %mul3A_118 : i32 to index
        %swap3A_130 = tpu.vector_load %arg16[%swap3A] {strides = array<i32>} : memref<80xf32, #tpu.memory_space<vmem>>, vector<16xf32>,
        tpu.vector_store %arg16[%swap3A], %exp3A {strides = array<i32>} : memref<80xf32, #tpu.memory_space<vmem>>, vector<16xf32>,
        %add3A_131 = arith.addi %get3A_120, %broadcast_in_dim3A : vector<16xi32>
        %swap3A_132 = arith.index_cast %mul3A_118 : i32 to index
        %swap3A_133 = tpu.vector_load %arg12[%swap3A_132] {strides = array<i32>} : memref<80xi32, #tpu.memory_space<vmem>>, vector<16xi32>,
        tpu.vector_store %arg12[%swap3A_132], %add3A_131 {strides = array<i32>} : memref<80xi32, #tpu.memory_space<vmem>>, vector<16xi32>,
      }
      %scan3A_59 = arith.constant 5 : i32
      %dma_start3A_60 = arith.constant 0 : i32
      %dma_start3A_61 = arith.constant 0 : i32
      %dma_start3A_62 = tpu.memref_slice %arg7[%dma_start3A_60, %dma_start3A_61] : memref<20480x80xf32, #tpu.memory_space<hbm>> -> memref<20480x80xf32, #tpu.memory_space<hbm>>
      tpu.enqueue_indirect_dma source(%dma_start3A_62 : memref<20480x80xf32, #tpu.memory_space<hbm>>) target(%arg18 : memref<80x80xf32, #tpu.memory_space<vmem>>) offsets(%arg12 : memref<80xi32, #tpu.memory_space<vmem>>) semaphore(%arg24 : memref<!tpu.dma_semaphore, #tpu.memory_space<semaphore_mem>>)
      %add3A_63 = arith.constant 1 : i32
      %add3A_64 = arith.addi %add3A_46, %add3A_63 : i32
      %lt3A = arith.constant 250 : i32
      %lt3A_65 = arith.cmpi slt, %add3A_64, %lt3A : i32
      %convert_element_type3A = arith.extui %lt3A_65 : i1 to i32
      %cond3A = arith.constant 0 : i32
      %cond3A_66 = arith.cmpi ne, %convert_element_type3A, %cond3A : i32
      scf.if %cond3A_66 {
        %ge3A = arith.constant 1 : i32
        %ge3A_116 = arith.cmpi sge, %add3A_46, %ge3A : i32
        %convert_element_type3A_117 = arith.extui %ge3A_116 : i1 to i32
        %cond3A_118 = arith.constant 0 : i32
        %cond3A_119 = arith.cmpi ne, %convert_element_type3A_117, %cond3A_118 : i32
        scf.if %cond3A_119 {
          %dma_wait3A_127 = arith.constant 0 : i32
          %dma_wait3A_128 = arith.constant 0 : i32
          %dma_wait3A_129 = tpu.memref_slice %arg21[%dma_wait3A_127, %dma_wait3A_128] : memref<10240x80xf32, #tpu.memory_space<vmem_shared>> -> memref<10240x80xf32, #tpu.memory_space<vmem_shared>>
          tpu.wait_indirect_dma semaphore(%arg27 : memref<!tpu.dma_semaphore, #tpu.memory_space<semaphore_mem>>) src(%arg19 : memref<80x80xf32, #tpu.memory_space<vmem>>) dst(%dma_wait3A_129 : memref<10240x80xf32, #tpu.memory_space<vmem_shared>>)
        } else {
        }
        %mul3A_120 = arith.constant 80 : i32
        %mul3A_121 = arith.muli %add3A_64, %mul3A_120 : i32
        %add3A_122 = arith.addi %mul3A_18, %mul3A_121 : i32
        %dma_start3A_123 = tpu.memref_slice %arg2[%add3A_122] : memref<320000xi32, #tpu.memory_space<hbm>> -> memref<80xi32, #tpu.memory_space<hbm>>
        %dma_start3A_124 = tpu.memref_slice %arg2[%add3A_122] : memref<320000xi32, #tpu.memory_space<hbm>> -> memref<80xi32, #tpu.memory_space<hbm>>
        tpu.enqueue_dma source(%dma_start3A_124 : memref<80xi32, #tpu.memory_space<hbm>>) target(%arg13 : memref<80xi32, #tpu.memory_space<vmem>>) target_semaphore(%arg23 : memref<!tpu.dma_semaphore, #tpu.memory_space<semaphore_mem>>)
        %dma_start3A_125 = tpu.memref_slice %arg3[%add3A_122] : memref<320000xi32, #tpu.memory_space<hbm>> -> memref<80xi32, #tpu.memory_space<hbm>>
        %dma_start3A_126 = tpu.memref_slice %arg3[%add3A_122] : memref<320000xi32, #tpu.memory_space<hbm>> -> memref<80xi32, #tpu.memory_space<hbm>>
        tpu.enqueue_dma source(%dma_start3A_126 : memref<80xi32, #tpu.memory_space<hbm>>) target(%arg15 : memref<80xi32, #tpu.memory_space<vmem>>) target_semaphore(%arg23 : memref<!tpu.dma_semaphore, #tpu.memory_space<semaphore_mem>>)
      } else {
      }
      %dma_wait3A_67 = arith.constant 0 : i32
      %dma_wait3A_68 = arith.constant 0 : i32
      %dma_wait3A_69 = tpu.memref_slice %arg7[%dma_wait3A_67, %dma_wait3A_68] : memref<20480x80xf32, #tpu.memory_space<hbm>> -> memref<20480x80xf32, #tpu.memory_space<hbm>>
      tpu.wait_indirect_dma semaphore(%arg24 : memref<!tpu.dma_semaphore, #tpu.memory_space<semaphore_mem>>) src(%dma_wait3A_69 : memref<20480x80xf32, #tpu.memory_space<hbm>>) dst(%arg18 : memref<80x80xf32, #tpu.memory_space<vmem>>)
      %scan3A_70 = arith.constant 0 : i32
      %scan3A_71 = arith.constant 0 : i32
      %scan3A_72 = arith.constant 80 : i32
      %scan3A_73 = arith.addi %scan3A_71, %scan3A_72 : i32
      %scan3A_74 = arith.constant 1 : i32
      scf.for %scan3A_116 = %scan3A_71 to %scan3A_73 step %scan3A_74  : i32 {
        %broadcast_in_dim3A_117 = vector.broadcast %scan3A_116 : i32 to vector<16xi32>
        %gather3A = tpu.vector_load_idx %arg16[%broadcast_in_dim3A_117] : memref<80xf32, #tpu.memory_space<vmem>>[vector<16xi32>], vector<16xf32>,
        %get3A_118 = arith.index_cast %scan3A_116 : i32 to index
        %get3A_119 = arith.constant 0 : index
        %get3A_120 = tpu.vector_load %arg18[%get3A_118, %get3A_119] {strides = array<i32>} : memref<80x80xf32, #tpu.memory_space<vmem>>, vector<16xf32>,
        %mul3A_121 = arith.mulf %get3A_120, %gather3A : vector<16xf32>
        %swap3A = arith.index_cast %scan3A_116 : i32 to index
        %swap3A_122 = arith.constant 0 : index
        %swap3A_123 = tpu.vector_load %arg18[%swap3A, %swap3A_122] {strides = array<i32>} : memref<80x80xf32, #tpu.memory_space<vmem>>, vector<16xf32>,
        tpu.vector_store %arg18[%swap3A, %swap3A_122], %mul3A_121 {strides = array<i32>} : memref<80x80xf32, #tpu.memory_space<vmem>>, vector<16xf32>,
        %get3A_124 = arith.index_cast %scan3A_116 : i32 to index
        %get3A_125 = arith.constant 16 : index
        %get3A_126 = tpu.vector_load %arg18[%get3A_124, %get3A_125] {strides = array<i32>} : memref<80x80xf32, #tpu.memory_space<vmem>>, vector<16xf32>,
        %mul3A_127 = arith.mulf %get3A_126, %gather3A : vector<16xf32>
        %swap3A_128 = arith.index_cast %scan3A_116 : i32 to index
        %swap3A_129 = arith.constant 16 : index
        %swap3A_130 = tpu.vector_load %arg18[%swap3A_128, %swap3A_129] {strides = array<i32>} : memref<80x80xf32, #tpu.memory_space<vmem>>, vector<16xf32>,
        tpu.vector_store %arg18[%swap3A_128, %swap3A_129], %mul3A_127 {strides = array<i32>} : memref<80x80xf32, #tpu.memory_space<vmem>>, vector<16xf32>,
        %get3A_131 = arith.index_cast %scan3A_116 : i32 to index
        %get3A_132 = arith.constant 32 : index
        %get3A_133 = tpu.vector_load %arg18[%get3A_131, %get3A_132] {strides = array<i32>} : memref<80x80xf32, #tpu.memory_space<vmem>>, vector<16xf32>,
        %mul3A_134 = arith.mulf %get3A_133, %gather3A : vector<16xf32>
        %swap3A_135 = arith.index_cast %scan3A_116 : i32 to index
        %swap3A_136 = arith.constant 32 : index
        %swap3A_137 = tpu.vector_load %arg18[%swap3A_135, %swap3A_136] {strides = array<i32>} : memref<80x80xf32, #tpu.memory_space<vmem>>, vector<16xf32>,
        tpu.vector_store %arg18[%swap3A_135, %swap3A_136], %mul3A_134 {strides = array<i32>} : memref<80x80xf32, #tpu.memory_space<vmem>>, vector<16xf32>,
        %get3A_138 = arith.index_cast %scan3A_116 : i32 to index
        %get3A_139 = arith.constant 48 : index
        %get3A_140 = tpu.vector_load %arg18[%get3A_138, %get3A_139] {strides = array<i32>} : memref<80x80xf32, #tpu.memory_space<vmem>>, vector<16xf32>,
        %mul3A_141 = arith.mulf %get3A_140, %gather3A : vector<16xf32>
        %swap3A_142 = arith.index_cast %scan3A_116 : i32 to index
        %swap3A_143 = arith.constant 48 : index
        %swap3A_144 = tpu.vector_load %arg18[%swap3A_142, %swap3A_143] {strides = array<i32>} : memref<80x80xf32, #tpu.memory_space<vmem>>, vector<16xf32>,
        tpu.vector_store %arg18[%swap3A_142, %swap3A_143], %mul3A_141 {strides = array<i32>} : memref<80x80xf32, #tpu.memory_space<vmem>>, vector<16xf32>,
        %get3A_145 = arith.index_cast %scan3A_116 : i32 to index
        %get3A_146 = arith.constant 64 : index
        %get3A_147 = tpu.vector_load %arg18[%get3A_145, %get3A_146] {strides = array<i32>} : memref<80x80xf32, #tpu.memory_space<vmem>>, vector<16xf32>,
        %mul3A_148 = arith.mulf %get3A_147, %gather3A : vector<16xf32>
        %swap3A_149 = arith.index_cast %scan3A_116 : i32 to index
        %swap3A_150 = arith.constant 64 : index
        %swap3A_151 = tpu.vector_load %arg18[%swap3A_149, %swap3A_150] {strides = array<i32>} : memref<80x80xf32, #tpu.memory_space<vmem>>, vector<16xf32>,
        tpu.vector_store %arg18[%swap3A_149, %swap3A_150], %mul3A_148 {strides = array<i32>} : memref<80x80xf32, #tpu.memory_space<vmem>>, vector<16xf32>,
      }
      %scan3A_75 = arith.constant 80 : i32
      %dma_start3A_76 = arith.constant 0 : i32
      %dma_start3A_77 = arith.constant 0 : i32
      %dma_start3A_78 = tpu.memref_slice %arg21[%dma_start3A_76, %dma_start3A_77] : memref<10240x80xf32, #tpu.memory_space<vmem_shared>> -> memref<10240x80xf32, #tpu.memory_space<vmem_shared>>
      tpu.enqueue_indirect_dma source(%arg18 : memref<80x80xf32, #tpu.memory_space<vmem>>) target(%dma_start3A_78 : memref<10240x80xf32, #tpu.memory_space<vmem_shared>>) offsets(%arg14 : memref<80xi32, #tpu.memory_space<vmem>>) semaphore(%arg26 : memref<!tpu.dma_semaphore, #tpu.memory_space<semaphore_mem>>) {add = true}
      %add3A_79 = arith.constant 1 : i32
      %add3A_80 = arith.addi %add3A_44, %add3A_79 : i32
      %mul3A_81 = arith.constant 80 : i32
      %mul3A_82 = arith.muli %add3A_80, %mul3A_81 : i32
      %add3A_83 = arith.addi %mul3A_18, %mul3A_82 : i32
      %dma_wait3A_84 = tpu.memref_slice %arg2[%add3A_83] : memref<320000xi32, #tpu.memory_space<hbm>> -> memref<80xi32, #tpu.memory_space<hbm>>
      %dma_wait3A_85 = tpu.memref_slice %arg2[%add3A_83] : memref<320000xi32, #tpu.memory_space<hbm>> -> memref<80xi32, #tpu.memory_space<hbm>>
      tpu.wait_dma2 semaphore(%arg23 : memref<!tpu.dma_semaphore, #tpu.memory_space<semaphore_mem>>) src(%dma_wait3A_85 : memref<80xi32, #tpu.memory_space<hbm>>) dst(%arg13 : memref<80xi32, #tpu.memory_space<vmem>>)
      %dma_wait3A_86 = tpu.memref_slice %arg3[%add3A_83] : memref<320000xi32, #tpu.memory_space<hbm>> -> memref<80xi32, #tpu.memory_space<hbm>>
      %dma_wait3A_87 = tpu.memref_slice %arg3[%add3A_83] : memref<320000xi32, #tpu.memory_space<hbm>> -> memref<80xi32, #tpu.memory_space<hbm>>
      tpu.wait_dma2 semaphore(%arg23 : memref<!tpu.dma_semaphore, #tpu.memory_space<semaphore_mem>>) src(%dma_wait3A_87 : memref<80xi32, #tpu.memory_space<hbm>>) dst(%arg15 : memref<80xi32, #tpu.memory_space<vmem>>)
      %scan3A_88 = arith.constant 0 : i32
      %scan3A_89 = arith.constant 0 : i32
      %scan3A_90 = arith.constant 5 : i32
      %scan3A_91 = arith.addi %scan3A_89, %scan3A_90 : i32
      %scan3A_92 = arith.constant 1 : i32
      scf.for %scan3A_116 = %scan3A_89 to %scan3A_91 step %scan3A_92  : i32 {
        %mul3A_117 = arith.constant 16 : i32
        %mul3A_118 = arith.muli %scan3A_116, %mul3A_117 : i32
        %get3A_119 = arith.index_cast %mul3A_118 : i32 to index
        %get3A_120 = tpu.vector_load %arg13[%get3A_119] {strides = array<i32>} : memref<80xi32, #tpu.memory_space<vmem>>, vector<16xi32>,
        %get3A_121 = arith.index_cast %mul3A_118 : i32 to index
        %get3A_122 = tpu.vector_load %arg15[%get3A_121] {strides = array<i32>} : memref<80xi32, #tpu.memory_space<vmem>>, vector<16xi32>,
        %gather3A = tpu.vector_load_idx %arg9[%get3A_120] : memref<10240xf32, #tpu.memory_space<vmem>>[vector<16xi32>], vector<16xf32>,
        %gather3A_123 = tpu.vector_load_idx %arg10[%get3A_122] : memref<10240xf32, #tpu.memory_space<vmem>>[vector<16xi32>], vector<16xf32>,
        %add3A_124 = arith.addf %gather3A, %gather3A_123 : vector<16xf32>
        %gt3A = arith.constant 0.000000e+00 : f32
        %gt3A_125 = vector.broadcast %gt3A : f32 to vector<16xf32>
        %gt3A_126 = arith.cmpf ogt, %add3A_124, %gt3A_125 : vector<16xf32>
        %mul3A_127 = arith.constant 2.000000e-01 : f32
        %mul3A_128 = vector.broadcast %mul3A_127 : f32 to vector<16xf32>
        %mul3A_129 = arith.mulf %mul3A_128, %add3A_124 : vector<16xf32>
        %select_n3A = arith.select %gt3A_126, %add3A_124, %mul3A_129 : vector<16xi1>, vector<16xf32>
        %sub3A = arith.subf %select_n3A, %get3A_0 : vector<16xf32>
        %exp3A = math.exp %sub3A : vector<16xf32>
        %swap3A = arith.index_cast %mul3A_118 : i32 to index
        %swap3A_130 = tpu.vector_load %arg17[%swap3A] {strides = array<i32>} : memref<80xf32, #tpu.memory_space<vmem>>, vector<16xf32>,
        tpu.vector_store %arg17[%swap3A], %exp3A {strides = array<i32>} : memref<80xf32, #tpu.memory_space<vmem>>, vector<16xf32>,
        %add3A_131 = arith.addi %get3A_120, %broadcast_in_dim3A : vector<16xi32>
        %swap3A_132 = arith.index_cast %mul3A_118 : i32 to index
        %swap3A_133 = tpu.vector_load %arg13[%swap3A_132] {strides = array<i32>} : memref<80xi32, #tpu.memory_space<vmem>>, vector<16xi32>,
        tpu.vector_store %arg13[%swap3A_132], %add3A_131 {strides = array<i32>} : memref<80xi32, #tpu.memory_space<vmem>>, vector<16xi32>,
      }
      %scan3A_93 = arith.constant 5 : i32
      %dma_start3A_94 = arith.constant 0 : i32
      %dma_start3A_95 = arith.constant 0 : i32
      %dma_start3A_96 = tpu.memref_slice %arg7[%dma_start3A_94, %dma_start3A_95] : memref<20480x80xf32, #tpu.memory_space<hbm>> -> memref<20480x80xf32, #tpu.memory_space<hbm>>
      tpu.enqueue_indirect_dma source(%dma_start3A_96 : memref<20480x80xf32, #tpu.memory_space<hbm>>) target(%arg19 : memref<80x80xf32, #tpu.memory_space<vmem>>) offsets(%arg13 : memref<80xi32, #tpu.memory_space<vmem>>) semaphore(%arg25 : memref<!tpu.dma_semaphore, #tpu.memory_space<semaphore_mem>>)
      %add3A_97 = arith.constant 1 : i32
      %add3A_98 = arith.addi %add3A_80, %add3A_97 : i32
      %lt3A_99 = arith.constant 250 : i32
      %lt3A_100 = arith.cmpi slt, %add3A_98, %lt3A_99 : i32
      %convert_element_type3A_101 = arith.extui %lt3A_100 : i1 to i32
      %cond3A_102 = arith.constant 0 : i32
      %cond3A_103 = arith.cmpi ne, %convert_element_type3A_101, %cond3A_102 : i32
      scf.if %cond3A_103 {
        %ge3A = arith.constant 1 : i32
        %ge3A_116 = arith.cmpi sge, %add3A_80, %ge3A : i32
        %convert_element_type3A_117 = arith.extui %ge3A_116 : i1 to i32
        %cond3A_118 = arith.constant 0 : i32
        %cond3A_119 = arith.cmpi ne, %convert_element_type3A_117, %cond3A_118 : i32
        scf.if %cond3A_119 {
          %dma_wait3A_127 = arith.constant 0 : i32
          %dma_wait3A_128 = arith.constant 0 : i32
          %dma_wait3A_129 = tpu.memref_slice %arg21[%dma_wait3A_127, %dma_wait3A_128] : memref<10240x80xf32, #tpu.memory_space<vmem_shared>> -> memref<10240x80xf32, #tpu.memory_space<vmem_shared>>
          tpu.wait_indirect_dma semaphore(%arg26 : memref<!tpu.dma_semaphore, #tpu.memory_space<semaphore_mem>>) src(%arg18 : memref<80x80xf32, #tpu.memory_space<vmem>>) dst(%dma_wait3A_129 : memref<10240x80xf32, #tpu.memory_space<vmem_shared>>)
        } else {
        }
        %mul3A_120 = arith.constant 80 : i32
        %mul3A_121 = arith.muli %add3A_98, %mul3A_120 : i32
        %add3A_122 = arith.addi %mul3A_18, %mul3A_121 : i32
        %dma_start3A_123 = tpu.memref_slice %arg2[%add3A_122] : memref<320000xi32, #tpu.memory_space<hbm>> -> memref<80xi32, #tpu.memory_space<hbm>>
        %dma_start3A_124 = tpu.memref_slice %arg2[%add3A_122] : memref<320000xi32, #tpu.memory_space<hbm>> -> memref<80xi32, #tpu.memory_space<hbm>>
        tpu.enqueue_dma source(%dma_start3A_124 : memref<80xi32, #tpu.memory_space<hbm>>) target(%arg12 : memref<80xi32, #tpu.memory_space<vmem>>) target_semaphore(%arg22 : memref<!tpu.dma_semaphore, #tpu.memory_space<semaphore_mem>>)
        %dma_start3A_125 = tpu.memref_slice %arg3[%add3A_122] : memref<320000xi32, #tpu.memory_space<hbm>> -> memref<80xi32, #tpu.memory_space<hbm>>
        %dma_start3A_126 = tpu.memref_slice %arg3[%add3A_122] : memref<320000xi32, #tpu.memory_space<hbm>> -> memref<80xi32, #tpu.memory_space<hbm>>
        tpu.enqueue_dma source(%dma_start3A_126 : memref<80xi32, #tpu.memory_space<hbm>>) target(%arg14 : memref<80xi32, #tpu.memory_space<vmem>>) target_semaphore(%arg22 : memref<!tpu.dma_semaphore, #tpu.memory_space<semaphore_mem>>)
      } else {
      }
      %dma_wait3A_104 = arith.constant 0 : i32
      %dma_wait3A_105 = arith.constant 0 : i32
      %dma_wait3A_106 = tpu.memref_slice %arg7[%dma_wait3A_104, %dma_wait3A_105] : memref<20480x80xf32, #tpu.memory_space<hbm>> -> memref<20480x80xf32, #tpu.memory_space<hbm>>
      tpu.wait_indirect_dma semaphore(%arg25 : memref<!tpu.dma_semaphore, #tpu.memory_space<semaphore_mem>>) src(%dma_wait3A_106 : memref<20480x80xf32, #tpu.memory_space<hbm>>) dst(%arg19 : memref<80x80xf32, #tpu.memory_space<vmem>>)
      %scan3A_107 = arith.constant 0 : i32
      %scan3A_108 = arith.constant 0 : i32
      %scan3A_109 = arith.constant 80 : i32
      %scan3A_110 = arith.addi %scan3A_108, %scan3A_109 : i32
      %scan3A_111 = arith.constant 1 : i32
      scf.for %scan3A_116 = %scan3A_108 to %scan3A_110 step %scan3A_111  : i32 {
        %broadcast_in_dim3A_117 = vector.broadcast %scan3A_116 : i32 to vector<16xi32>
        %gather3A = tpu.vector_load_idx %arg17[%broadcast_in_dim3A_117] : memref<80xf32, #tpu.memory_space<vmem>>[vector<16xi32>], vector<16xf32>,
        %get3A_118 = arith.index_cast %scan3A_116 : i32 to index
        %get3A_119 = arith.constant 0 : index
        %get3A_120 = tpu.vector_load %arg19[%get3A_118, %get3A_119] {strides = array<i32>} : memref<80x80xf32, #tpu.memory_space<vmem>>, vector<16xf32>,
        %mul3A_121 = arith.mulf %get3A_120, %gather3A : vector<16xf32>
        %swap3A = arith.index_cast %scan3A_116 : i32 to index
        %swap3A_122 = arith.constant 0 : index
        %swap3A_123 = tpu.vector_load %arg19[%swap3A, %swap3A_122] {strides = array<i32>} : memref<80x80xf32, #tpu.memory_space<vmem>>, vector<16xf32>,
        tpu.vector_store %arg19[%swap3A, %swap3A_122], %mul3A_121 {strides = array<i32>} : memref<80x80xf32, #tpu.memory_space<vmem>>, vector<16xf32>,
        %get3A_124 = arith.index_cast %scan3A_116 : i32 to index
        %get3A_125 = arith.constant 16 : index
        %get3A_126 = tpu.vector_load %arg19[%get3A_124, %get3A_125] {strides = array<i32>} : memref<80x80xf32, #tpu.memory_space<vmem>>, vector<16xf32>,
        %mul3A_127 = arith.mulf %get3A_126, %gather3A : vector<16xf32>
        %swap3A_128 = arith.index_cast %scan3A_116 : i32 to index
        %swap3A_129 = arith.constant 16 : index
        %swap3A_130 = tpu.vector_load %arg19[%swap3A_128, %swap3A_129] {strides = array<i32>} : memref<80x80xf32, #tpu.memory_space<vmem>>, vector<16xf32>,
        tpu.vector_store %arg19[%swap3A_128, %swap3A_129], %mul3A_127 {strides = array<i32>} : memref<80x80xf32, #tpu.memory_space<vmem>>, vector<16xf32>,
        %get3A_131 = arith.index_cast %scan3A_116 : i32 to index
        %get3A_132 = arith.constant 32 : index
        %get3A_133 = tpu.vector_load %arg19[%get3A_131, %get3A_132] {strides = array<i32>} : memref<80x80xf32, #tpu.memory_space<vmem>>, vector<16xf32>,
        %mul3A_134 = arith.mulf %get3A_133, %gather3A : vector<16xf32>
        %swap3A_135 = arith.index_cast %scan3A_116 : i32 to index
        %swap3A_136 = arith.constant 32 : index
        %swap3A_137 = tpu.vector_load %arg19[%swap3A_135, %swap3A_136] {strides = array<i32>} : memref<80x80xf32, #tpu.memory_space<vmem>>, vector<16xf32>,
        tpu.vector_store %arg19[%swap3A_135, %swap3A_136], %mul3A_134 {strides = array<i32>} : memref<80x80xf32, #tpu.memory_space<vmem>>, vector<16xf32>,
        %get3A_138 = arith.index_cast %scan3A_116 : i32 to index
        %get3A_139 = arith.constant 48 : index
        %get3A_140 = tpu.vector_load %arg19[%get3A_138, %get3A_139] {strides = array<i32>} : memref<80x80xf32, #tpu.memory_space<vmem>>, vector<16xf32>,
        %mul3A_141 = arith.mulf %get3A_140, %gather3A : vector<16xf32>
        %swap3A_142 = arith.index_cast %scan3A_116 : i32 to index
        %swap3A_143 = arith.constant 48 : index
        %swap3A_144 = tpu.vector_load %arg19[%swap3A_142, %swap3A_143] {strides = array<i32>} : memref<80x80xf32, #tpu.memory_space<vmem>>, vector<16xf32>,
        tpu.vector_store %arg19[%swap3A_142, %swap3A_143], %mul3A_141 {strides = array<i32>} : memref<80x80xf32, #tpu.memory_space<vmem>>, vector<16xf32>,
        %get3A_145 = arith.index_cast %scan3A_116 : i32 to index
        %get3A_146 = arith.constant 64 : index
        %get3A_147 = tpu.vector_load %arg19[%get3A_145, %get3A_146] {strides = array<i32>} : memref<80x80xf32, #tpu.memory_space<vmem>>, vector<16xf32>,
        %mul3A_148 = arith.mulf %get3A_147, %gather3A : vector<16xf32>
        %swap3A_149 = arith.index_cast %scan3A_116 : i32 to index
        %swap3A_150 = arith.constant 64 : index
        %swap3A_151 = tpu.vector_load %arg19[%swap3A_149, %swap3A_150] {strides = array<i32>} : memref<80x80xf32, #tpu.memory_space<vmem>>, vector<16xf32>,
        tpu.vector_store %arg19[%swap3A_149, %swap3A_150], %mul3A_148 {strides = array<i32>} : memref<80x80xf32, #tpu.memory_space<vmem>>, vector<16xf32>,
      }
      %scan3A_112 = arith.constant 80 : i32
      %dma_start3A_113 = arith.constant 0 : i32
      %dma_start3A_114 = arith.constant 0 : i32
      %dma_start3A_115 = tpu.memref_slice %arg21[%dma_start3A_113, %dma_start3A_114] : memref<10240x80xf32, #tpu.memory_space<vmem_shared>> -> memref<10240x80xf32, #tpu.memory_space<vmem_shared>>
      tpu.enqueue_indirect_dma source(%arg19 : memref<80x80xf32, #tpu.memory_space<vmem>>) target(%dma_start3A_115 : memref<10240x80xf32, #tpu.memory_space<vmem_shared>>) offsets(%arg15 : memref<80xi32, #tpu.memory_space<vmem>>) semaphore(%arg27 : memref<!tpu.dma_semaphore, #tpu.memory_space<semaphore_mem>>) {add = true}
    }
    %scan3A_27 = arith.constant 125 : i32
    %dma_wait3A = arith.constant 0 : i32
    %dma_wait3A_28 = arith.constant 0 : i32
    %dma_wait3A_29 = tpu.memref_slice %arg21[%dma_wait3A, %dma_wait3A_28] : memref<10240x80xf32, #tpu.memory_space<vmem_shared>> -> memref<10240x80xf32, #tpu.memory_space<vmem_shared>>
    tpu.wait_indirect_dma semaphore(%arg26 : memref<!tpu.dma_semaphore, #tpu.memory_space<semaphore_mem>>) src(%arg18 : memref<80x80xf32, #tpu.memory_space<vmem>>) dst(%dma_wait3A_29 : memref<10240x80xf32, #tpu.memory_space<vmem_shared>>)
    %dma_wait3A_30 = arith.constant 0 : i32
    %dma_wait3A_31 = arith.constant 0 : i32
    %dma_wait3A_32 = tpu.memref_slice %arg21[%dma_wait3A_30, %dma_wait3A_31] : memref<10240x80xf32, #tpu.memory_space<vmem_shared>> -> memref<10240x80xf32, #tpu.memory_space<vmem_shared>>
    tpu.wait_indirect_dma semaphore(%arg27 : memref<!tpu.dma_semaphore, #tpu.memory_space<semaphore_mem>>) src(%arg19 : memref<80x80xf32, #tpu.memory_space<vmem>>) dst(%dma_wait3A_32 : memref<10240x80xf32, #tpu.memory_space<vmem_shared>>)
    %barrier3A_33 = arith.constant 0 : index
    tpu.barrier barrier_id(%barrier3A_33)
    %scan3A_34 = arith.constant 0 : i32
    %scan3A_35 = arith.constant 0 : i32
    %scan3A_36 = arith.constant 10 : i32
    %scan3A_37 = arith.addi %scan3A_35, %scan3A_36 : i32
    %scan3A_38 = arith.constant 1 : i32
    scf.for %scan3A_40 = %scan3A_35 to %scan3A_37 step %scan3A_38  : i32 {
      %mul3A_41 = arith.constant 64 : i32
      %mul3A_42 = arith.muli %scan3A_40, %mul3A_41 : i32
      %add3A_43 = arith.addi %mul3A_10, %mul3A_42 : i32
      %mul3A_44 = arith.constant 64 : i32
      %mul3A_45 = arith.muli %scan3A_40, %mul3A_44 : i32
      %add3A_46 = arith.addi %mul3A_10, %mul3A_45 : i32
      "tpu.region"() ({
        %run_scoped3A = tpu.sem_alloc : memref<!tpu.dma_semaphore, #tpu.memory_space<semaphore_mem>>
        %dma_start3A_47 = arith.constant 0 : i32
        %dma_start3A_48 = tpu.memref_slice %arg8[%arg0, %add3A_46, %dma_start3A_47] : memref<2x10240x80xf32, #tpu.memory_space<hbm>> -> memref<1x64x80xf32, #tpu.memory_space<hbm>>
        %dma_start3A_49 = tpu.memref_squeeze %dma_start3A_48 : memref<1x64x80xf32, #tpu.memory_space<hbm>> -> memref<64x80xf32, #tpu.memory_space<hbm>>
        %dma_start3A_50 = arith.constant 0 : i32
        %dma_start3A_51 = tpu.memref_slice %arg21[%add3A_43, %dma_start3A_50] : memref<10240x80xf32, #tpu.memory_space<vmem_shared>> -> memref<64x80xf32, #tpu.memory_space<vmem_shared>>
        tpu.enqueue_dma source(%dma_start3A_51 : memref<64x80xf32, #tpu.memory_space<vmem_shared>>) target(%dma_start3A_49 : memref<64x80xf32, #tpu.memory_space<hbm>>) target_semaphore(%run_scoped3A : memref<!tpu.dma_semaphore, #tpu.memory_space<semaphore_mem>>)
        %dma_wait3A_52 = arith.constant 0 : i32
        %dma_wait3A_53 = tpu.memref_slice %arg8[%arg0, %add3A_46, %dma_wait3A_52] : memref<2x10240x80xf32, #tpu.memory_space<hbm>> -> memref<1x64x80xf32, #tpu.memory_space<hbm>>
        %dma_wait3A_54 = tpu.memref_squeeze %dma_wait3A_53 : memref<1x64x80xf32, #tpu.memory_space<hbm>> -> memref<64x80xf32, #tpu.memory_space<hbm>>
        %dma_wait3A_55 = arith.constant 0 : i32
        %dma_wait3A_56 = tpu.memref_slice %arg21[%add3A_43, %dma_wait3A_55] : memref<10240x80xf32, #tpu.memory_space<vmem_shared>> -> memref<64x80xf32, #tpu.memory_space<vmem_shared>>
        tpu.wait_dma2 semaphore(%run_scoped3A : memref<!tpu.dma_semaphore, #tpu.memory_space<semaphore_mem>>) src(%dma_wait3A_56 : memref<64x80xf32, #tpu.memory_space<vmem_shared>>) dst(%dma_wait3A_54 : memref<64x80xf32, #tpu.memory_space<hbm>>)
        tpu.yield
      }) : () -> ()
    }
    %scan3A_39 = arith.constant 10 : i32
    return
  }
}

#map = affine_map<(d0, d1) -> (0)>
#map1 = affine_map<(d0, d1) -> (0, 0)>
#map2 = affine_map<(d0, d1) -> (0, 0, 0)>
module attributes {stable_mosaic.version = 14 : i64} {
  func.func @k(%arg0: i32, %arg1: i32, %arg2: memref<320000xi32, #tpu.memory_space<hbm>>, %arg3: memref<320000xi32, #tpu.memory_space<hbm>>, %arg4: memref<10240xf32, #tpu.memory_space<hbm>>, %arg5: memref<10240xf32, #tpu.memory_space<hbm>>, %arg6: memref<16xf32, #tpu.memory_space<hbm>>, %arg7: memref<20480x80xf32, #tpu.memory_space<hbm>>, %arg8: memref<2x10240x80xf32, #tpu.memory_space<hbm>>, %arg9: memref<10240xf32, #tpu.memory_space<vmem>>, %arg10: memref<10240xf32, #tpu.memory_space<vmem>>, %arg11: memref<16xf32, #tpu.memory_space<vmem>>, %arg12: memref<80xi32, #tpu.memory_space<vmem>>, %arg13: memref<80xi32, #tpu.memory_space<vmem>>, %arg14: memref<80xi32, #tpu.memory_space<vmem>>, %arg15: memref<80xi32, #tpu.memory_space<vmem>>, %arg16: memref<80xf32, #tpu.memory_space<vmem>>, %arg17: memref<80xf32, #tpu.memory_space<vmem>>, %arg18: memref<80x80xf32, #tpu.memory_space<vmem>>, %arg19: memref<80x80xf32, #tpu.memory_space<vmem>>, %arg20: memref<64x80xf32, #tpu.memory_space<vmem>>, %arg21: memref<10240x80xf32, #tpu.memory_space<vmem_shared>>, %arg22: memref<!tpu.dma_semaphore, #tpu.memory_space<semaphore_mem>>, %arg23: memref<!tpu.dma_semaphore, #tpu.memory_space<semaphore_mem>>, %arg24: memref<!tpu.dma_semaphore, #tpu.memory_space<semaphore_mem>>, %arg25: memref<!tpu.dma_semaphore, #tpu.memory_space<semaphore_mem>>, %arg26: memref<!tpu.dma_semaphore, #tpu.memory_space<semaphore_mem>>, %arg27: memref<!tpu.dma_semaphore, #tpu.memory_space<semaphore_mem>>) attributes {dimension_semantics = [#tpu.dimension_semantics<core_parallel>, #tpu.dimension_semantics<subcore_parallel>], iteration_bounds = array<i64: 2, 16>, scalar_prefetch = 0 : i64, scratch_operands = 19 : i64, tpu.core_type = #tpu.core_type<sc_vector_subcore>, window_params = [{transform_indices = #map}, {transform_indices = #map}, {transform_indices = #map}, {transform_indices = #map}, {transform_indices = #map}, {transform_indices = #map1}, {transform_indices = #map2}]} {
    "tpu.region"() ({
      %run_scoped3A = tpu.sem_alloc : memref<!tpu.dma_semaphore, #tpu.memory_space<semaphore_mem>>
      tpu.enqueue_dma source(%arg4 : memref<10240xf32, #tpu.memory_space<hbm>>) target(%arg9 : memref<10240xf32, #tpu.memory_space<vmem>>) target_semaphore(%run_scoped3A : memref<!tpu.dma_semaphore, #tpu.memory_space<semaphore_mem>>)
      tpu.wait_dma2 semaphore(%run_scoped3A : memref<!tpu.dma_semaphore, #tpu.memory_space<semaphore_mem>>) src(%arg4 : memref<10240xf32, #tpu.memory_space<hbm>>) dst(%arg9 : memref<10240xf32, #tpu.memory_space<vmem>>)
      tpu.yield
    }) : () -> ()
    "tpu.region"() ({
      %run_scoped3A = tpu.sem_alloc : memref<!tpu.dma_semaphore, #tpu.memory_space<semaphore_mem>>
      tpu.enqueue_dma source(%arg5 : memref<10240xf32, #tpu.memory_space<hbm>>) target(%arg10 : memref<10240xf32, #tpu.memory_space<vmem>>) target_semaphore(%run_scoped3A : memref<!tpu.dma_semaphore, #tpu.memory_space<semaphore_mem>>)
      tpu.wait_dma2 semaphore(%run_scoped3A : memref<!tpu.dma_semaphore, #tpu.memory_space<semaphore_mem>>) src(%arg5 : memref<10240xf32, #tpu.memory_space<hbm>>) dst(%arg10 : memref<10240xf32, #tpu.memory_space<vmem>>)
      tpu.yield
    }) : () -> ()
    "tpu.region"() ({
      %run_scoped3A = tpu.sem_alloc : memref<!tpu.dma_semaphore, #tpu.memory_space<semaphore_mem>>
      tpu.enqueue_dma source(%arg6 : memref<16xf32, #tpu.memory_space<hbm>>) target(%arg11 : memref<16xf32, #tpu.memory_space<vmem>>) target_semaphore(%run_scoped3A : memref<!tpu.dma_semaphore, #tpu.memory_space<semaphore_mem>>)
      tpu.wait_dma2 semaphore(%run_scoped3A : memref<!tpu.dma_semaphore, #tpu.memory_space<semaphore_mem>>) src(%arg6 : memref<16xf32, #tpu.memory_space<hbm>>) dst(%arg11 : memref<16xf32, #tpu.memory_space<vmem>>)
      tpu.yield
    }) : () -> ()
    %get3A = arith.constant 0 : index
    %get3A_0 = tpu.vector_load %arg11[%get3A] {strides = array<i32>} : memref<16xf32, #tpu.memory_space<vmem>>, vector<16xf32>,
    %mul3A = arith.constant 10240 : i32
    %mul3A_1 = arith.muli %arg0, %mul3A : i32
    %broadcast_in_dim3A = vector.broadcast %mul3A_1 : i32 to vector<16xi32>
    %broadcast_in_dim3A_2 = arith.constant 0.000000e+00 : f32
    %broadcast_in_dim3A_3 = vector.broadcast %broadcast_in_dim3A_2 : f32 to vector<16xf32>
    %scan3A = arith.constant 0 : i32
    %scan3A_4 = arith.constant 0 : i32
    %scan3A_5 = arith.constant 64 : i32
    %scan3A_6 = arith.addi %scan3A_4, %scan3A_5 : i32
    %scan3A_7 = arith.constant 1 : i32
    scf.for %scan3A_40 = %scan3A_4 to %scan3A_6 step %scan3A_7  : i32 {
      %swap3A = arith.index_cast %scan3A_40 : i32 to index
      %swap3A_41 = arith.constant 0 : index
      %swap3A_42 = tpu.vector_load %arg20[%swap3A, %swap3A_41] {strides = array<i32>} : memref<64x80xf32, #tpu.memory_space<vmem>>, vector<16xf32>,
      tpu.vector_store %arg20[%swap3A, %swap3A_41], %broadcast_in_dim3A_3 {strides = array<i32>} : memref<64x80xf32, #tpu.memory_space<vmem>>, vector<16xf32>,
      %swap3A_43 = arith.index_cast %scan3A_40 : i32 to index
      %swap3A_44 = arith.constant 16 : index
      %swap3A_45 = tpu.vector_load %arg20[%swap3A_43, %swap3A_44] {strides = array<i32>} : memref<64x80xf32, #tpu.memory_space<vmem>>, vector<16xf32>,
      tpu.vector_store %arg20[%swap3A_43, %swap3A_44], %broadcast_in_dim3A_3 {strides = array<i32>} : memref<64x80xf32, #tpu.memory_space<vmem>>, vector<16xf32>,
      %swap3A_46 = arith.index_cast %scan3A_40 : i32 to index
      %swap3A_47 = arith.constant 32 : index
      %swap3A_48 = tpu.vector_load %arg20[%swap3A_46, %swap3A_47] {strides = array<i32>} : memref<64x80xf32, #tpu.memory_space<vmem>>, vector<16xf32>,
      tpu.vector_store %arg20[%swap3A_46, %swap3A_47], %broadcast_in_dim3A_3 {strides = array<i32>} : memref<64x80xf32, #tpu.memory_space<vmem>>, vector<16xf32>,
      %swap3A_49 = arith.index_cast %scan3A_40 : i32 to index
      %swap3A_50 = arith.constant 48 : index
      %swap3A_51 = tpu.vector_load %arg20[%swap3A_49, %swap3A_50] {strides = array<i32>} : memref<64x80xf32, #tpu.memory_space<vmem>>, vector<16xf32>,
      tpu.vector_store %arg20[%swap3A_49, %swap3A_50], %broadcast_in_dim3A_3 {strides = array<i32>} : memref<64x80xf32, #tpu.memory_space<vmem>>, vector<16xf32>,
      %swap3A_52 = arith.index_cast %scan3A_40 : i32 to index
      %swap3A_53 = arith.constant 64 : index
      %swap3A_54 = tpu.vector_load %arg20[%swap3A_52, %swap3A_53] {strides = array<i32>} : memref<64x80xf32, #tpu.memory_space<vmem>>, vector<16xf32>,
      tpu.vector_store %arg20[%swap3A_52, %swap3A_53], %broadcast_in_dim3A_3 {strides = array<i32>} : memref<64x80xf32, #tpu.memory_space<vmem>>, vector<16xf32>,
    }
    %scan3A_8 = arith.constant 64 : i32
    %mul3A_9 = arith.constant 640 : i32
    %mul3A_10 = arith.muli %arg1, %mul3A_9 : i32
    %scan3A_11 = arith.constant 0 : i32
    %scan3A_12 = arith.constant 0 : i32
    %scan3A_13 = arith.constant 10 : i32
    %scan3A_14 = arith.addi %scan3A_12, %scan3A_13 : i32
    %scan3A_15 = arith.constant 1 : i32
    scf.for %scan3A_40 = %scan3A_12 to %scan3A_14 step %scan3A_15  : i32 {
      %mul3A_41 = arith.constant 64 : i32
      %mul3A_42 = arith.muli %scan3A_40, %mul3A_41 : i32
      %add3A_43 = arith.addi %mul3A_10, %mul3A_42 : i32
      "tpu.region"() ({
        %run_scoped3A = tpu.sem_alloc : memref<!tpu.dma_semaphore, #tpu.memory_space<semaphore_mem>>
        %dma_start3A_44 = arith.constant 0 : i32
        %dma_start3A_45 = tpu.memref_slice %arg21[%add3A_43, %dma_start3A_44] : memref<10240x80xf32, #tpu.memory_space<vmem_shared>> -> memref<64x80xf32, #tpu.memory_space<vmem_shared>>
        %dma_start3A_46 = arith.constant 0 : i32
        %dma_start3A_47 = tpu.memref_slice %arg21[%add3A_43, %dma_start3A_46] : memref<10240x80xf32, #tpu.memory_space<vmem_shared>> -> memref<64x80xf32, #tpu.memory_space<vmem_shared>>
        tpu.enqueue_dma source(%arg20 : memref<64x80xf32, #tpu.memory_space<vmem>>) target(%dma_start3A_47 : memref<64x80xf32, #tpu.memory_space<vmem_shared>>) target_semaphore(%run_scoped3A : memref<!tpu.dma_semaphore, #tpu.memory_space<semaphore_mem>>)
        %dma_wait3A_48 = arith.constant 0 : i32
        %dma_wait3A_49 = tpu.memref_slice %arg21[%add3A_43, %dma_wait3A_48] : memref<10240x80xf32, #tpu.memory_space<vmem_shared>> -> memref<64x80xf32, #tpu.memory_space<vmem_shared>>
        %dma_wait3A_50 = arith.constant 0 : i32
        %dma_wait3A_51 = tpu.memref_slice %arg21[%add3A_43, %dma_wait3A_50] : memref<10240x80xf32, #tpu.memory_space<vmem_shared>> -> memref<64x80xf32, #tpu.memory_space<vmem_shared>>
        tpu.wait_dma2 semaphore(%run_scoped3A : memref<!tpu.dma_semaphore, #tpu.memory_space<semaphore_mem>>) src(%arg20 : memref<64x80xf32, #tpu.memory_space<vmem>>) dst(%dma_wait3A_51 : memref<64x80xf32, #tpu.memory_space<vmem_shared>>)
        tpu.yield
      }) : () -> ()
    }
    %scan3A_16 = arith.constant 10 : i32
    %barrier3A = arith.constant 0 : index
    tpu.barrier barrier_id(%barrier3A)
    %mul3A_17 = arith.constant 20000 : i32
    %mul3A_18 = arith.muli %arg1, %mul3A_17 : i32
    %add3A = arith.constant 0 : i32
    %add3A_19 = arith.addi %mul3A_18, %add3A : i32
    %dma_start3A = tpu.memref_slice %arg2[%add3A_19] : memref<320000xi32, #tpu.memory_space<hbm>> -> memref<80xi32, #tpu.memory_space<hbm>>
    %dma_start3A_20 = tpu.memref_slice %arg2[%add3A_19] : memref<320000xi32, #tpu.memory_space<hbm>> -> memref<80xi32, #tpu.memory_space<hbm>>
    tpu.enqueue_dma source(%dma_start3A_20 : memref<80xi32, #tpu.memory_space<hbm>>) target(%arg12 : memref<80xi32, #tpu.memory_space<vmem>>) target_semaphore(%arg22 : memref<!tpu.dma_semaphore, #tpu.memory_space<semaphore_mem>>)
    %dma_start3A_21 = tpu.memref_slice %arg3[%add3A_19] : memref<320000xi32, #tpu.memory_space<hbm>> -> memref<80xi32, #tpu.memory_space<hbm>>
    %dma_start3A_22 = tpu.memref_slice %arg3[%add3A_19] : memref<320000xi32, #tpu.memory_space<hbm>> -> memref<80xi32, #tpu.memory_space<hbm>>
    tpu.enqueue_dma source(%dma_start3A_22 : memref<80xi32, #tpu.memory_space<hbm>>) target(%arg14 : memref<80xi32, #tpu.memory_space<vmem>>) target_semaphore(%arg22 : memref<!tpu.dma_semaphore, #tpu.memory_space<semaphore_mem>>)
    %scan3A_23 = arith.constant 0 : i32
    %scan3A_24 = arith.constant 125 : i32
    %scan3A_25 = arith.addi %scan3A_23, %scan3A_24 : i32
    %scan3A_26 = arith.constant 1 : i32
    scf.for %scan3A_40 = %scan3A_23 to %scan3A_25 step %scan3A_26  : i32 {
      %mul3A_41 = arith.constant 2 : i32
      %mul3A_42 = arith.muli %scan3A_40, %mul3A_41 : i32
      %add3A_43 = arith.constant 0 : i32
      %add3A_44 = arith.addi %add3A_43, %mul3A_42 : i32
      %add3A_45 = arith.constant 0 : i32
      %add3A_46 = arith.addi %add3A_44, %add3A_45 : i32
      %mul3A_47 = arith.constant 80 : i32
      %mul3A_48 = arith.muli %add3A_46, %mul3A_47 : i32
      %add3A_49 = arith.addi %mul3A_18, %mul3A_48 : i32
      %dma_wait3A_50 = tpu.memref_slice %arg2[%add3A_49] : memref<320000xi32, #tpu.memory_space<hbm>> -> memref<80xi32, #tpu.memory_space<hbm>>
      %dma_wait3A_51 = tpu.memref_slice %arg2[%add3A_49] : memref<320000xi32, #tpu.memory_space<hbm>> -> memref<80xi32, #tpu.memory_space<hbm>>
      tpu.wait_dma2 semaphore(%arg22 : memref<!tpu.dma_semaphore, #tpu.memory_space<semaphore_mem>>) src(%dma_wait3A_51 : memref<80xi32, #tpu.memory_space<hbm>>) dst(%arg12 : memref<80xi32, #tpu.memory_space<vmem>>)
      %dma_wait3A_52 = tpu.memref_slice %arg3[%add3A_49] : memref<320000xi32, #tpu.memory_space<hbm>> -> memref<80xi32, #tpu.memory_space<hbm>>
      %dma_wait3A_53 = tpu.memref_slice %arg3[%add3A_49] : memref<320000xi32, #tpu.memory_space<hbm>> -> memref<80xi32, #tpu.memory_space<hbm>>
      tpu.wait_dma2 semaphore(%arg22 : memref<!tpu.dma_semaphore, #tpu.memory_space<semaphore_mem>>) src(%dma_wait3A_53 : memref<80xi32, #tpu.memory_space<hbm>>) dst(%arg14 : memref<80xi32, #tpu.memory_space<vmem>>)
      %scan3A_54 = arith.constant 0 : i32
      %scan3A_55 = arith.constant 0 : i32
      %scan3A_56 = arith.constant 5 : i32
      %scan3A_57 = arith.addi %scan3A_55, %scan3A_56 : i32
      %scan3A_58 = arith.constant 1 : i32
      scf.for %scan3A_116 = %scan3A_55 to %scan3A_57 step %scan3A_58  : i32 {
        %mul3A_117 = arith.constant 16 : i32
        %mul3A_118 = arith.muli %scan3A_116, %mul3A_117 : i32
        %get3A_119 = arith.index_cast %mul3A_118 : i32 to index
        %get3A_120 = tpu.vector_load %arg12[%get3A_119] {strides = array<i32>} : memref<80xi32, #tpu.memory_space<vmem>>, vector<16xi32>,
        %get3A_121 = arith.index_cast %mul3A_118 : i32 to index
        %get3A_122 = tpu.vector_load %arg14[%get3A_121] {strides = array<i32>} : memref<80xi32, #tpu.memory_space<vmem>>, vector<16xi32>,
        %gather3A = tpu.vector_load_idx %arg9[%get3A_120] : memref<10240xf32, #tpu.memory_space<vmem>>[vector<16xi32>], vector<16xf32>,
        %gather3A_123 = tpu.vector_load_idx %arg10[%get3A_122] : memref<10240xf32, #tpu.memory_space<vmem>>[vector<16xi32>], vector<16xf32>,
        %add3A_124 = arith.addf %gather3A, %gather3A_123 : vector<16xf32>
        %gt3A = arith.constant 0.000000e+00 : f32
        %gt3A_125 = vector.broadcast %gt3A : f32 to vector<16xf32>
        %gt3A_126 = arith.cmpf ogt, %add3A_124, %gt3A_125 : vector<16xf32>
        %mul3A_127 = arith.constant 2.000000e-01 : f32
        %mul3A_128 = vector.broadcast %mul3A_127 : f32 to vector<16xf32>
        %mul3A_129 = arith.mulf %mul3A_128, %add3A_124 : vector<16xf32>
        %select_n3A = arith.select %gt3A_126, %add3A_124, %mul3A_129 : vector<16xi1>, vector<16xf32>
        %sub3A = arith.subf %select_n3A, %get3A_0 : vector<16xf32>
        %exp3A = math.exp %sub3A : vector<16xf32>
        %swap3A = arith.index_cast %mul3A_118 : i32 to index
        %swap3A_130 = tpu.vector_load %arg16[%swap3A] {strides = array<i32>} : memref<80xf32, #tpu.memory_space<vmem>>, vector<16xf32>,
        tpu.vector_store %arg16[%swap3A], %exp3A {strides = array<i32>} : memref<80xf32, #tpu.memory_space<vmem>>, vector<16xf32>,
        %add3A_131 = arith.addi %get3A_120, %broadcast_in_dim3A : vector<16xi32>
        %swap3A_132 = arith.index_cast %mul3A_118 : i32 to index
        %swap3A_133 = tpu.vector_load %arg12[%swap3A_132] {strides = array<i32>} : memref<80xi32, #tpu.memory_space<vmem>>, vector<16xi32>,
        tpu.vector_store %arg12[%swap3A_132], %add3A_131 {strides = array<i32>} : memref<80xi32, #tpu.memory_space<vmem>>, vector<16xi32>,
      }
      %scan3A_59 = arith.constant 5 : i32
      %dma_start3A_60 = arith.constant 0 : i32
      %dma_start3A_61 = arith.constant 0 : i32
      %dma_start3A_62 = tpu.memref_slice %arg7[%dma_start3A_60, %dma_start3A_61] : memref<20480x80xf32, #tpu.memory_space<hbm>> -> memref<20480x80xf32, #tpu.memory_space<hbm>>
      tpu.enqueue_indirect_dma source(%dma_start3A_62 : memref<20480x80xf32, #tpu.memory_space<hbm>>) target(%arg18 : memref<80x80xf32, #tpu.memory_space<vmem>>) offsets(%arg12 : memref<80xi32, #tpu.memory_space<vmem>>) semaphore(%arg24 : memref<!tpu.dma_semaphore, #tpu.memory_space<semaphore_mem>>)
      %add3A_63 = arith.constant 1 : i32
      %add3A_64 = arith.addi %add3A_46, %add3A_63 : i32
      %lt3A = arith.constant 250 : i32
      %lt3A_65 = arith.cmpi slt, %add3A_64, %lt3A : i32
      %convert_element_type3A = arith.extui %lt3A_65 : i1 to i32
      %cond3A = arith.constant 0 : i32
      %cond3A_66 = arith.cmpi ne, %convert_element_type3A, %cond3A : i32
      scf.if %cond3A_66 {
        %ge3A = arith.constant 1 : i32
        %ge3A_116 = arith.cmpi sge, %add3A_46, %ge3A : i32
        %convert_element_type3A_117 = arith.extui %ge3A_116 : i1 to i32
        %cond3A_118 = arith.constant 0 : i32
        %cond3A_119 = arith.cmpi ne, %convert_element_type3A_117, %cond3A_118 : i32
        scf.if %cond3A_119 {
          %dma_wait3A_127 = arith.constant 0 : i32
          %dma_wait3A_128 = arith.constant 0 : i32
          %dma_wait3A_129 = tpu.memref_slice %arg21[%dma_wait3A_127, %dma_wait3A_128] : memref<10240x80xf32, #tpu.memory_space<vmem_shared>> -> memref<10240x80xf32, #tpu.memory_space<vmem_shared>>
          tpu.wait_indirect_dma semaphore(%arg27 : memref<!tpu.dma_semaphore, #tpu.memory_space<semaphore_mem>>) src(%arg19 : memref<80x80xf32, #tpu.memory_space<vmem>>) dst(%dma_wait3A_129 : memref<10240x80xf32, #tpu.memory_space<vmem_shared>>)
        } else {
        }
        %mul3A_120 = arith.constant 80 : i32
        %mul3A_121 = arith.muli %add3A_64, %mul3A_120 : i32
        %add3A_122 = arith.addi %mul3A_18, %mul3A_121 : i32
        %dma_start3A_123 = tpu.memref_slice %arg2[%add3A_122] : memref<320000xi32, #tpu.memory_space<hbm>> -> memref<80xi32, #tpu.memory_space<hbm>>
        %dma_start3A_124 = tpu.memref_slice %arg2[%add3A_122] : memref<320000xi32, #tpu.memory_space<hbm>> -> memref<80xi32, #tpu.memory_space<hbm>>
        tpu.enqueue_dma source(%dma_start3A_124 : memref<80xi32, #tpu.memory_space<hbm>>) target(%arg13 : memref<80xi32, #tpu.memory_space<vmem>>) target_semaphore(%arg23 : memref<!tpu.dma_semaphore, #tpu.memory_space<semaphore_mem>>)
        %dma_start3A_125 = tpu.memref_slice %arg3[%add3A_122] : memref<320000xi32, #tpu.memory_space<hbm>> -> memref<80xi32, #tpu.memory_space<hbm>>
        %dma_start3A_126 = tpu.memref_slice %arg3[%add3A_122] : memref<320000xi32, #tpu.memory_space<hbm>> -> memref<80xi32, #tpu.memory_space<hbm>>
        tpu.enqueue_dma source(%dma_start3A_126 : memref<80xi32, #tpu.memory_space<hbm>>) target(%arg15 : memref<80xi32, #tpu.memory_space<vmem>>) target_semaphore(%arg23 : memref<!tpu.dma_semaphore, #tpu.memory_space<semaphore_mem>>)
      } else {
      }
      %dma_wait3A_67 = arith.constant 0 : i32
      %dma_wait3A_68 = arith.constant 0 : i32
      %dma_wait3A_69 = tpu.memref_slice %arg7[%dma_wait3A_67, %dma_wait3A_68] : memref<20480x80xf32, #tpu.memory_space<hbm>> -> memref<20480x80xf32, #tpu.memory_space<hbm>>
      tpu.wait_indirect_dma semaphore(%arg24 : memref<!tpu.dma_semaphore, #tpu.memory_space<semaphore_mem>>) src(%dma_wait3A_69 : memref<20480x80xf32, #tpu.memory_space<hbm>>) dst(%arg18 : memref<80x80xf32, #tpu.memory_space<vmem>>)
      %scan3A_70 = arith.constant 0 : i32
      %scan3A_71 = arith.constant 0 : i32
      %scan3A_72 = arith.constant 80 : i32
      %scan3A_73 = arith.addi %scan3A_71, %scan3A_72 : i32
      %scan3A_74 = arith.constant 1 : i32
      scf.for %scan3A_116 = %scan3A_71 to %scan3A_73 step %scan3A_74  : i32 {
        %broadcast_in_dim3A_117 = vector.broadcast %scan3A_116 : i32 to vector<16xi32>
        %gather3A = tpu.vector_load_idx %arg16[%broadcast_in_dim3A_117] : memref<80xf32, #tpu.memory_space<vmem>>[vector<16xi32>], vector<16xf32>,
        %get3A_118 = arith.index_cast %scan3A_116 : i32 to index
        %get3A_119 = arith.constant 0 : index
        %get3A_120 = tpu.vector_load %arg18[%get3A_118, %get3A_119] {strides = array<i32>} : memref<80x80xf32, #tpu.memory_space<vmem>>, vector<16xf32>,
        %mul3A_121 = arith.mulf %get3A_120, %gather3A : vector<16xf32>
        %swap3A = arith.index_cast %scan3A_116 : i32 to index
        %swap3A_122 = arith.constant 0 : index
        %swap3A_123 = tpu.vector_load %arg18[%swap3A, %swap3A_122] {strides = array<i32>} : memref<80x80xf32, #tpu.memory_space<vmem>>, vector<16xf32>,
        tpu.vector_store %arg18[%swap3A, %swap3A_122], %mul3A_121 {strides = array<i32>} : memref<80x80xf32, #tpu.memory_space<vmem>>, vector<16xf32>,
        %get3A_124 = arith.index_cast %scan3A_116 : i32 to index
        %get3A_125 = arith.constant 16 : index
        %get3A_126 = tpu.vector_load %arg18[%get3A_124, %get3A_125] {strides = array<i32>} : memref<80x80xf32, #tpu.memory_space<vmem>>, vector<16xf32>,
        %mul3A_127 = arith.mulf %get3A_126, %gather3A : vector<16xf32>
        %swap3A_128 = arith.index_cast %scan3A_116 : i32 to index
        %swap3A_129 = arith.constant 16 : index
        %swap3A_130 = tpu.vector_load %arg18[%swap3A_128, %swap3A_129] {strides = array<i32>} : memref<80x80xf32, #tpu.memory_space<vmem>>, vector<16xf32>,
        tpu.vector_store %arg18[%swap3A_128, %swap3A_129], %mul3A_127 {strides = array<i32>} : memref<80x80xf32, #tpu.memory_space<vmem>>, vector<16xf32>,
        %get3A_131 = arith.index_cast %scan3A_116 : i32 to index
        %get3A_132 = arith.constant 32 : index
        %get3A_133 = tpu.vector_load %arg18[%get3A_131, %get3A_132] {strides = array<i32>} : memref<80x80xf32, #tpu.memory_space<vmem>>, vector<16xf32>,
        %mul3A_134 = arith.mulf %get3A_133, %gather3A : vector<16xf32>
        %swap3A_135 = arith.index_cast %scan3A_116 : i32 to index
        %swap3A_136 = arith.constant 32 : index
        %swap3A_137 = tpu.vector_load %arg18[%swap3A_135, %swap3A_136] {strides = array<i32>} : memref<80x80xf32, #tpu.memory_space<vmem>>, vector<16xf32>,
        tpu.vector_store %arg18[%swap3A_135, %swap3A_136], %mul3A_134 {strides = array<i32>} : memref<80x80xf32, #tpu.memory_space<vmem>>, vector<16xf32>,
        %get3A_138 = arith.index_cast %scan3A_116 : i32 to index
        %get3A_139 = arith.constant 48 : index
        %get3A_140 = tpu.vector_load %arg18[%get3A_138, %get3A_139] {strides = array<i32>} : memref<80x80xf32, #tpu.memory_space<vmem>>, vector<16xf32>,
        %mul3A_141 = arith.mulf %get3A_140, %gather3A : vector<16xf32>
        %swap3A_142 = arith.index_cast %scan3A_116 : i32 to index
        %swap3A_143 = arith.constant 48 : index
        %swap3A_144 = tpu.vector_load %arg18[%swap3A_142, %swap3A_143] {strides = array<i32>} : memref<80x80xf32, #tpu.memory_space<vmem>>, vector<16xf32>,
        tpu.vector_store %arg18[%swap3A_142, %swap3A_143], %mul3A_141 {strides = array<i32>} : memref<80x80xf32, #tpu.memory_space<vmem>>, vector<16xf32>,
        %get3A_145 = arith.index_cast %scan3A_116 : i32 to index
        %get3A_146 = arith.constant 64 : index
        %get3A_147 = tpu.vector_load %arg18[%get3A_145, %get3A_146] {strides = array<i32>} : memref<80x80xf32, #tpu.memory_space<vmem>>, vector<16xf32>,
        %mul3A_148 = arith.mulf %get3A_147, %gather3A : vector<16xf32>
        %swap3A_149 = arith.index_cast %scan3A_116 : i32 to index
        %swap3A_150 = arith.constant 64 : index
        %swap3A_151 = tpu.vector_load %arg18[%swap3A_149, %swap3A_150] {strides = array<i32>} : memref<80x80xf32, #tpu.memory_space<vmem>>, vector<16xf32>,
        tpu.vector_store %arg18[%swap3A_149, %swap3A_150], %mul3A_148 {strides = array<i32>} : memref<80x80xf32, #tpu.memory_space<vmem>>, vector<16xf32>,
      }
      %scan3A_75 = arith.constant 80 : i32
      %dma_start3A_76 = arith.constant 0 : i32
      %dma_start3A_77 = arith.constant 0 : i32
      %dma_start3A_78 = tpu.memref_slice %arg21[%dma_start3A_76, %dma_start3A_77] : memref<10240x80xf32, #tpu.memory_space<vmem_shared>> -> memref<10240x80xf32, #tpu.memory_space<vmem_shared>>
      tpu.enqueue_indirect_dma source(%arg18 : memref<80x80xf32, #tpu.memory_space<vmem>>) target(%dma_start3A_78 : memref<10240x80xf32, #tpu.memory_space<vmem_shared>>) offsets(%arg14 : memref<80xi32, #tpu.memory_space<vmem>>) semaphore(%arg26 : memref<!tpu.dma_semaphore, #tpu.memory_space<semaphore_mem>>) {add = true}
      %add3A_79 = arith.constant 1 : i32
      %add3A_80 = arith.addi %add3A_44, %add3A_79 : i32
      %mul3A_81 = arith.constant 80 : i32
      %mul3A_82 = arith.muli %add3A_80, %mul3A_81 : i32
      %add3A_83 = arith.addi %mul3A_18, %mul3A_82 : i32
      %dma_wait3A_84 = tpu.memref_slice %arg2[%add3A_83] : memref<320000xi32, #tpu.memory_space<hbm>> -> memref<80xi32, #tpu.memory_space<hbm>>
      %dma_wait3A_85 = tpu.memref_slice %arg2[%add3A_83] : memref<320000xi32, #tpu.memory_space<hbm>> -> memref<80xi32, #tpu.memory_space<hbm>>
      tpu.wait_dma2 semaphore(%arg23 : memref<!tpu.dma_semaphore, #tpu.memory_space<semaphore_mem>>) src(%dma_wait3A_85 : memref<80xi32, #tpu.memory_space<hbm>>) dst(%arg13 : memref<80xi32, #tpu.memory_space<vmem>>)
      %dma_wait3A_86 = tpu.memref_slice %arg3[%add3A_83] : memref<320000xi32, #tpu.memory_space<hbm>> -> memref<80xi32, #tpu.memory_space<hbm>>
      %dma_wait3A_87 = tpu.memref_slice %arg3[%add3A_83] : memref<320000xi32, #tpu.memory_space<hbm>> -> memref<80xi32, #tpu.memory_space<hbm>>
      tpu.wait_dma2 semaphore(%arg23 : memref<!tpu.dma_semaphore, #tpu.memory_space<semaphore_mem>>) src(%dma_wait3A_87 : memref<80xi32, #tpu.memory_space<hbm>>) dst(%arg15 : memref<80xi32, #tpu.memory_space<vmem>>)
      %scan3A_88 = arith.constant 0 : i32
      %scan3A_89 = arith.constant 0 : i32
      %scan3A_90 = arith.constant 5 : i32
      %scan3A_91 = arith.addi %scan3A_89, %scan3A_90 : i32
      %scan3A_92 = arith.constant 1 : i32
      scf.for %scan3A_116 = %scan3A_89 to %scan3A_91 step %scan3A_92  : i32 {
        %mul3A_117 = arith.constant 16 : i32
        %mul3A_118 = arith.muli %scan3A_116, %mul3A_117 : i32
        %get3A_119 = arith.index_cast %mul3A_118 : i32 to index
        %get3A_120 = tpu.vector_load %arg13[%get3A_119] {strides = array<i32>} : memref<80xi32, #tpu.memory_space<vmem>>, vector<16xi32>,
        %get3A_121 = arith.index_cast %mul3A_118 : i32 to index
        %get3A_122 = tpu.vector_load %arg15[%get3A_121] {strides = array<i32>} : memref<80xi32, #tpu.memory_space<vmem>>, vector<16xi32>,
        %gather3A = tpu.vector_load_idx %arg9[%get3A_120] : memref<10240xf32, #tpu.memory_space<vmem>>[vector<16xi32>], vector<16xf32>,
        %gather3A_123 = tpu.vector_load_idx %arg10[%get3A_122] : memref<10240xf32, #tpu.memory_space<vmem>>[vector<16xi32>], vector<16xf32>,
        %add3A_124 = arith.addf %gather3A, %gather3A_123 : vector<16xf32>
        %gt3A = arith.constant 0.000000e+00 : f32
        %gt3A_125 = vector.broadcast %gt3A : f32 to vector<16xf32>
        %gt3A_126 = arith.cmpf ogt, %add3A_124, %gt3A_125 : vector<16xf32>
        %mul3A_127 = arith.constant 2.000000e-01 : f32
        %mul3A_128 = vector.broadcast %mul3A_127 : f32 to vector<16xf32>
        %mul3A_129 = arith.mulf %mul3A_128, %add3A_124 : vector<16xf32>
        %select_n3A = arith.select %gt3A_126, %add3A_124, %mul3A_129 : vector<16xi1>, vector<16xf32>
        %sub3A = arith.subf %select_n3A, %get3A_0 : vector<16xf32>
        %exp3A = math.exp %sub3A : vector<16xf32>
        %swap3A = arith.index_cast %mul3A_118 : i32 to index
        %swap3A_130 = tpu.vector_load %arg17[%swap3A] {strides = array<i32>} : memref<80xf32, #tpu.memory_space<vmem>>, vector<16xf32>,
        tpu.vector_store %arg17[%swap3A], %exp3A {strides = array<i32>} : memref<80xf32, #tpu.memory_space<vmem>>, vector<16xf32>,
        %add3A_131 = arith.addi %get3A_120, %broadcast_in_dim3A : vector<16xi32>
        %swap3A_132 = arith.index_cast %mul3A_118 : i32 to index
        %swap3A_133 = tpu.vector_load %arg13[%swap3A_132] {strides = array<i32>} : memref<80xi32, #tpu.memory_space<vmem>>, vector<16xi32>,
        tpu.vector_store %arg13[%swap3A_132], %add3A_131 {strides = array<i32>} : memref<80xi32, #tpu.memory_space<vmem>>, vector<16xi32>,
      }
      %scan3A_93 = arith.constant 5 : i32
      %dma_start3A_94 = arith.constant 0 : i32
      %dma_start3A_95 = arith.constant 0 : i32
      %dma_start3A_96 = tpu.memref_slice %arg7[%dma_start3A_94, %dma_start3A_95] : memref<20480x80xf32, #tpu.memory_space<hbm>> -> memref<20480x80xf32, #tpu.memory_space<hbm>>
      tpu.enqueue_indirect_dma source(%dma_start3A_96 : memref<20480x80xf32, #tpu.memory_space<hbm>>) target(%arg19 : memref<80x80xf32, #tpu.memory_space<vmem>>) offsets(%arg13 : memref<80xi32, #tpu.memory_space<vmem>>) semaphore(%arg25 : memref<!tpu.dma_semaphore, #tpu.memory_space<semaphore_mem>>)
      %add3A_97 = arith.constant 1 : i32
      %add3A_98 = arith.addi %add3A_80, %add3A_97 : i32
      %lt3A_99 = arith.constant 250 : i32
      %lt3A_100 = arith.cmpi slt, %add3A_98, %lt3A_99 : i32
      %convert_element_type3A_101 = arith.extui %lt3A_100 : i1 to i32
      %cond3A_102 = arith.constant 0 : i32
      %cond3A_103 = arith.cmpi ne, %convert_element_type3A_101, %cond3A_102 : i32
      scf.if %cond3A_103 {
        %ge3A = arith.constant 1 : i32
        %ge3A_116 = arith.cmpi sge, %add3A_80, %ge3A : i32
        %convert_element_type3A_117 = arith.extui %ge3A_116 : i1 to i32
        %cond3A_118 = arith.constant 0 : i32
        %cond3A_119 = arith.cmpi ne, %convert_element_type3A_117, %cond3A_118 : i32
        scf.if %cond3A_119 {
          %dma_wait3A_127 = arith.constant 0 : i32
          %dma_wait3A_128 = arith.constant 0 : i32
          %dma_wait3A_129 = tpu.memref_slice %arg21[%dma_wait3A_127, %dma_wait3A_128] : memref<10240x80xf32, #tpu.memory_space<vmem_shared>> -> memref<10240x80xf32, #tpu.memory_space<vmem_shared>>
          tpu.wait_indirect_dma semaphore(%arg26 : memref<!tpu.dma_semaphore, #tpu.memory_space<semaphore_mem>>) src(%arg18 : memref<80x80xf32, #tpu.memory_space<vmem>>) dst(%dma_wait3A_129 : memref<10240x80xf32, #tpu.memory_space<vmem_shared>>)
        } else {
        }
        %mul3A_120 = arith.constant 80 : i32
        %mul3A_121 = arith.muli %add3A_98, %mul3A_120 : i32
        %add3A_122 = arith.addi %mul3A_18, %mul3A_121 : i32
        %dma_start3A_123 = tpu.memref_slice %arg2[%add3A_122] : memref<320000xi32, #tpu.memory_space<hbm>> -> memref<80xi32, #tpu.memory_space<hbm>>
        %dma_start3A_124 = tpu.memref_slice %arg2[%add3A_122] : memref<320000xi32, #tpu.memory_space<hbm>> -> memref<80xi32, #tpu.memory_space<hbm>>
        tpu.enqueue_dma source(%dma_start3A_124 : memref<80xi32, #tpu.memory_space<hbm>>) target(%arg12 : memref<80xi32, #tpu.memory_space<vmem>>) target_semaphore(%arg22 : memref<!tpu.dma_semaphore, #tpu.memory_space<semaphore_mem>>)
        %dma_start3A_125 = tpu.memref_slice %arg3[%add3A_122] : memref<320000xi32, #tpu.memory_space<hbm>> -> memref<80xi32, #tpu.memory_space<hbm>>
        %dma_start3A_126 = tpu.memref_slice %arg3[%add3A_122] : memref<320000xi32, #tpu.memory_space<hbm>> -> memref<80xi32, #tpu.memory_space<hbm>>
        tpu.enqueue_dma source(%dma_start3A_126 : memref<80xi32, #tpu.memory_space<hbm>>) target(%arg14 : memref<80xi32, #tpu.memory_space<vmem>>) target_semaphore(%arg22 : memref<!tpu.dma_semaphore, #tpu.memory_space<semaphore_mem>>)
      } else {
      }
      %dma_wait3A_104 = arith.constant 0 : i32
      %dma_wait3A_105 = arith.constant 0 : i32
      %dma_wait3A_106 = tpu.memref_slice %arg7[%dma_wait3A_104, %dma_wait3A_105] : memref<20480x80xf32, #tpu.memory_space<hbm>> -> memref<20480x80xf32, #tpu.memory_space<hbm>>
      tpu.wait_indirect_dma semaphore(%arg25 : memref<!tpu.dma_semaphore, #tpu.memory_space<semaphore_mem>>) src(%dma_wait3A_106 : memref<20480x80xf32, #tpu.memory_space<hbm>>) dst(%arg19 : memref<80x80xf32, #tpu.memory_space<vmem>>)
      %scan3A_107 = arith.constant 0 : i32
      %scan3A_108 = arith.constant 0 : i32
      %scan3A_109 = arith.constant 80 : i32
      %scan3A_110 = arith.addi %scan3A_108, %scan3A_109 : i32
      %scan3A_111 = arith.constant 1 : i32
      scf.for %scan3A_116 = %scan3A_108 to %scan3A_110 step %scan3A_111  : i32 {
        %broadcast_in_dim3A_117 = vector.broadcast %scan3A_116 : i32 to vector<16xi32>
        %gather3A = tpu.vector_load_idx %arg17[%broadcast_in_dim3A_117] : memref<80xf32, #tpu.memory_space<vmem>>[vector<16xi32>], vector<16xf32>,
        %get3A_118 = arith.index_cast %scan3A_116 : i32 to index
        %get3A_119 = arith.constant 0 : index
        %get3A_120 = tpu.vector_load %arg19[%get3A_118, %get3A_119] {strides = array<i32>} : memref<80x80xf32, #tpu.memory_space<vmem>>, vector<16xf32>,
        %mul3A_121 = arith.mulf %get3A_120, %gather3A : vector<16xf32>
        %swap3A = arith.index_cast %scan3A_116 : i32 to index
        %swap3A_122 = arith.constant 0 : index
        %swap3A_123 = tpu.vector_load %arg19[%swap3A, %swap3A_122] {strides = array<i32>} : memref<80x80xf32, #tpu.memory_space<vmem>>, vector<16xf32>,
        tpu.vector_store %arg19[%swap3A, %swap3A_122], %mul3A_121 {strides = array<i32>} : memref<80x80xf32, #tpu.memory_space<vmem>>, vector<16xf32>,
        %get3A_124 = arith.index_cast %scan3A_116 : i32 to index
        %get3A_125 = arith.constant 16 : index
        %get3A_126 = tpu.vector_load %arg19[%get3A_124, %get3A_125] {strides = array<i32>} : memref<80x80xf32, #tpu.memory_space<vmem>>, vector<16xf32>,
        %mul3A_127 = arith.mulf %get3A_126, %gather3A : vector<16xf32>
        %swap3A_128 = arith.index_cast %scan3A_116 : i32 to index
        %swap3A_129 = arith.constant 16 : index
        %swap3A_130 = tpu.vector_load %arg19[%swap3A_128, %swap3A_129] {strides = array<i32>} : memref<80x80xf32, #tpu.memory_space<vmem>>, vector<16xf32>,
        tpu.vector_store %arg19[%swap3A_128, %swap3A_129], %mul3A_127 {strides = array<i32>} : memref<80x80xf32, #tpu.memory_space<vmem>>, vector<16xf32>,
        %get3A_131 = arith.index_cast %scan3A_116 : i32 to index
        %get3A_132 = arith.constant 32 : index
        %get3A_133 = tpu.vector_load %arg19[%get3A_131, %get3A_132] {strides = array<i32>} : memref<80x80xf32, #tpu.memory_space<vmem>>, vector<16xf32>,
        %mul3A_134 = arith.mulf %get3A_133, %gather3A : vector<16xf32>
        %swap3A_135 = arith.index_cast %scan3A_116 : i32 to index
        %swap3A_136 = arith.constant 32 : index
        %swap3A_137 = tpu.vector_load %arg19[%swap3A_135, %swap3A_136] {strides = array<i32>} : memref<80x80xf32, #tpu.memory_space<vmem>>, vector<16xf32>,
        tpu.vector_store %arg19[%swap3A_135, %swap3A_136], %mul3A_134 {strides = array<i32>} : memref<80x80xf32, #tpu.memory_space<vmem>>, vector<16xf32>,
        %get3A_138 = arith.index_cast %scan3A_116 : i32 to index
        %get3A_139 = arith.constant 48 : index
        %get3A_140 = tpu.vector_load %arg19[%get3A_138, %get3A_139] {strides = array<i32>} : memref<80x80xf32, #tpu.memory_space<vmem>>, vector<16xf32>,
        %mul3A_141 = arith.mulf %get3A_140, %gather3A : vector<16xf32>
        %swap3A_142 = arith.index_cast %scan3A_116 : i32 to index
        %swap3A_143 = arith.constant 48 : index
        %swap3A_144 = tpu.vector_load %arg19[%swap3A_142, %swap3A_143] {strides = array<i32>} : memref<80x80xf32, #tpu.memory_space<vmem>>, vector<16xf32>,
        tpu.vector_store %arg19[%swap3A_142, %swap3A_143], %mul3A_141 {strides = array<i32>} : memref<80x80xf32, #tpu.memory_space<vmem>>, vector<16xf32>,
        %get3A_145 = arith.index_cast %scan3A_116 : i32 to index
        %get3A_146 = arith.constant 64 : index
        %get3A_147 = tpu.vector_load %arg19[%get3A_145, %get3A_146] {strides = array<i32>} : memref<80x80xf32, #tpu.memory_space<vmem>>, vector<16xf32>,
        %mul3A_148 = arith.mulf %get3A_147, %gather3A : vector<16xf32>
        %swap3A_149 = arith.index_cast %scan3A_116 : i32 to index
        %swap3A_150 = arith.constant 64 : index
        %swap3A_151 = tpu.vector_load %arg19[%swap3A_149, %swap3A_150] {strides = array<i32>} : memref<80x80xf32, #tpu.memory_space<vmem>>, vector<16xf32>,
        tpu.vector_store %arg19[%swap3A_149, %swap3A_150], %mul3A_148 {strides = array<i32>} : memref<80x80xf32, #tpu.memory_space<vmem>>, vector<16xf32>,
      }
      %scan3A_112 = arith.constant 80 : i32
      %dma_start3A_113 = arith.constant 0 : i32
      %dma_start3A_114 = arith.constant 0 : i32
      %dma_start3A_115 = tpu.memref_slice %arg21[%dma_start3A_113, %dma_start3A_114] : memref<10240x80xf32, #tpu.memory_space<vmem_shared>> -> memref<10240x80xf32, #tpu.memory_space<vmem_shared>>
      tpu.enqueue_indirect_dma source(%arg19 : memref<80x80xf32, #tpu.memory_space<vmem>>) target(%dma_start3A_115 : memref<10240x80xf32, #tpu.memory_space<vmem_shared>>) offsets(%arg15 : memref<80xi32, #tpu.memory_space<vmem>>) semaphore(%arg27 : memref<!tpu.dma_semaphore, #tpu.memory_space<semaphore_mem>>) {add = true}
    }
    %scan3A_27 = arith.constant 125 : i32
    %dma_wait3A = arith.constant 0 : i32
    %dma_wait3A_28 = arith.constant 0 : i32
    %dma_wait3A_29 = tpu.memref_slice %arg21[%dma_wait3A, %dma_wait3A_28] : memref<10240x80xf32, #tpu.memory_space<vmem_shared>> -> memref<10240x80xf32, #tpu.memory_space<vmem_shared>>
    tpu.wait_indirect_dma semaphore(%arg26 : memref<!tpu.dma_semaphore, #tpu.memory_space<semaphore_mem>>) src(%arg18 : memref<80x80xf32, #tpu.memory_space<vmem>>) dst(%dma_wait3A_29 : memref<10240x80xf32, #tpu.memory_space<vmem_shared>>)
    %dma_wait3A_30 = arith.constant 0 : i32
    %dma_wait3A_31 = arith.constant 0 : i32
    %dma_wait3A_32 = tpu.memref_slice %arg21[%dma_wait3A_30, %dma_wait3A_31] : memref<10240x80xf32, #tpu.memory_space<vmem_shared>> -> memref<10240x80xf32, #tpu.memory_space<vmem_shared>>
    tpu.wait_indirect_dma semaphore(%arg27 : memref<!tpu.dma_semaphore, #tpu.memory_space<semaphore_mem>>) src(%arg19 : memref<80x80xf32, #tpu.memory_space<vmem>>) dst(%dma_wait3A_32 : memref<10240x80xf32, #tpu.memory_space<vmem_shared>>)
    %barrier3A_33 = arith.constant 0 : index
    tpu.barrier barrier_id(%barrier3A_33)
    %scan3A_34 = arith.constant 0 : i32
    %scan3A_35 = arith.constant 0 : i32
    %scan3A_36 = arith.constant 10 : i32
    %scan3A_37 = arith.addi %scan3A_35, %scan3A_36 : i32
    %scan3A_38 = arith.constant 1 : i32
    scf.for %scan3A_40 = %scan3A_35 to %scan3A_37 step %scan3A_38  : i32 {
      %mul3A_41 = arith.constant 64 : i32
      %mul3A_42 = arith.muli %scan3A_40, %mul3A_41 : i32
      %add3A_43 = arith.addi %mul3A_10, %mul3A_42 : i32
      %mul3A_44 = arith.constant 64 : i32
      %mul3A_45 = arith.muli %scan3A_40, %mul3A_44 : i32
      %add3A_46 = arith.addi %mul3A_10, %mul3A_45 : i32
      "tpu.region"() ({
        %run_scoped3A = tpu.sem_alloc : memref<!tpu.dma_semaphore, #tpu.memory_space<semaphore_mem>>
        %dma_start3A_47 = arith.constant 0 : i32
        %dma_start3A_48 = tpu.memref_slice %arg8[%arg0, %add3A_46, %dma_start3A_47] : memref<2x10240x80xf32, #tpu.memory_space<hbm>> -> memref<1x64x80xf32, #tpu.memory_space<hbm>>
        %dma_start3A_49 = tpu.memref_squeeze %dma_start3A_48 : memref<1x64x80xf32, #tpu.memory_space<hbm>> -> memref<64x80xf32, #tpu.memory_space<hbm>>
        %dma_start3A_50 = arith.constant 0 : i32
        %dma_start3A_51 = tpu.memref_slice %arg21[%add3A_43, %dma_start3A_50] : memref<10240x80xf32, #tpu.memory_space<vmem_shared>> -> memref<64x80xf32, #tpu.memory_space<vmem_shared>>
        tpu.enqueue_dma source(%dma_start3A_51 : memref<64x80xf32, #tpu.memory_space<vmem_shared>>) target(%dma_start3A_49 : memref<64x80xf32, #tpu.memory_space<hbm>>) target_semaphore(%run_scoped3A : memref<!tpu.dma_semaphore, #tpu.memory_space<semaphore_mem>>)
        %dma_wait3A_52 = arith.constant 0 : i32
        %dma_wait3A_53 = tpu.memref_slice %arg8[%arg0, %add3A_46, %dma_wait3A_52] : memref<2x10240x80xf32, #tpu.memory_space<hbm>> -> memref<1x64x80xf32, #tpu.memory_space<hbm>>
        %dma_wait3A_54 = tpu.memref_squeeze %dma_wait3A_53 : memref<1x64x80xf32, #tpu.memory_space<hbm>> -> memref<64x80xf32, #tpu.memory_space<hbm>>
        %dma_wait3A_55 = arith.constant 0 : i32
        %dma_wait3A_56 = tpu.memref_slice %arg21[%add3A_43, %dma_wait3A_55] : memref<10240x80xf32, #tpu.memory_space<vmem_shared>> -> memref<64x80xf32, #tpu.memory_space<vmem_shared>>
        tpu.wait_dma2 semaphore(%run_scoped3A : memref<!tpu.dma_semaphore, #tpu.memory_space<semaphore_mem>>) src(%dma_wait3A_56 : memref<64x80xf32, #tpu.memory_space<vmem_shared>>) dst(%dma_wait3A_54 : memref<64x80xf32, #tpu.memory_space<hbm>>)
        tpu.yield
      }) : () -> ()
    }
    %scan3A_39 = arith.constant 10 : i32
    return
  }
}

module attributes {stable_mosaic.version = 14 : i64} {
  func.func @body(%arg0: i32, %arg1: memref<1024x128xf32, #tpu.memory_space<vmem>>, %arg2: memref<128x128xf32, #tpu.memory_space<vmem>>, %arg3: memref<128x128xf32, #tpu.memory_space<vmem>>, %arg4: memref<1x128xf32, #tpu.memory_space<vmem>>, %arg5: memref<1x128xf32, #tpu.memory_space<vmem>>, %arg6: memref<2x1024x80xf32, #tpu.memory_space<vmem>>, %arg7: memref<1024x1xf32, #tpu.memory_space<vmem>>, %arg8: memref<1024x1xf32, #tpu.memory_space<vmem>>, %arg9: memref<1x1xf32, #tpu.memory_space<vmem>>, %arg10: memref<1x1xf32, #tpu.memory_space<vmem>>) attributes {dimension_semantics = [#tpu.dimension_semantics<arbitrary>], iteration_bounds = array<i64: 10>, scalar_prefetch = 0 : i64, scratch_operands = 0 : i64, tpu.core_type = #tpu.core_type<tc>, window_params = [{transform_indices = @transform_0, window_bounds = array<i64: 1024, 128>}, {pipeline_mode = #tpu.pipeline_mode<synchronous>, transform_indices = @transform_1, window_bounds = array<i64: 128, 128>}, {pipeline_mode = #tpu.pipeline_mode<synchronous>, transform_indices = @transform_2, window_bounds = array<i64: 128, 128>}, {pipeline_mode = #tpu.pipeline_mode<synchronous>, transform_indices = @transform_3, window_bounds = array<i64: 1, 128>}, {pipeline_mode = #tpu.pipeline_mode<synchronous>, transform_indices = @transform_4, window_bounds = array<i64: 1, 128>}, {transform_indices = @transform_5, window_bounds = array<i64: 2, 1024, 80>}, {transform_indices = @transform_6, window_bounds = array<i64: 1024, 1>}, {transform_indices = @transform_7, window_bounds = array<i64: 1024, 1>}, {pipeline_mode = #tpu.pipeline_mode<synchronous>, transform_indices = @transform_8, window_bounds = array<i64: 1, 1>}, {pipeline_mode = #tpu.pipeline_mode<synchronous>, transform_indices = @transform_9, window_bounds = array<i64: 1, 1>}]} {
    %get3A = arith.constant 0 : index
    %get3A_0 = arith.constant 0 : index
    %get3A_1 = vector.load %arg1[%get3A, %get3A_0] : memref<1024x128xf32, #tpu.memory_space<vmem>>, vector<1024x128xf32>
    %get3A_2 = arith.constant 0 : index
    %get3A_3 = arith.constant 0 : index
    %get3A_4 = vector.load %arg2[%get3A_2, %get3A_3] : memref<128x128xf32, #tpu.memory_space<vmem>>, vector<128x128xf32>
    %dot_general3A = arith.constant dense<0.000000e+00> : vector<1024x128xf32>
    %dot_general3A_5 = tpu.matmul %get3A_1, %get3A_4, %dot_general3A {dimension_numbers = #tpu.dot_dimension_numbers<[1], [0], [0], [1], [0, 0, 1, 1], [], []>, transpose_lhs_hint = false} : vector<1024x128xf32>, vector<128x128xf32>, vector<1024x128xf32> -> vector<1024x128xf32>
    %add3A = arith.constant 0.000000e+00 : f32
    %add3A_6 = vector.broadcast %add3A : f32 to vector<1024x128xf32>
    %add3A_7 = arith.addf %add3A_6, %dot_general3A_5 : vector<1024x128xf32>
    %get3A_8 = arith.constant 0 : index
    %get3A_9 = arith.constant 0 : index
    %get3A_10 = vector.load %arg3[%get3A_8, %get3A_9] : memref<128x128xf32, #tpu.memory_space<vmem>>, vector<128x128xf32>
    %dot_general3A_11 = arith.constant dense<0.000000e+00> : vector<1024x128xf32>
    %dot_general3A_12 = tpu.matmul %get3A_1, %get3A_10, %dot_general3A_11 {dimension_numbers = #tpu.dot_dimension_numbers<[1], [0], [0], [1], [0, 0, 1, 1], [], []>, transpose_lhs_hint = false} : vector<1024x128xf32>, vector<128x128xf32>, vector<1024x128xf32> -> vector<1024x128xf32>
    %add3A_13 = arith.constant 0.000000e+00 : f32
    %add3A_14 = vector.broadcast %add3A_13 : f32 to vector<1024x128xf32>
    %add3A_15 = arith.addf %add3A_14, %dot_general3A_12 : vector<1024x128xf32>
    %get3A_16 = arith.constant 0 : index
    %get3A_17 = arith.constant 0 : index
    %get3A_18 = vector.load %arg4[%get3A_16, %get3A_17] : memref<1x128xf32, #tpu.memory_space<vmem>>, vector<1x128xf32>
    %mul3A = vector.broadcast %get3A_18 : vector<1x128xf32> to vector<1024x128xf32>
    %mul3A_19 = arith.mulf %add3A_7, %mul3A : vector<1024x128xf32>
    %reduce_sum3A = arith.constant dense<0.000000e+00> : vector<1024xf32>
    %reduce_sum3A_20 = vector.multi_reduction <add>, %mul3A_19, %reduce_sum3A [1] : vector<1024x128xf32> to vector<1024xf32>
    %broadcast_in_dim3A = vector.shape_cast %reduce_sum3A_20 : vector<1024xf32> to vector<1024x1xf32>
    %get3A_21 = arith.constant 0 : index
    %get3A_22 = arith.constant 0 : index
    %get3A_23 = vector.load %arg5[%get3A_21, %get3A_22] : memref<1x128xf32, #tpu.memory_space<vmem>>, vector<1x128xf32>
    %mul3A_24 = vector.broadcast %get3A_23 : vector<1x128xf32> to vector<1024x128xf32>
    %mul3A_25 = arith.mulf %add3A_15, %mul3A_24 : vector<1024x128xf32>
    %reduce_sum3A_26 = arith.constant dense<0.000000e+00> : vector<1024xf32>
    %reduce_sum3A_27 = vector.multi_reduction <add>, %mul3A_25, %reduce_sum3A_26 [1] : vector<1024x128xf32> to vector<1024xf32>
    %broadcast_in_dim3A_28 = vector.shape_cast %reduce_sum3A_27 : vector<1024xf32> to vector<1024x1xf32>
    %broadcast_in_dim3A_29 = arith.constant 1.000000e+00 : f32
    %broadcast_in_dim3A_30 = vector.broadcast %broadcast_in_dim3A_29 : f32 to vector<1024x1xf32>
    %broadcast_in_dim3A_31 = arith.constant 0.000000e+00 : f32
    %broadcast_in_dim3A_32 = vector.broadcast %broadcast_in_dim3A_31 : f32 to vector<1024x31xf32>
    %slice3A = vector.extract_strided_slice %add3A_7 {offsets = [0, 0], sizes = [1024, 80], strides = [1, 1]} : vector<1024x128xf32> to vector<1024x80xf32>
    %swap3A = arith.constant 0 : index
    %swap3A_33 = arith.constant 0 : index
    %swap3A_34 = arith.constant 0 : index
    %swap3A_35 = vector.load %arg6[%swap3A, %swap3A_33, %swap3A_34] : memref<2x1024x80xf32, #tpu.memory_space<vmem>>, vector<1x1024x80xf32>
    %swap3A_36 = vector.shape_cast %swap3A_35 : vector<1x1024x80xf32> to vector<1024x80xf32>
    %swap3A_37 = vector.shape_cast %slice3A : vector<1024x80xf32> to vector<1x1024x80xf32>
    tpu.vector_store %arg6[%swap3A, %swap3A_33, %swap3A_34], %swap3A_37 {strides = array<i32>} : memref<2x1024x80xf32, #tpu.memory_space<vmem>>, vector<1x1024x80xf32>,
    %slice3A_38 = vector.extract_strided_slice %add3A_7 {offsets = [0, 80], sizes = [1024, 48], strides = [1, 1]} : vector<1024x128xf32> to vector<1024x48xf32>
    %concatenate3A = tpu.concatenate %slice3A_38, %broadcast_in_dim3A_30, %broadcast_in_dim3A_32 in 1 : vector<1024x48xf32>, vector<1024x1xf32>, vector<1024x31xf32> -> vector<1024x80xf32>
    %swap3A_39 = arith.constant 1 : index
    %swap3A_40 = arith.constant 0 : index
    %swap3A_41 = arith.constant 0 : index
    %swap3A_42 = vector.load %arg6[%swap3A_39, %swap3A_40, %swap3A_41] : memref<2x1024x80xf32, #tpu.memory_space<vmem>>, vector<1x1024x80xf32>
    %swap3A_43 = vector.shape_cast %swap3A_42 : vector<1x1024x80xf32> to vector<1024x80xf32>
    %swap3A_44 = vector.shape_cast %concatenate3A : vector<1024x80xf32> to vector<1x1024x80xf32>
    tpu.vector_store %arg6[%swap3A_39, %swap3A_40, %swap3A_41], %swap3A_44 {strides = array<i32>} : memref<2x1024x80xf32, #tpu.memory_space<vmem>>, vector<1x1024x80xf32>,
    %swap3A_45 = arith.constant 0 : index
    %swap3A_46 = arith.constant 0 : index
    %swap3A_47 = vector.load %arg7[%swap3A_45, %swap3A_46] : memref<1024x1xf32, #tpu.memory_space<vmem>>, vector<1024x1xf32>
    tpu.vector_store %arg7[%swap3A_45, %swap3A_46], %broadcast_in_dim3A {strides = array<i32>} : memref<1024x1xf32, #tpu.memory_space<vmem>>, vector<1024x1xf32>,
    %swap3A_48 = arith.constant 0 : index
    %swap3A_49 = arith.constant 0 : index
    %swap3A_50 = vector.load %arg8[%swap3A_48, %swap3A_49] : memref<1024x1xf32, #tpu.memory_space<vmem>>, vector<1024x1xf32>
    tpu.vector_store %arg8[%swap3A_48, %swap3A_49], %broadcast_in_dim3A_28 {strides = array<i32>} : memref<1024x1xf32, #tpu.memory_space<vmem>>, vector<1024x1xf32>,
    %eq3A = arith.constant 0 : i32
    %eq3A_51 = arith.cmpi eq, %arg0, %eq3A : i32
    %convert_element_type3A = arith.extui %eq3A_51 : i1 to i32
    %cond3A = arith.constant 0 : i32
    %cond3A_52 = arith.cmpi ne, %convert_element_type3A, %cond3A : i32
    scf.if %cond3A_52 {
      %broadcast_in_dim3A_77 = arith.constant 0xFF800000 : f32
      %broadcast_in_dim3A_78 = vector.broadcast %broadcast_in_dim3A_77 : f32 to vector<1x1xf32>
      %swap3A_79 = arith.constant 0 : index
      %swap3A_80 = arith.constant 0 : index
      %swap3A_81 = vector.load %arg9[%swap3A_79, %swap3A_80] : memref<1x1xf32, #tpu.memory_space<vmem>>, vector<1x1xf32>
      tpu.vector_store %arg9[%swap3A_79, %swap3A_80], %broadcast_in_dim3A_78 {strides = array<i32>} : memref<1x1xf32, #tpu.memory_space<vmem>>, vector<1x1xf32>,
      %broadcast_in_dim3A_82 = arith.constant 0xFF800000 : f32
      %broadcast_in_dim3A_83 = vector.broadcast %broadcast_in_dim3A_82 : f32 to vector<1x1xf32>
      %swap3A_84 = arith.constant 0 : index
      %swap3A_85 = arith.constant 0 : index
      %swap3A_86 = vector.load %arg10[%swap3A_84, %swap3A_85] : memref<1x1xf32, #tpu.memory_space<vmem>>, vector<1x1xf32>
      tpu.vector_store %arg10[%swap3A_84, %swap3A_85], %broadcast_in_dim3A_83 {strides = array<i32>} : memref<1x1xf32, #tpu.memory_space<vmem>>, vector<1x1xf32>,
    } else {
    }
    %get3A_53 = arith.constant 0 : index
    %get3A_54 = arith.constant 0 : index
    %get3A_55 = vector.load %arg9[%get3A_53, %get3A_54] : memref<1x1xf32, #tpu.memory_space<vmem>>, vector<1x1xf32>
    %reduce_max3A = vector.shape_cast %broadcast_in_dim3A : vector<1024x1xf32> to vector<1x1024x1xf32>
    %reduce_max3A_56 = arith.constant dense<0xFF800000> : vector<1xf32>
    %reduce_max3A_57 = vector.multi_reduction <maximumf>, %reduce_max3A, %reduce_max3A_56 [1, 2] : vector<1x1024x1xf32> to vector<1xf32>
    %reduce_max3A_58 = vector.shape_cast %reduce_max3A_57 : vector<1xf32> to vector<1x1x1xf32>
    %reduce_max3A_59 = vector.extract %reduce_max3A_58[0, 0, 0] : f32 from vector<1x1x1xf32>
    %broadcast_in_dim3A_60 = vector.broadcast %reduce_max3A_59 : f32 to vector<1x1xf32>
    %max3A = arith.maximumf %get3A_55, %broadcast_in_dim3A_60 : vector<1x1xf32>
    %swap3A_61 = arith.constant 0 : index
    %swap3A_62 = arith.constant 0 : index
    %swap3A_63 = vector.load %arg9[%swap3A_61, %swap3A_62] : memref<1x1xf32, #tpu.memory_space<vmem>>, vector<1x1xf32>
    tpu.vector_store %arg9[%swap3A_61, %swap3A_62], %max3A {strides = array<i32>} : memref<1x1xf32, #tpu.memory_space<vmem>>, vector<1x1xf32>,
    %get3A_64 = arith.constant 0 : index
    %get3A_65 = arith.constant 0 : index
    %get3A_66 = vector.load %arg10[%get3A_64, %get3A_65] : memref<1x1xf32, #tpu.memory_space<vmem>>, vector<1x1xf32>
    %reduce_max3A_67 = vector.shape_cast %broadcast_in_dim3A_28 : vector<1024x1xf32> to vector<1x1024x1xf32>
    %reduce_max3A_68 = arith.constant dense<0xFF800000> : vector<1xf32>
    %reduce_max3A_69 = vector.multi_reduction <maximumf>, %reduce_max3A_67, %reduce_max3A_68 [1, 2] : vector<1x1024x1xf32> to vector<1xf32>
    %reduce_max3A_70 = vector.shape_cast %reduce_max3A_69 : vector<1xf32> to vector<1x1x1xf32>
    %reduce_max3A_71 = vector.extract %reduce_max3A_70[0, 0, 0] : f32 from vector<1x1x1xf32>
    %broadcast_in_dim3A_72 = vector.broadcast %reduce_max3A_71 : f32 to vector<1x1xf32>
    %max3A_73 = arith.maximumf %get3A_66, %broadcast_in_dim3A_72 : vector<1x1xf32>
    %swap3A_74 = arith.constant 0 : index
    %swap3A_75 = arith.constant 0 : index
    %swap3A_76 = vector.load %arg10[%swap3A_74, %swap3A_75] : memref<1x1xf32, #tpu.memory_space<vmem>>, vector<1x1xf32>
    tpu.vector_store %arg10[%swap3A_74, %swap3A_75], %max3A_73 {strides = array<i32>} : memref<1x1xf32, #tpu.memory_space<vmem>>, vector<1x1xf32>,
    return
  }
  func.func @transform_0(%arg0: i32) -> (i32, i32) {
    %c0_i32 = arith.constant 0 : i32
    %c0_i32_0 = arith.constant 0 : i32
    return %arg0, %c0_i32 : i32, i32
  }
  func.func @transform_1(%arg0: i32) -> (i32, i32) {
    %c0_i32 = arith.constant 0 : i32
    %c0_i32_0 = arith.constant 0 : i32
    %c0_i32_1 = arith.constant 0 : i32
    return %c0_i32, %c0_i32_0 : i32, i32
  }
  func.func @transform_2(%arg0: i32) -> (i32, i32) {
    %c0_i32 = arith.constant 0 : i32
    %c0_i32_0 = arith.constant 0 : i32
    %c0_i32_1 = arith.constant 0 : i32
    return %c0_i32, %c0_i32_0 : i32, i32
  }
  func.func @transform_3(%arg0: i32) -> (i32, i32) {
    %c0_i32 = arith.constant 0 : i32
    %c0_i32_0 = arith.constant 0 : i32
    %c0_i32_1 = arith.constant 0 : i32
    return %c0_i32, %c0_i32_0 : i32, i32
  }
  func.func @transform_4(%arg0: i32) -> (i32, i32) {
    %c0_i32 = arith.constant 0 : i32
    %c0_i32_0 = arith.constant 0 : i32
    %c0_i32_1 = arith.constant 0 : i32
    return %c0_i32, %c0_i32_0 : i32, i32
  }
  func.func @transform_5(%arg0: i32) -> (i32, i32, i32) {
    %c0_i32 = arith.constant 0 : i32
    %c0_i32_0 = arith.constant 0 : i32
    %c0_i32_1 = arith.constant 0 : i32
    return %c0_i32, %arg0, %c0_i32_0 : i32, i32, i32
  }
  func.func @transform_6(%arg0: i32) -> (i32, i32) {
    %c0_i32 = arith.constant 0 : i32
    %c0_i32_0 = arith.constant 0 : i32
    return %arg0, %c0_i32 : i32, i32
  }
  func.func @transform_7(%arg0: i32) -> (i32, i32) {
    %c0_i32 = arith.constant 0 : i32
    %c0_i32_0 = arith.constant 0 : i32
    return %arg0, %c0_i32 : i32, i32
  }
  func.func @transform_8(%arg0: i32) -> (i32, i32) {
    %c0_i32 = arith.constant 0 : i32
    %c0_i32_0 = arith.constant 0 : i32
    %c0_i32_1 = arith.constant 0 : i32
    return %c0_i32, %c0_i32_0 : i32, i32
  }
  func.func @transform_9(%arg0: i32) -> (i32, i32) {
    %c0_i32 = arith.constant 0 : i32
    %c0_i32_0 = arith.constant 0 : i32
    %c0_i32_1 = arith.constant 0 : i32
    return %c0_i32, %c0_i32_0 : i32, i32
  }
}

module attributes {stable_mosaic.version = 14 : i64} {
  func.func @body(%arg0: i32, %arg1: memref<2x1024x80xf32, #tpu.memory_space<vmem>>, %arg2: memref<2x1024x80xf32, #tpu.memory_space<vmem>>, %arg3: memref<1024x1xf32, #tpu.memory_space<vmem>>, %arg4: memref<1024x1xf32, #tpu.memory_space<vmem>>, %arg5: memref<1x1xf32, #tpu.memory_space<vmem>>, %arg6: memref<1x1xf32, #tpu.memory_space<vmem>>, %arg7: memref<1x80xf32, #tpu.memory_space<vmem>>, %arg8: memref<1x48xf32, #tpu.memory_space<vmem>>, %arg9: memref<128x128xf32, #tpu.memory_space<vmem>>, %arg10: memref<128x128xf32, #tpu.memory_space<vmem>>, %arg11: memref<1x128xf32, #tpu.memory_space<vmem>>, %arg12: memref<1x128xf32, #tpu.memory_space<vmem>>, %arg13: memref<2x1024x80xf32, #tpu.memory_space<vmem>>, %arg14: memref<1024x1xf32, #tpu.memory_space<vmem>>, %arg15: memref<1024x1xf32, #tpu.memory_space<vmem>>, %arg16: memref<1x1xf32, #tpu.memory_space<vmem>>, %arg17: memref<1x1xf32, #tpu.memory_space<vmem>>) attributes {dimension_semantics = [#tpu.dimension_semantics<arbitrary>], iteration_bounds = array<i64: 10>, scalar_prefetch = 0 : i64, scratch_operands = 0 : i64, tpu.core_type = #tpu.core_type<tc>, window_params = [{transform_indices = @transform_0, window_bounds = array<i64: 2, 1024, 80>}, {transform_indices = @transform_1, window_bounds = array<i64: 2, 1024, 80>}, {transform_indices = @transform_2, window_bounds = array<i64: 1024, 1>}, {transform_indices = @transform_3, window_bounds = array<i64: 1024, 1>}, {pipeline_mode = #tpu.pipeline_mode<synchronous>, transform_indices = @transform_4, window_bounds = array<i64: 1, 1>}, {pipeline_mode = #tpu.pipeline_mode<synchronous>, transform_indices = @transform_5, window_bounds = array<i64: 1, 1>}, {pipeline_mode = #tpu.pipeline_mode<synchronous>, transform_indices = @transform_6, window_bounds = array<i64: 1, 80>}, {pipeline_mode = #tpu.pipeline_mode<synchronous>, transform_indices = @transform_7, window_bounds = array<i64: 1, 48>}, {pipeline_mode = #tpu.pipeline_mode<synchronous>, transform_indices = @transform_8, window_bounds = array<i64: 128, 128>}, {pipeline_mode = #tpu.pipeline_mode<synchronous>, transform_indices = @transform_9, window_bounds = array<i64: 128, 128>}, {pipeline_mode = #tpu.pipeline_mode<synchronous>, transform_indices = @transform_10, window_bounds = array<i64: 1, 128>}, {pipeline_mode = #tpu.pipeline_mode<synchronous>, transform_indices = @transform_11, window_bounds = array<i64: 1, 128>}, {transform_indices = @transform_12, window_bounds = array<i64: 2, 1024, 80>}, {transform_indices = @transform_13, window_bounds = array<i64: 1024, 1>}, {transform_indices = @transform_14, window_bounds = array<i64: 1024, 1>}, {pipeline_mode = #tpu.pipeline_mode<synchronous>, transform_indices = @transform_15, window_bounds = array<i64: 1, 1>}, {pipeline_mode = #tpu.pipeline_mode<synchronous>, transform_indices = @transform_16, window_bounds = array<i64: 1, 1>}]} {
    %get3A = arith.constant 0 : index
    %get3A_0 = arith.constant 0 : index
    %get3A_1 = arith.constant 0 : index
    %get3A_2 = vector.load %arg1[%get3A, %get3A_0, %get3A_1] : memref<2x1024x80xf32, #tpu.memory_space<vmem>>, vector<1x1024x80xf32>
    %get3A_3 = vector.shape_cast %get3A_2 : vector<1x1024x80xf32> to vector<1024x80xf32>
    %get3A_4 = arith.constant 1 : index
    %get3A_5 = arith.constant 0 : index
    %get3A_6 = arith.constant 0 : index
    %get3A_7 = vector.load %arg1[%get3A_4, %get3A_5, %get3A_6] : memref<2x1024x80xf32, #tpu.memory_space<vmem>>, vector<1x1024x80xf32>
    %get3A_8 = vector.shape_cast %get3A_7 : vector<1x1024x80xf32> to vector<1024x80xf32>
    %iota3A = tpu.iota {dimensions = array<i32: 0>} : vector<80x1xi32>
    %eq3A = arith.constant 48 : i32
    %eq3A_9 = vector.broadcast %eq3A : i32 to vector<80x1xi32>
    %eq3A_10 = arith.cmpi eq, %iota3A, %eq3A_9 : vector<80x1xi32>
    %jit3A = arith.constant 1.000000e+00 : f32
    %jit3A_11 = arith.constant 0.000000e+00 : f32
    %broadcast_in_dim3A = vector.broadcast %jit3A : f32 to vector<80x1xf32>
    %broadcast_in_dim3A_12 = vector.broadcast %jit3A_11 : f32 to vector<80x1xf32>
    %select_n3A = arith.select %eq3A_10, %broadcast_in_dim3A, %broadcast_in_dim3A_12 : vector<80x1xi1>, vector<80x1xf32>
    %dot_general3A = arith.constant dense<0.000000e+00> : vector<1024x1xf32>
    %dot_general3A_13 = tpu.matmul %get3A_8, %select_n3A, %dot_general3A {dimension_numbers = #tpu.dot_dimension_numbers<[1], [0], [0], [1], [0, 0, 1, 1], [], []>, transpose_lhs_hint = false} : vector<1024x80xf32>, vector<80x1xf32>, vector<1024x1xf32> -> vector<1024x1xf32>
    %get3A_14 = arith.constant 0 : index
    %get3A_15 = arith.constant 0 : index
    %get3A_16 = vector.load %arg5[%get3A_14, %get3A_15] : memref<1x1xf32, #tpu.memory_space<vmem>>, vector<1x1xf32>
    %get3A_17 = arith.constant 0 : index
    %get3A_18 = arith.constant 0 : index
    %get3A_19 = vector.load %arg6[%get3A_17, %get3A_18] : memref<1x1xf32, #tpu.memory_space<vmem>>, vector<1x1xf32>
    %add3A = arith.addf %get3A_16, %get3A_19 : vector<1x1xf32>
    %max3A = arith.constant 0.000000e+00 : f32
    %max3A_20 = vector.broadcast %max3A : f32 to vector<1x1xf32>
    %max3A_21 = arith.maximumf %add3A, %max3A_20 : vector<1x1xf32>
    %get3A_22 = arith.constant 0 : index
    %get3A_23 = arith.constant 0 : index
    %get3A_24 = vector.load %arg3[%get3A_22, %get3A_23] : memref<1024x1xf32, #tpu.memory_space<vmem>>, vector<1024x1xf32>
    %get3A_25 = arith.constant 0 : index
    %get3A_26 = arith.constant 0 : index
    %get3A_27 = vector.load %arg4[%get3A_25, %get3A_26] : memref<1024x1xf32, #tpu.memory_space<vmem>>, vector<1024x1xf32>
    %add3A_28 = arith.addf %get3A_24, %get3A_27 : vector<1024x1xf32>
    %gt3A = arith.constant 0.000000e+00 : f32
    %gt3A_29 = vector.broadcast %gt3A : f32 to vector<1024x1xf32>
    %gt3A_30 = arith.cmpf ogt, %add3A_28, %gt3A_29 : vector<1024x1xf32>
    %mul3A = arith.constant 2.000000e-01 : f32
    %mul3A_31 = vector.broadcast %mul3A : f32 to vector<1024x1xf32>
    %mul3A_32 = arith.mulf %mul3A_31, %add3A_28 : vector<1024x1xf32>
    %select_n3A_33 = arith.select %gt3A_30, %add3A_28, %mul3A_32 : vector<1024x1xi1>, vector<1024x1xf32>
    %sub3A = vector.broadcast %max3A_21 : vector<1x1xf32> to vector<1024x1xf32>
    %sub3A_34 = arith.subf %select_n3A_33, %sub3A : vector<1024x1xf32>
    %exp3A = math.exp %sub3A_34 : vector<1024x1xf32>
    %get3A_35 = arith.constant 0 : index
    %get3A_36 = arith.constant 0 : index
    %get3A_37 = arith.constant 0 : index
    %get3A_38 = vector.load %arg2[%get3A_35, %get3A_36, %get3A_37] : memref<2x1024x80xf32, #tpu.memory_space<vmem>>, vector<1x1024x80xf32>
    %get3A_39 = vector.shape_cast %get3A_38 : vector<1x1024x80xf32> to vector<1024x80xf32>
    %mul3A_40 = vector.broadcast %exp3A : vector<1024x1xf32> to vector<1024x80xf32>
    %mul3A_41 = arith.mulf %mul3A_40, %get3A_39 : vector<1024x80xf32>
    %add3A_42 = arith.addf %get3A_3, %mul3A_41 : vector<1024x80xf32>
    %slice3A = vector.extract_strided_slice %get3A_8 {offsets = [0, 0], sizes = [1024, 48], strides = [1, 1]} : vector<1024x80xf32> to vector<1024x48xf32>
    %get3A_43 = arith.constant 1 : index
    %get3A_44 = arith.constant 0 : index
    %get3A_45 = arith.constant 0 : index
    %get3A_46 = vector.load %arg2[%get3A_43, %get3A_44, %get3A_45] : memref<2x1024x80xf32, #tpu.memory_space<vmem>>, vector<1x1024x80xf32>
    %get3A_47 = vector.shape_cast %get3A_46 : vector<1x1024x80xf32> to vector<1024x80xf32>
    %slice3A_48 = vector.extract_strided_slice %get3A_47 {offsets = [0, 0], sizes = [1024, 48], strides = [1, 1]} : vector<1024x80xf32> to vector<1024x48xf32>
    %mul3A_49 = vector.broadcast %exp3A : vector<1024x1xf32> to vector<1024x48xf32>
    %mul3A_50 = arith.mulf %mul3A_49, %slice3A_48 : vector<1024x48xf32>
    %add3A_51 = arith.addf %slice3A, %mul3A_50 : vector<1024x48xf32>
    %add3A_52 = arith.addf %dot_general3A_13, %exp3A : vector<1024x1xf32>
    %add3A_53 = arith.constant 1.000000e-16 : f32
    %add3A_54 = vector.broadcast %add3A_53 : f32 to vector<1024x1xf32>
    %add3A_55 = arith.addf %add3A_52, %add3A_54 : vector<1024x1xf32>
    %div3A = vector.broadcast %add3A_55 : vector<1024x1xf32> to vector<1024x80xf32>
    %div3A_56 = arith.divf %add3A_42, %div3A : vector<1024x80xf32>
    %get3A_57 = arith.constant 0 : index
    %get3A_58 = arith.constant 0 : index
    %get3A_59 = vector.load %arg7[%get3A_57, %get3A_58] : memref<1x80xf32, #tpu.memory_space<vmem>>, vector<1x80xf32>
    %add3A_60 = vector.broadcast %get3A_59 : vector<1x80xf32> to vector<1024x80xf32>
    %add3A_61 = arith.addf %div3A_56, %add3A_60 : vector<1024x80xf32>
    %max3A_62 = arith.constant 0.000000e+00 : f32
    %max3A_63 = vector.broadcast %max3A_62 : f32 to vector<1024x80xf32>
    %max3A_64 = arith.maximumf %add3A_61, %max3A_63 : vector<1024x80xf32>
    %div3A_65 = vector.broadcast %add3A_55 : vector<1024x1xf32> to vector<1024x48xf32>
    %div3A_66 = arith.divf %add3A_51, %div3A_65 : vector<1024x48xf32>
    %get3A_67 = arith.constant 0 : index
    %get3A_68 = arith.constant 0 : index
    %get3A_69 = vector.load %arg8[%get3A_67, %get3A_68] : memref<1x48xf32, #tpu.memory_space<vmem>>, vector<1x48xf32>
    %add3A_70 = vector.broadcast %get3A_69 : vector<1x48xf32> to vector<1024x48xf32>
    %add3A_71 = arith.addf %div3A_66, %add3A_70 : vector<1024x48xf32>
    %max3A_72 = arith.constant 0.000000e+00 : f32
    %max3A_73 = vector.broadcast %max3A_72 : f32 to vector<1024x48xf32>
    %max3A_74 = arith.maximumf %add3A_71, %max3A_73 : vector<1024x48xf32>
    %get3A_75 = arith.constant 0 : index
    %get3A_76 = arith.constant 0 : index
    %get3A_77 = vector.load %arg9[%get3A_75, %get3A_76] : memref<128x128xf32, #tpu.memory_space<vmem>>, vector<80x128xf32>
    %dot_general3A_78 = arith.constant dense<0.000000e+00> : vector<1024x128xf32>
    %dot_general3A_79 = tpu.matmul %max3A_64, %get3A_77, %dot_general3A_78 {dimension_numbers = #tpu.dot_dimension_numbers<[1], [0], [0], [1], [0, 0, 1, 1], [], []>, transpose_lhs_hint = false} : vector<1024x80xf32>, vector<80x128xf32>, vector<1024x128xf32> -> vector<1024x128xf32>
    %add3A_80 = arith.constant 0.000000e+00 : f32
    %add3A_81 = vector.broadcast %add3A_80 : f32 to vector<1024x128xf32>
    %add3A_82 = arith.addf %add3A_81, %dot_general3A_79 : vector<1024x128xf32>
    %get3A_83 = arith.constant 80 : index
    %get3A_84 = arith.constant 0 : index
    %get3A_85 = vector.load %arg9[%get3A_83, %get3A_84] : memref<128x128xf32, #tpu.memory_space<vmem>>, vector<48x128xf32>
    %dot_general3A_86 = arith.constant dense<0.000000e+00> : vector<1024x128xf32>
    %dot_general3A_87 = tpu.matmul %max3A_74, %get3A_85, %dot_general3A_86 {dimension_numbers = #tpu.dot_dimension_numbers<[1], [0], [0], [1], [0, 0, 1, 1], [], []>, transpose_lhs_hint = false} : vector<1024x48xf32>, vector<48x128xf32>, vector<1024x128xf32> -> vector<1024x128xf32>
    %add3A_88 = arith.addf %add3A_82, %dot_general3A_87 : vector<1024x128xf32>
    %get3A_89 = arith.constant 0 : index
    %get3A_90 = arith.constant 0 : index
    %get3A_91 = vector.load %arg10[%get3A_89, %get3A_90] : memref<128x128xf32, #tpu.memory_space<vmem>>, vector<80x128xf32>
    %dot_general3A_92 = arith.constant dense<0.000000e+00> : vector<1024x128xf32>
    %dot_general3A_93 = tpu.matmul %max3A_64, %get3A_91, %dot_general3A_92 {dimension_numbers = #tpu.dot_dimension_numbers<[1], [0], [0], [1], [0, 0, 1, 1], [], []>, transpose_lhs_hint = false} : vector<1024x80xf32>, vector<80x128xf32>, vector<1024x128xf32> -> vector<1024x128xf32>
    %add3A_94 = arith.constant 0.000000e+00 : f32
    %add3A_95 = vector.broadcast %add3A_94 : f32 to vector<1024x128xf32>
    %add3A_96 = arith.addf %add3A_95, %dot_general3A_93 : vector<1024x128xf32>
    %get3A_97 = arith.constant 80 : index
    %get3A_98 = arith.constant 0 : index
    %get3A_99 = vector.load %arg10[%get3A_97, %get3A_98] : memref<128x128xf32, #tpu.memory_space<vmem>>, vector<48x128xf32>
    %dot_general3A_100 = arith.constant dense<0.000000e+00> : vector<1024x128xf32>
    %dot_general3A_101 = tpu.matmul %max3A_74, %get3A_99, %dot_general3A_100 {dimension_numbers = #tpu.dot_dimension_numbers<[1], [0], [0], [1], [0, 0, 1, 1], [], []>, transpose_lhs_hint = false} : vector<1024x48xf32>, vector<48x128xf32>, vector<1024x128xf32> -> vector<1024x128xf32>
    %add3A_102 = arith.addf %add3A_96, %dot_general3A_101 : vector<1024x128xf32>
    %get3A_103 = arith.constant 0 : index
    %get3A_104 = arith.constant 0 : index
    %get3A_105 = vector.load %arg11[%get3A_103, %get3A_104] : memref<1x128xf32, #tpu.memory_space<vmem>>, vector<1x128xf32>
    %mul3A_106 = vector.broadcast %get3A_105 : vector<1x128xf32> to vector<1024x128xf32>
    %mul3A_107 = arith.mulf %add3A_88, %mul3A_106 : vector<1024x128xf32>
    %reduce_sum3A = arith.constant dense<0.000000e+00> : vector<1024xf32>
    %reduce_sum3A_108 = vector.multi_reduction <add>, %mul3A_107, %reduce_sum3A [1] : vector<1024x128xf32> to vector<1024xf32>
    %broadcast_in_dim3A_109 = vector.shape_cast %reduce_sum3A_108 : vector<1024xf32> to vector<1024x1xf32>
    %get3A_110 = arith.constant 0 : index
    %get3A_111 = arith.constant 0 : index
    %get3A_112 = vector.load %arg12[%get3A_110, %get3A_111] : memref<1x128xf32, #tpu.memory_space<vmem>>, vector<1x128xf32>
    %mul3A_113 = vector.broadcast %get3A_112 : vector<1x128xf32> to vector<1024x128xf32>
    %mul3A_114 = arith.mulf %add3A_102, %mul3A_113 : vector<1024x128xf32>
    %reduce_sum3A_115 = arith.constant dense<0.000000e+00> : vector<1024xf32>
    %reduce_sum3A_116 = vector.multi_reduction <add>, %mul3A_114, %reduce_sum3A_115 [1] : vector<1024x128xf32> to vector<1024xf32>
    %broadcast_in_dim3A_117 = vector.shape_cast %reduce_sum3A_116 : vector<1024xf32> to vector<1024x1xf32>
    %broadcast_in_dim3A_118 = arith.constant 1.000000e+00 : f32
    %broadcast_in_dim3A_119 = vector.broadcast %broadcast_in_dim3A_118 : f32 to vector<1024x1xf32>
    %broadcast_in_dim3A_120 = arith.constant 0.000000e+00 : f32
    %broadcast_in_dim3A_121 = vector.broadcast %broadcast_in_dim3A_120 : f32 to vector<1024x31xf32>
    %slice3A_122 = vector.extract_strided_slice %add3A_88 {offsets = [0, 0], sizes = [1024, 80], strides = [1, 1]} : vector<1024x128xf32> to vector<1024x80xf32>
    %swap3A = arith.constant 0 : index
    %swap3A_123 = arith.constant 0 : index
    %swap3A_124 = arith.constant 0 : index
    %swap3A_125 = vector.load %arg13[%swap3A, %swap3A_123, %swap3A_124] : memref<2x1024x80xf32, #tpu.memory_space<vmem>>, vector<1x1024x80xf32>
    %swap3A_126 = vector.shape_cast %swap3A_125 : vector<1x1024x80xf32> to vector<1024x80xf32>
    %swap3A_127 = vector.shape_cast %slice3A_122 : vector<1024x80xf32> to vector<1x1024x80xf32>
    tpu.vector_store %arg13[%swap3A, %swap3A_123, %swap3A_124], %swap3A_127 {strides = array<i32>} : memref<2x1024x80xf32, #tpu.memory_space<vmem>>, vector<1x1024x80xf32>,
    %slice3A_128 = vector.extract_strided_slice %add3A_88 {offsets = [0, 80], sizes = [1024, 48], strides = [1, 1]} : vector<1024x128xf32> to vector<1024x48xf32>
    %concatenate3A = tpu.concatenate %slice3A_128, %broadcast_in_dim3A_119, %broadcast_in_dim3A_121 in 1 : vector<1024x48xf32>, vector<1024x1xf32>, vector<1024x31xf32> -> vector<1024x80xf32>
    %swap3A_129 = arith.constant 1 : index
    %swap3A_130 = arith.constant 0 : index
    %swap3A_131 = arith.constant 0 : index
    %swap3A_132 = vector.load %arg13[%swap3A_129, %swap3A_130, %swap3A_131] : memref<2x1024x80xf32, #tpu.memory_space<vmem>>, vector<1x1024x80xf32>
    %swap3A_133 = vector.shape_cast %swap3A_132 : vector<1x1024x80xf32> to vector<1024x80xf32>
    %swap3A_134 = vector.shape_cast %concatenate3A : vector<1024x80xf32> to vector<1x1024x80xf32>
    tpu.vector_store %arg13[%swap3A_129, %swap3A_130, %swap3A_131], %swap3A_134 {strides = array<i32>} : memref<2x1024x80xf32, #tpu.memory_space<vmem>>, vector<1x1024x80xf32>,
    %swap3A_135 = arith.constant 0 : index
    %swap3A_136 = arith.constant 0 : index
    %swap3A_137 = vector.load %arg14[%swap3A_135, %swap3A_136] : memref<1024x1xf32, #tpu.memory_space<vmem>>, vector<1024x1xf32>
    tpu.vector_store %arg14[%swap3A_135, %swap3A_136], %broadcast_in_dim3A_109 {strides = array<i32>} : memref<1024x1xf32, #tpu.memory_space<vmem>>, vector<1024x1xf32>,
    %swap3A_138 = arith.constant 0 : index
    %swap3A_139 = arith.constant 0 : index
    %swap3A_140 = vector.load %arg15[%swap3A_138, %swap3A_139] : memref<1024x1xf32, #tpu.memory_space<vmem>>, vector<1024x1xf32>
    tpu.vector_store %arg15[%swap3A_138, %swap3A_139], %broadcast_in_dim3A_117 {strides = array<i32>} : memref<1024x1xf32, #tpu.memory_space<vmem>>, vector<1024x1xf32>,
    %eq3A_141 = arith.constant 0 : i32
    %eq3A_142 = arith.cmpi eq, %arg0, %eq3A_141 : i32
    %convert_element_type3A = arith.extui %eq3A_142 : i1 to i32
    %cond3A = arith.constant 0 : i32
    %cond3A_143 = arith.cmpi ne, %convert_element_type3A, %cond3A : i32
    scf.if %cond3A_143 {
      %broadcast_in_dim3A_169 = arith.constant 0xFF800000 : f32
      %broadcast_in_dim3A_170 = vector.broadcast %broadcast_in_dim3A_169 : f32 to vector<1x1xf32>
      %swap3A_171 = arith.constant 0 : index
      %swap3A_172 = arith.constant 0 : index
      %swap3A_173 = vector.load %arg16[%swap3A_171, %swap3A_172] : memref<1x1xf32, #tpu.memory_space<vmem>>, vector<1x1xf32>
      tpu.vector_store %arg16[%swap3A_171, %swap3A_172], %broadcast_in_dim3A_170 {strides = array<i32>} : memref<1x1xf32, #tpu.memory_space<vmem>>, vector<1x1xf32>,
      %broadcast_in_dim3A_174 = arith.constant 0xFF800000 : f32
      %broadcast_in_dim3A_175 = vector.broadcast %broadcast_in_dim3A_174 : f32 to vector<1x1xf32>
      %swap3A_176 = arith.constant 0 : index
      %swap3A_177 = arith.constant 0 : index
      %swap3A_178 = vector.load %arg17[%swap3A_176, %swap3A_177] : memref<1x1xf32, #tpu.memory_space<vmem>>, vector<1x1xf32>
      tpu.vector_store %arg17[%swap3A_176, %swap3A_177], %broadcast_in_dim3A_175 {strides = array<i32>} : memref<1x1xf32, #tpu.memory_space<vmem>>, vector<1x1xf32>,
    } else {
    }
    %get3A_144 = arith.constant 0 : index
    %get3A_145 = arith.constant 0 : index
    %get3A_146 = vector.load %arg16[%get3A_144, %get3A_145] : memref<1x1xf32, #tpu.memory_space<vmem>>, vector<1x1xf32>
    %reduce_max3A = vector.shape_cast %broadcast_in_dim3A_109 : vector<1024x1xf32> to vector<1x1024x1xf32>
    %reduce_max3A_147 = arith.constant dense<0xFF800000> : vector<1xf32>
    %reduce_max3A_148 = vector.multi_reduction <maximumf>, %reduce_max3A, %reduce_max3A_147 [1, 2] : vector<1x1024x1xf32> to vector<1xf32>
    %reduce_max3A_149 = vector.shape_cast %reduce_max3A_148 : vector<1xf32> to vector<1x1x1xf32>
    %reduce_max3A_150 = vector.extract %reduce_max3A_149[0, 0, 0] : f32 from vector<1x1x1xf32>
    %broadcast_in_dim3A_151 = vector.broadcast %reduce_max3A_150 : f32 to vector<1x1xf32>
    %max3A_152 = arith.maximumf %get3A_146, %broadcast_in_dim3A_151 : vector<1x1xf32>
    %swap3A_153 = arith.constant 0 : index
    %swap3A_154 = arith.constant 0 : index
    %swap3A_155 = vector.load %arg16[%swap3A_153, %swap3A_154] : memref<1x1xf32, #tpu.memory_space<vmem>>, vector<1x1xf32>
    tpu.vector_store %arg16[%swap3A_153, %swap3A_154], %max3A_152 {strides = array<i32>} : memref<1x1xf32, #tpu.memory_space<vmem>>, vector<1x1xf32>,
    %get3A_156 = arith.constant 0 : index
    %get3A_157 = arith.constant 0 : index
    %get3A_158 = vector.load %arg17[%get3A_156, %get3A_157] : memref<1x1xf32, #tpu.memory_space<vmem>>, vector<1x1xf32>
    %reduce_max3A_159 = vector.shape_cast %broadcast_in_dim3A_117 : vector<1024x1xf32> to vector<1x1024x1xf32>
    %reduce_max3A_160 = arith.constant dense<0xFF800000> : vector<1xf32>
    %reduce_max3A_161 = vector.multi_reduction <maximumf>, %reduce_max3A_159, %reduce_max3A_160 [1, 2] : vector<1x1024x1xf32> to vector<1xf32>
    %reduce_max3A_162 = vector.shape_cast %reduce_max3A_161 : vector<1xf32> to vector<1x1x1xf32>
    %reduce_max3A_163 = vector.extract %reduce_max3A_162[0, 0, 0] : f32 from vector<1x1x1xf32>
    %broadcast_in_dim3A_164 = vector.broadcast %reduce_max3A_163 : f32 to vector<1x1xf32>
    %max3A_165 = arith.maximumf %get3A_158, %broadcast_in_dim3A_164 : vector<1x1xf32>
    %swap3A_166 = arith.constant 0 : index
    %swap3A_167 = arith.constant 0 : index
    %swap3A_168 = vector.load %arg17[%swap3A_166, %swap3A_167] : memref<1x1xf32, #tpu.memory_space<vmem>>, vector<1x1xf32>
    tpu.vector_store %arg17[%swap3A_166, %swap3A_167], %max3A_165 {strides = array<i32>} : memref<1x1xf32, #tpu.memory_space<vmem>>, vector<1x1xf32>,
    return
  }
  func.func @transform_0(%arg0: i32) -> (i32, i32, i32) {
    %c0_i32 = arith.constant 0 : i32
    %c0_i32_0 = arith.constant 0 : i32
    %c0_i32_1 = arith.constant 0 : i32
    return %c0_i32, %arg0, %c0_i32_0 : i32, i32, i32
  }
  func.func @transform_1(%arg0: i32) -> (i32, i32, i32) {
    %c0_i32 = arith.constant 0 : i32
    %c0_i32_0 = arith.constant 0 : i32
    %c0_i32_1 = arith.constant 0 : i32
    return %c0_i32, %arg0, %c0_i32_0 : i32, i32, i32
  }
  func.func @transform_2(%arg0: i32) -> (i32, i32) {
    %c0_i32 = arith.constant 0 : i32
    %c0_i32_0 = arith.constant 0 : i32
    return %arg0, %c0_i32 : i32, i32
  }
  func.func @transform_3(%arg0: i32) -> (i32, i32) {
    %c0_i32 = arith.constant 0 : i32
    %c0_i32_0 = arith.constant 0 : i32
    return %arg0, %c0_i32 : i32, i32
  }
  func.func @transform_4(%arg0: i32) -> (i32, i32) {
    %c0_i32 = arith.constant 0 : i32
    %c0_i32_0 = arith.constant 0 : i32
    %c0_i32_1 = arith.constant 0 : i32
    return %c0_i32, %c0_i32_0 : i32, i32
  }
  func.func @transform_5(%arg0: i32) -> (i32, i32) {
    %c0_i32 = arith.constant 0 : i32
    %c0_i32_0 = arith.constant 0 : i32
    %c0_i32_1 = arith.constant 0 : i32
    return %c0_i32, %c0_i32_0 : i32, i32
  }
  func.func @transform_6(%arg0: i32) -> (i32, i32) {
    %c0_i32 = arith.constant 0 : i32
    %c0_i32_0 = arith.constant 0 : i32
    %c0_i32_1 = arith.constant 0 : i32
    return %c0_i32, %c0_i32_0 : i32, i32
  }
  func.func @transform_7(%arg0: i32) -> (i32, i32) {
    %c0_i32 = arith.constant 0 : i32
    %c0_i32_0 = arith.constant 0 : i32
    %c0_i32_1 = arith.constant 0 : i32
    return %c0_i32, %c0_i32_0 : i32, i32
  }
  func.func @transform_8(%arg0: i32) -> (i32, i32) {
    %c0_i32 = arith.constant 0 : i32
    %c0_i32_0 = arith.constant 0 : i32
    %c0_i32_1 = arith.constant 0 : i32
    return %c0_i32, %c0_i32_0 : i32, i32
  }
  func.func @transform_9(%arg0: i32) -> (i32, i32) {
    %c0_i32 = arith.constant 0 : i32
    %c0_i32_0 = arith.constant 0 : i32
    %c0_i32_1 = arith.constant 0 : i32
    return %c0_i32, %c0_i32_0 : i32, i32
  }
  func.func @transform_10(%arg0: i32) -> (i32, i32) {
    %c0_i32 = arith.constant 0 : i32
    %c0_i32_0 = arith.constant 0 : i32
    %c0_i32_1 = arith.constant 0 : i32
    return %c0_i32, %c0_i32_0 : i32, i32
  }
  func.func @transform_11(%arg0: i32) -> (i32, i32) {
    %c0_i32 = arith.constant 0 : i32
    %c0_i32_0 = arith.constant 0 : i32
    %c0_i32_1 = arith.constant 0 : i32
    return %c0_i32, %c0_i32_0 : i32, i32
  }
  func.func @transform_12(%arg0: i32) -> (i32, i32, i32) {
    %c0_i32 = arith.constant 0 : i32
    %c0_i32_0 = arith.constant 0 : i32
    %c0_i32_1 = arith.constant 0 : i32
    return %c0_i32, %arg0, %c0_i32_0 : i32, i32, i32
  }
  func.func @transform_13(%arg0: i32) -> (i32, i32) {
    %c0_i32 = arith.constant 0 : i32
    %c0_i32_0 = arith.constant 0 : i32
    return %arg0, %c0_i32 : i32, i32
  }
  func.func @transform_14(%arg0: i32) -> (i32, i32) {
    %c0_i32 = arith.constant 0 : i32
    %c0_i32_0 = arith.constant 0 : i32
    return %arg0, %c0_i32 : i32, i32
  }
  func.func @transform_15(%arg0: i32) -> (i32, i32) {
    %c0_i32 = arith.constant 0 : i32
    %c0_i32_0 = arith.constant 0 : i32
    %c0_i32_1 = arith.constant 0 : i32
    return %c0_i32, %c0_i32_0 : i32, i32
  }
  func.func @transform_16(%arg0: i32) -> (i32, i32) {
    %c0_i32 = arith.constant 0 : i32
    %c0_i32_0 = arith.constant 0 : i32
    %c0_i32_1 = arith.constant 0 : i32
    return %c0_i32, %c0_i32_0 : i32, i32
  }
}

module attributes {stable_mosaic.version = 14 : i64} {
  func.func @body(%arg0: i32, %arg1: memref<2x1024x80xf32, #tpu.memory_space<vmem>>, %arg2: memref<2x1024x80xf32, #tpu.memory_space<vmem>>, %arg3: memref<1024x1xf32, #tpu.memory_space<vmem>>, %arg4: memref<1024x1xf32, #tpu.memory_space<vmem>>, %arg5: memref<1x1xf32, #tpu.memory_space<vmem>>, %arg6: memref<1x1xf32, #tpu.memory_space<vmem>>, %arg7: memref<1x80xf32, #tpu.memory_space<vmem>>, %arg8: memref<1x48xf32, #tpu.memory_space<vmem>>, %arg9: memref<128x64xf32, #tpu.memory_space<vmem>>, %arg10: memref<1x64xf32, #tpu.memory_space<vmem>>, %arg11: memref<1x64xf32, #tpu.memory_space<vmem>>, %arg12: memref<1x64xf32, #tpu.memory_space<vmem>>, %arg13: memref<64x64xf32, #tpu.memory_space<vmem>>, %arg14: memref<1x64xf32, #tpu.memory_space<vmem>>, %arg15: memref<1024x64xf32, #tpu.memory_space<vmem>>) attributes {dimension_semantics = [#tpu.dimension_semantics<arbitrary>], iteration_bounds = array<i64: 10>, scalar_prefetch = 0 : i64, scratch_operands = 0 : i64, tpu.core_type = #tpu.core_type<tc>, window_params = [{transform_indices = @transform_0, window_bounds = array<i64: 2, 1024, 80>}, {transform_indices = @transform_1, window_bounds = array<i64: 2, 1024, 80>}, {transform_indices = @transform_2, window_bounds = array<i64: 1024, 1>}, {transform_indices = @transform_3, window_bounds = array<i64: 1024, 1>}, {pipeline_mode = #tpu.pipeline_mode<synchronous>, transform_indices = @transform_4, window_bounds = array<i64: 1, 1>}, {pipeline_mode = #tpu.pipeline_mode<synchronous>, transform_indices = @transform_5, window_bounds = array<i64: 1, 1>}, {pipeline_mode = #tpu.pipeline_mode<synchronous>, transform_indices = @transform_6, window_bounds = array<i64: 1, 80>}, {pipeline_mode = #tpu.pipeline_mode<synchronous>, transform_indices = @transform_7, window_bounds = array<i64: 1, 48>}, {pipeline_mode = #tpu.pipeline_mode<synchronous>, transform_indices = @transform_8, window_bounds = array<i64: 128, 64>}, {pipeline_mode = #tpu.pipeline_mode<synchronous>, transform_indices = @transform_9, window_bounds = array<i64: 1, 64>}, {pipeline_mode = #tpu.pipeline_mode<synchronous>, transform_indices = @transform_10, window_bounds = array<i64: 1, 64>}, {pipeline_mode = #tpu.pipeline_mode<synchronous>, transform_indices = @transform_11, window_bounds = array<i64: 1, 64>}, {pipeline_mode = #tpu.pipeline_mode<synchronous>, transform_indices = @transform_12, window_bounds = array<i64: 64, 64>}, {pipeline_mode = #tpu.pipeline_mode<synchronous>, transform_indices = @transform_13, window_bounds = array<i64: 1, 64>}, {transform_indices = @transform_14, window_bounds = array<i64: 1024, 64>}]} {
    %get3A = arith.constant 0 : index
    %get3A_0 = arith.constant 0 : index
    %get3A_1 = arith.constant 0 : index
    %get3A_2 = vector.load %arg1[%get3A, %get3A_0, %get3A_1] : memref<2x1024x80xf32, #tpu.memory_space<vmem>>, vector<1x1024x80xf32>
    %get3A_3 = vector.shape_cast %get3A_2 : vector<1x1024x80xf32> to vector<1024x80xf32>
    %get3A_4 = arith.constant 1 : index
    %get3A_5 = arith.constant 0 : index
    %get3A_6 = arith.constant 0 : index
    %get3A_7 = vector.load %arg1[%get3A_4, %get3A_5, %get3A_6] : memref<2x1024x80xf32, #tpu.memory_space<vmem>>, vector<1x1024x80xf32>
    %get3A_8 = vector.shape_cast %get3A_7 : vector<1x1024x80xf32> to vector<1024x80xf32>
    %iota3A = tpu.iota {dimensions = array<i32: 0>} : vector<80x1xi32>
    %eq3A = arith.constant 48 : i32
    %eq3A_9 = vector.broadcast %eq3A : i32 to vector<80x1xi32>
    %eq3A_10 = arith.cmpi eq, %iota3A, %eq3A_9 : vector<80x1xi32>
    %jit3A = arith.constant 1.000000e+00 : f32
    %jit3A_11 = arith.constant 0.000000e+00 : f32
    %broadcast_in_dim3A = vector.broadcast %jit3A : f32 to vector<80x1xf32>
    %broadcast_in_dim3A_12 = vector.broadcast %jit3A_11 : f32 to vector<80x1xf32>
    %select_n3A = arith.select %eq3A_10, %broadcast_in_dim3A, %broadcast_in_dim3A_12 : vector<80x1xi1>, vector<80x1xf32>
    %dot_general3A = arith.constant dense<0.000000e+00> : vector<1024x1xf32>
    %dot_general3A_13 = tpu.matmul %get3A_8, %select_n3A, %dot_general3A {dimension_numbers = #tpu.dot_dimension_numbers<[1], [0], [0], [1], [0, 0, 1, 1], [], []>, transpose_lhs_hint = false} : vector<1024x80xf32>, vector<80x1xf32>, vector<1024x1xf32> -> vector<1024x1xf32>
    %get3A_14 = arith.constant 0 : index
    %get3A_15 = arith.constant 0 : index
    %get3A_16 = vector.load %arg5[%get3A_14, %get3A_15] : memref<1x1xf32, #tpu.memory_space<vmem>>, vector<1x1xf32>
    %get3A_17 = arith.constant 0 : index
    %get3A_18 = arith.constant 0 : index
    %get3A_19 = vector.load %arg6[%get3A_17, %get3A_18] : memref<1x1xf32, #tpu.memory_space<vmem>>, vector<1x1xf32>
    %add3A = arith.addf %get3A_16, %get3A_19 : vector<1x1xf32>
    %max3A = arith.constant 0.000000e+00 : f32
    %max3A_20 = vector.broadcast %max3A : f32 to vector<1x1xf32>
    %max3A_21 = arith.maximumf %add3A, %max3A_20 : vector<1x1xf32>
    %get3A_22 = arith.constant 0 : index
    %get3A_23 = arith.constant 0 : index
    %get3A_24 = vector.load %arg3[%get3A_22, %get3A_23] : memref<1024x1xf32, #tpu.memory_space<vmem>>, vector<1024x1xf32>
    %get3A_25 = arith.constant 0 : index
    %get3A_26 = arith.constant 0 : index
    %get3A_27 = vector.load %arg4[%get3A_25, %get3A_26] : memref<1024x1xf32, #tpu.memory_space<vmem>>, vector<1024x1xf32>
    %add3A_28 = arith.addf %get3A_24, %get3A_27 : vector<1024x1xf32>
    %gt3A = arith.constant 0.000000e+00 : f32
    %gt3A_29 = vector.broadcast %gt3A : f32 to vector<1024x1xf32>
    %gt3A_30 = arith.cmpf ogt, %add3A_28, %gt3A_29 : vector<1024x1xf32>
    %mul3A = arith.constant 2.000000e-01 : f32
    %mul3A_31 = vector.broadcast %mul3A : f32 to vector<1024x1xf32>
    %mul3A_32 = arith.mulf %mul3A_31, %add3A_28 : vector<1024x1xf32>
    %select_n3A_33 = arith.select %gt3A_30, %add3A_28, %mul3A_32 : vector<1024x1xi1>, vector<1024x1xf32>
    %sub3A = vector.broadcast %max3A_21 : vector<1x1xf32> to vector<1024x1xf32>
    %sub3A_34 = arith.subf %select_n3A_33, %sub3A : vector<1024x1xf32>
    %exp3A = math.exp %sub3A_34 : vector<1024x1xf32>
    %get3A_35 = arith.constant 0 : index
    %get3A_36 = arith.constant 0 : index
    %get3A_37 = arith.constant 0 : index
    %get3A_38 = vector.load %arg2[%get3A_35, %get3A_36, %get3A_37] : memref<2x1024x80xf32, #tpu.memory_space<vmem>>, vector<1x1024x80xf32>
    %get3A_39 = vector.shape_cast %get3A_38 : vector<1x1024x80xf32> to vector<1024x80xf32>
    %mul3A_40 = vector.broadcast %exp3A : vector<1024x1xf32> to vector<1024x80xf32>
    %mul3A_41 = arith.mulf %mul3A_40, %get3A_39 : vector<1024x80xf32>
    %add3A_42 = arith.addf %get3A_3, %mul3A_41 : vector<1024x80xf32>
    %slice3A = vector.extract_strided_slice %get3A_8 {offsets = [0, 0], sizes = [1024, 48], strides = [1, 1]} : vector<1024x80xf32> to vector<1024x48xf32>
    %get3A_43 = arith.constant 1 : index
    %get3A_44 = arith.constant 0 : index
    %get3A_45 = arith.constant 0 : index
    %get3A_46 = vector.load %arg2[%get3A_43, %get3A_44, %get3A_45] : memref<2x1024x80xf32, #tpu.memory_space<vmem>>, vector<1x1024x80xf32>
    %get3A_47 = vector.shape_cast %get3A_46 : vector<1x1024x80xf32> to vector<1024x80xf32>
    %slice3A_48 = vector.extract_strided_slice %get3A_47 {offsets = [0, 0], sizes = [1024, 48], strides = [1, 1]} : vector<1024x80xf32> to vector<1024x48xf32>
    %mul3A_49 = vector.broadcast %exp3A : vector<1024x1xf32> to vector<1024x48xf32>
    %mul3A_50 = arith.mulf %mul3A_49, %slice3A_48 : vector<1024x48xf32>
    %add3A_51 = arith.addf %slice3A, %mul3A_50 : vector<1024x48xf32>
    %add3A_52 = arith.addf %dot_general3A_13, %exp3A : vector<1024x1xf32>
    %add3A_53 = arith.constant 1.000000e-16 : f32
    %add3A_54 = vector.broadcast %add3A_53 : f32 to vector<1024x1xf32>
    %add3A_55 = arith.addf %add3A_52, %add3A_54 : vector<1024x1xf32>
    %div3A = vector.broadcast %add3A_55 : vector<1024x1xf32> to vector<1024x80xf32>
    %div3A_56 = arith.divf %add3A_42, %div3A : vector<1024x80xf32>
    %get3A_57 = arith.constant 0 : index
    %get3A_58 = arith.constant 0 : index
    %get3A_59 = vector.load %arg7[%get3A_57, %get3A_58] : memref<1x80xf32, #tpu.memory_space<vmem>>, vector<1x80xf32>
    %add3A_60 = vector.broadcast %get3A_59 : vector<1x80xf32> to vector<1024x80xf32>
    %add3A_61 = arith.addf %div3A_56, %add3A_60 : vector<1024x80xf32>
    %max3A_62 = arith.constant 0.000000e+00 : f32
    %max3A_63 = vector.broadcast %max3A_62 : f32 to vector<1024x80xf32>
    %max3A_64 = arith.maximumf %add3A_61, %max3A_63 : vector<1024x80xf32>
    %div3A_65 = vector.broadcast %add3A_55 : vector<1024x1xf32> to vector<1024x48xf32>
    %div3A_66 = arith.divf %add3A_51, %div3A_65 : vector<1024x48xf32>
    %get3A_67 = arith.constant 0 : index
    %get3A_68 = arith.constant 0 : index
    %get3A_69 = vector.load %arg8[%get3A_67, %get3A_68] : memref<1x48xf32, #tpu.memory_space<vmem>>, vector<1x48xf32>
    %add3A_70 = vector.broadcast %get3A_69 : vector<1x48xf32> to vector<1024x48xf32>
    %add3A_71 = arith.addf %div3A_66, %add3A_70 : vector<1024x48xf32>
    %max3A_72 = arith.constant 0.000000e+00 : f32
    %max3A_73 = vector.broadcast %max3A_72 : f32 to vector<1024x48xf32>
    %max3A_74 = arith.maximumf %add3A_71, %max3A_73 : vector<1024x48xf32>
    %get3A_75 = arith.constant 0 : index
    %get3A_76 = arith.constant 0 : index
    %get3A_77 = vector.load %arg9[%get3A_75, %get3A_76] : memref<128x64xf32, #tpu.memory_space<vmem>>, vector<80x64xf32>
    %dot_general3A_78 = arith.constant dense<0.000000e+00> : vector<1024x64xf32>
    %dot_general3A_79 = tpu.matmul %max3A_64, %get3A_77, %dot_general3A_78 {dimension_numbers = #tpu.dot_dimension_numbers<[1], [0], [0], [1], [0, 0, 1, 1], [], []>, transpose_lhs_hint = false} : vector<1024x80xf32>, vector<80x64xf32>, vector<1024x64xf32> -> vector<1024x64xf32>
    %get3A_80 = arith.constant 80 : index
    %get3A_81 = arith.constant 0 : index
    %get3A_82 = vector.load %arg9[%get3A_80, %get3A_81] : memref<128x64xf32, #tpu.memory_space<vmem>>, vector<48x64xf32>
    %dot_general3A_83 = arith.constant dense<0.000000e+00> : vector<1024x64xf32>
    %dot_general3A_84 = tpu.matmul %max3A_74, %get3A_82, %dot_general3A_83 {dimension_numbers = #tpu.dot_dimension_numbers<[1], [0], [0], [1], [0, 0, 1, 1], [], []>, transpose_lhs_hint = false} : vector<1024x48xf32>, vector<48x64xf32>, vector<1024x64xf32> -> vector<1024x64xf32>
    %add3A_85 = arith.addf %dot_general3A_79, %dot_general3A_84 : vector<1024x64xf32>
    %get3A_86 = arith.constant 0 : index
    %get3A_87 = arith.constant 0 : index
    %get3A_88 = vector.load %arg10[%get3A_86, %get3A_87] : memref<1x64xf32, #tpu.memory_space<vmem>>, vector<1x64xf32>
    %add3A_89 = vector.broadcast %get3A_88 : vector<1x64xf32> to vector<1024x64xf32>
    %add3A_90 = arith.addf %add3A_85, %add3A_89 : vector<1024x64xf32>
    %get3A_91 = arith.constant 0 : index
    %get3A_92 = arith.constant 0 : index
    %get3A_93 = vector.load %arg11[%get3A_91, %get3A_92] : memref<1x64xf32, #tpu.memory_space<vmem>>, vector<1x64xf32>
    %mul3A_94 = arith.constant 0.999994993 : f32
    %mul3A_95 = vector.broadcast %mul3A_94 : f32 to vector<1024x64xf32>
    %mul3A_96 = arith.mulf %add3A_90, %mul3A_95 : vector<1024x64xf32>
    %mul3A_97 = vector.broadcast %get3A_93 : vector<1x64xf32> to vector<1024x64xf32>
    %mul3A_98 = arith.mulf %mul3A_97, %mul3A_96 : vector<1024x64xf32>
    %get3A_99 = arith.constant 0 : index
    %get3A_100 = arith.constant 0 : index
    %get3A_101 = vector.load %arg12[%get3A_99, %get3A_100] : memref<1x64xf32, #tpu.memory_space<vmem>>, vector<1x64xf32>
    %add3A_102 = vector.broadcast %get3A_101 : vector<1x64xf32> to vector<1024x64xf32>
    %add3A_103 = arith.addf %mul3A_98, %add3A_102 : vector<1024x64xf32>
    %max3A_104 = arith.constant 0.000000e+00 : f32
    %max3A_105 = vector.broadcast %max3A_104 : f32 to vector<1024x64xf32>
    %max3A_106 = arith.maximumf %add3A_103, %max3A_105 : vector<1024x64xf32>
    %get3A_107 = arith.constant 0 : index
    %get3A_108 = arith.constant 0 : index
    %get3A_109 = vector.load %arg13[%get3A_107, %get3A_108] : memref<64x64xf32, #tpu.memory_space<vmem>>, vector<64x64xf32>
    %dot_general3A_110 = arith.constant dense<0.000000e+00> : vector<1024x64xf32>
    %dot_general3A_111 = tpu.matmul %max3A_106, %get3A_109, %dot_general3A_110 {dimension_numbers = #tpu.dot_dimension_numbers<[1], [0], [0], [1], [0, 0, 1, 1], [], []>, transpose_lhs_hint = false} : vector<1024x64xf32>, vector<64x64xf32>, vector<1024x64xf32> -> vector<1024x64xf32>
    %get3A_112 = arith.constant 0 : index
    %get3A_113 = arith.constant 0 : index
    %get3A_114 = vector.load %arg14[%get3A_112, %get3A_113] : memref<1x64xf32, #tpu.memory_space<vmem>>, vector<1x64xf32>
    %add3A_115 = vector.broadcast %get3A_114 : vector<1x64xf32> to vector<1024x64xf32>
    %add3A_116 = arith.addf %dot_general3A_111, %add3A_115 : vector<1024x64xf32>
    %reduce_max3A = arith.constant dense<0xFF800000> : vector<1024xf32>
    %reduce_max3A_117 = vector.multi_reduction <maximumf>, %add3A_116, %reduce_max3A [1] : vector<1024x64xf32> to vector<1024xf32>
    %broadcast_in_dim3A_118 = vector.shape_cast %reduce_max3A_117 : vector<1024xf32> to vector<1024x1xf32>
    %sub3A_119 = vector.broadcast %broadcast_in_dim3A_118 : vector<1024x1xf32> to vector<1024x64xf32>
    %sub3A_120 = arith.subf %add3A_116, %sub3A_119 : vector<1024x64xf32>
    %exp3A_121 = math.exp %sub3A_120 : vector<1024x64xf32>
    %sub3A_122 = vector.broadcast %broadcast_in_dim3A_118 : vector<1024x1xf32> to vector<1024x64xf32>
    %sub3A_123 = arith.subf %add3A_116, %sub3A_122 : vector<1024x64xf32>
    %reduce_sum3A = arith.constant dense<0.000000e+00> : vector<1024xf32>
    %reduce_sum3A_124 = vector.multi_reduction <add>, %exp3A_121, %reduce_sum3A [1] : vector<1024x64xf32> to vector<1024xf32>
    %broadcast_in_dim3A_125 = vector.shape_cast %reduce_sum3A_124 : vector<1024xf32> to vector<1024x1xf32>
    %log3A = math.log %broadcast_in_dim3A_125 : vector<1024x1xf32>
    %sub3A_126 = vector.broadcast %log3A : vector<1024x1xf32> to vector<1024x64xf32>
    %sub3A_127 = arith.subf %sub3A_123, %sub3A_126 : vector<1024x64xf32>
    %swap3A = arith.constant 0 : index
    %swap3A_128 = arith.constant 0 : index
    %swap3A_129 = vector.load %arg15[%swap3A, %swap3A_128] : memref<1024x64xf32, #tpu.memory_space<vmem>>, vector<1024x64xf32>
    tpu.vector_store %arg15[%swap3A, %swap3A_128], %sub3A_127 {strides = array<i32>} : memref<1024x64xf32, #tpu.memory_space<vmem>>, vector<1024x64xf32>,
    return
  }
  func.func @transform_0(%arg0: i32) -> (i32, i32, i32) {
    %c0_i32 = arith.constant 0 : i32
    %c0_i32_0 = arith.constant 0 : i32
    %c0_i32_1 = arith.constant 0 : i32
    return %c0_i32, %arg0, %c0_i32_0 : i32, i32, i32
  }
  func.func @transform_1(%arg0: i32) -> (i32, i32, i32) {
    %c0_i32 = arith.constant 0 : i32
    %c0_i32_0 = arith.constant 0 : i32
    %c0_i32_1 = arith.constant 0 : i32
    return %c0_i32, %arg0, %c0_i32_0 : i32, i32, i32
  }
  func.func @transform_2(%arg0: i32) -> (i32, i32) {
    %c0_i32 = arith.constant 0 : i32
    %c0_i32_0 = arith.constant 0 : i32
    return %arg0, %c0_i32 : i32, i32
  }
  func.func @transform_3(%arg0: i32) -> (i32, i32) {
    %c0_i32 = arith.constant 0 : i32
    %c0_i32_0 = arith.constant 0 : i32
    return %arg0, %c0_i32 : i32, i32
  }
  func.func @transform_4(%arg0: i32) -> (i32, i32) {
    %c0_i32 = arith.constant 0 : i32
    %c0_i32_0 = arith.constant 0 : i32
    %c0_i32_1 = arith.constant 0 : i32
    return %c0_i32, %c0_i32_0 : i32, i32
  }
  func.func @transform_5(%arg0: i32) -> (i32, i32) {
    %c0_i32 = arith.constant 0 : i32
    %c0_i32_0 = arith.constant 0 : i32
    %c0_i32_1 = arith.constant 0 : i32
    return %c0_i32, %c0_i32_0 : i32, i32
  }
  func.func @transform_6(%arg0: i32) -> (i32, i32) {
    %c0_i32 = arith.constant 0 : i32
    %c0_i32_0 = arith.constant 0 : i32
    %c0_i32_1 = arith.constant 0 : i32
    return %c0_i32, %c0_i32_0 : i32, i32
  }
  func.func @transform_7(%arg0: i32) -> (i32, i32) {
    %c0_i32 = arith.constant 0 : i32
    %c0_i32_0 = arith.constant 0 : i32
    %c0_i32_1 = arith.constant 0 : i32
    return %c0_i32, %c0_i32_0 : i32, i32
  }
  func.func @transform_8(%arg0: i32) -> (i32, i32) {
    %c0_i32 = arith.constant 0 : i32
    %c0_i32_0 = arith.constant 0 : i32
    %c0_i32_1 = arith.constant 0 : i32
    return %c0_i32, %c0_i32_0 : i32, i32
  }
  func.func @transform_9(%arg0: i32) -> (i32, i32) {
    %c0_i32 = arith.constant 0 : i32
    %c0_i32_0 = arith.constant 0 : i32
    %c0_i32_1 = arith.constant 0 : i32
    return %c0_i32, %c0_i32_0 : i32, i32
  }
  func.func @transform_10(%arg0: i32) -> (i32, i32) {
    %c0_i32 = arith.constant 0 : i32
    %c0_i32_0 = arith.constant 0 : i32
    %c0_i32_1 = arith.constant 0 : i32
    return %c0_i32, %c0_i32_0 : i32, i32
  }
  func.func @transform_11(%arg0: i32) -> (i32, i32) {
    %c0_i32 = arith.constant 0 : i32
    %c0_i32_0 = arith.constant 0 : i32
    %c0_i32_1 = arith.constant 0 : i32
    return %c0_i32, %c0_i32_0 : i32, i32
  }
  func.func @transform_12(%arg0: i32) -> (i32, i32) {
    %c0_i32 = arith.constant 0 : i32
    %c0_i32_0 = arith.constant 0 : i32
    %c0_i32_1 = arith.constant 0 : i32
    return %c0_i32, %c0_i32_0 : i32, i32
  }
  func.func @transform_13(%arg0: i32) -> (i32, i32) {
    %c0_i32 = arith.constant 0 : i32
    %c0_i32_0 = arith.constant 0 : i32
    %c0_i32_1 = arith.constant 0 : i32
    return %c0_i32, %c0_i32_0 : i32, i32
  }
  func.func @transform_14(%arg0: i32) -> (i32, i32) {
    %c0_i32 = arith.constant 0 : i32
    %c0_i32_0 = arith.constant 0 : i32
    return %arg0, %c0_i32 : i32, i32
  }
}

</mosaic_0001>

<sc_bundles>
// kernel: kernel.10.cloned.1.call-start
scs
__scs_entry_jumppad:
0x0: {  	(pc) =	sbr.rel $0x88, $3  }
0x1: {  	(tag) =	ssettag $0x0;
	lr =	simm.s32 $0x1  }
0x2: {  	[smem:$0x3F8F] =	sst lr;
	_ =	strace $0xD0000000  }
0x3: {  	_ = 	snop  }
0x4: {  	_ = 	snop  }
0x5: {  	_ = 	snop  }
0x6: {  	_ = 	snop  }
0x7: {  	_ = 	snop  }
__scs_overlays_trampoline_lowered:
0x8: {  	[smem:$0x3F9E] =	sst s0  }
0x9: {  	[smem:$0x3F9F] =	sst s1  }
0xa: {  	[smem:$0x3FA0] =	sst s2  }
0xb: {  	[smem:$0x3FA1] =	sst s3  }
0xc: {  	[smem:$0x3FA2] =	sst s4  }
0xd: {  	[smem:$0x3FA3] =	sst s5  }
0xe: {  	[smem:$0x3FA4] =	sst s6  }
0xf: {  	[smem:$0x3FA5] =	sst s7  }
0x10: {  	[smem:$0x3FA6] =	sst s8  }
0x11: {  	[smem:$0x3FA7] =	sst s9;
	s0 =	simm.s32 @!p0 $0x0  }
0x12: {  	s1 =	sld [smem:$0x3F8D];
	s0 =	simm.s32 @p0 $0x1  }
0x13: {  	[smem:$0x3FA8] =	sst s0;
	s0 =	simm.s32 @!p1 $0x0  }
0x14: {  	s2 =	sld [smem:$0x3F8C];
	s0 =	simm.s32 @p1 $0x1  }
0x15: {  	[smem:$0x3FA9] =	sst s0;
	s0 =	simm.s32 @!p2 $0x0  }
0x16: {  	s3 =	sld [smem:$0x3FDB];
	s0 =	simm.s32 @p2 $0x1  }
0x17: {  	s4 =	simm.s32 $0x1BF5;
	[smem:$0x3FAB] =	sst s0  }
0x18: {  	s0 =	sld [smem:$0x3F8E];
	_ =	swait.ge [sflag:s4], $0x0  }
0x19: {  	s7 =	sld [smem:$0x3F8F]  }
0x1a: {  	s8 =	sadd.s32 $0xFFFFE003, lr  }
0x1b: {  	s9 =	sadd.s32 $0xFFFFFEF7, lr;
	s5 =	simm.s32 $0xFFFFFFFF;
	p2 =	slt.u32 s8, $0xFFFFF086  }
0x1c: {  	p1 =	slt.u32 s9, $0xF7A;
	s5 =	simm.s32 @!p2 $0x0  }
0x1d: {  	s5 =	simm.s32 @p1 $0x1;
	p0 =	seq.s32 s7, s2  }
0x1e: {  	s7 =	smul.u32 @!p0 $0xF7A, s2;
	p2 =	seq.s32 @!p0 s5, $0x0  }
0x1f: {  	s9 =	smul.u32 $0xF7A, s1;
	s8 =	simm.s32 @!p0 $0x1BF5;
	p2 =	por !p2, p0  }
0x20: {  	[sflag:s8] =	ssyncset.s32 @!p0 $0xFFFFF086;
	s6 =	sadd.s32 @!p0 s3, s7;
	s7 =	simm.s32 @!p0 $0x108  }
0x21: {  	s3 =	sadd.s32 s3, s9;
	s6 =	sadd.s32 @!p0 $0x88, s6;
	s7 =	simm.s32 @p2 $0x1082  }
0x22: {  	[simem:s7], [sflag:s8] =	dma.local @!p0 [hbm:s6], $0xF7A  }
0x23: {  	s9 =	sor.u32 $0xD0000000, s2;
	s6 =	simm.s32 $0x108;
	_ =	swait.ge @!p0 [sflag:s8], $0x0  }
0x24: {  	s3 =	sadd.s32 $0x88, s3;
	s6 =	simm.s32 @!p1 $0x1082;
	[sflag:s4] =	ssyncset.s32 $0xFFFFF086  }
0x25: {  	[simem:s6], [sflag:s4] =	dma.local [hbm:s3], $0xF7A  }
0x26: {  	[smem:$0x3F8F] =	sst s1;
	(tag) =	ssettag s2;
	_ =	strace s9  }
0x27: {  	s1 =	sld [smem:$0x3F9F]  }
0x28: {  	s2 =	sld [smem:$0x3FA0]  }
0x29: {  	s4 =	sld [smem:$0x3FA2]  }
0x2a: {  	p0 =	seq.s32 s5, $0x0;
	s5 =	sld [smem:$0x3FA3]  }
0x2b: {  	s6 =	sld [smem:$0x3FA4]  }
0x2c: {  	s7 =	sld [smem:$0x3FA5]  }
0x2d: {  	s3 =	simm.s32 $0x108;
	s8 =	sld [smem:$0x3FA6]  }
0x2e: {  	s3 =	simm.s32 @!p0 $0x1082;
	s9 =	sld [smem:$0x3FA7]  }
0x2f: {  	lr =	sadd.s32 s0, s3;
	s0 =	sld [smem:$0x3F9E]  }
0x30: {  	s3 =	sld [smem:$0x3FA1]  }
0x31: {  	[smem:$0x3FAA] =	sst s10  }
0x32: {  	s10 =	sld [smem:$0x3FA8];
	_ =	sdelay $0x3  }
0x33: {  	p0 =	seq.s32 s10, $0x1;
	s10 =	sld [smem:$0x3FAA];
	_ =	sdelay $0x3  }
0x34: {  	[smem:$0x3FAA] =	sst s10  }
0x35: {  	s10 =	sld [smem:$0x3FA9];
	_ =	sdelay $0x3  }
0x36: {  	p1 =	seq.s32 s10, $0x1;
	s10 =	sld [smem:$0x3FAA];
	_ =	sdelay $0x3  }
0x37: {  	[smem:$0x3FAA] =	sst s10  }
0x38: {  	s10 =	sld [smem:$0x3FAB]  }
0x39: {  	_ = 	snop;
	(pc) =	sbr.ind lr, $3  }
0x3a: {  	_ = 	snop  }
0x3b: {  	_ = 	snop  }
0x3c: {  	p2 =	seq.s32 s10, $0x1;
	s10 =	sld [smem:$0x3FAA]  }
0x3d: {  	_ =	shalt  }
0x3e: {  	_ =	shalt  }
0x3f: {  	_ =	shalt  }
0x40: {  	_ =	shalt  }
0x41: {  	_ =	shalt  }
0x42: {  	_ =	shalt  }
0x43: {  	_ =	shalt  }
0x44: {  	_ =	shalt  }
0x45: {  	_ =	shalt  }
0x46: {  	_ =	shalt  }
0x47: {  	_ =	shalt  }
0x48: {  	_ =	shalt  }
0x49: {  	_ =	shalt  }
0x4a: {  	_ =	shalt  }
0x4b: {  	_ =	shalt  }
0x4c: {  	_ =	shalt  }
0x4d: {  	_ =	shalt  }
0x4e: {  	_ =	shalt  }
0x4f: {  	_ =	shalt  }
0x50: {  	_ =	shalt  }
0x51: {  	_ =	shalt  }
0x52: {  	_ =	shalt  }
0x53: {  	_ =	shalt  }
0x54: {  	_ =	shalt  }
0x55: {  	_ =	shalt  }
0x56: {  	_ =	shalt  }
0x57: {  	_ =	shalt  }
0x58: {  	_ =	shalt  }
0x59: {  	_ =	shalt  }
0x5a: {  	_ =	shalt  }
0x5b: {  	_ =	shalt  }
0x5c: {  	_ =	shalt  }
0x5d: {  	_ =	shalt  }
0x5e: {  	_ =	shalt  }
0x5f: {  	_ =	shalt  }
0x60: {  	_ =	shalt  }
0x61: {  	_ =	shalt  }
0x62: {  	_ =	shalt  }
0x63: {  	_ =	shalt  }
0x64: {  	_ =	shalt  }
0x65: {  	_ =	shalt  }
0x66: {  	_ =	shalt  }
0x67: {  	_ =	shalt  }
0x68: {  	_ =	shalt  }
0x69: {  	_ =	shalt  }
0x6a: {  	_ =	shalt  }
0x6b: {  	_ =	shalt  }
0x6c: {  	_ =	shalt  }
0x6d: {  	_ =	shalt  }
0x6e: {  	_ =	shalt  }
0x6f: {  	_ =	shalt  }
0x70: {  	_ =	shalt  }
0x71: {  	_ =	shalt  }
0x72: {  	_ =	shalt  }
0x73: {  	_ =	shalt  }
0x74: {  	_ =	shalt  }
0x75: {  	_ =	shalt  }
0x76: {  	_ =	shalt  }
0x77: {  	_ =	shalt  }
0x78: {  	_ =	shalt  }
0x79: {  	_ =	shalt  }
0x7a: {  	_ =	shalt  }
0x7b: {  	_ =	shalt  }
0x7c: {  	_ =	shalt  }
0x7d: {  	_ =	shalt  }
0x7e: {  	_ =	shalt  }
0x7f: {  	_ =	shalt  }
0x80: {  	_ =	shalt  }
0x81: {  	_ =	shalt  }
0x82: {  	_ =	shalt  }
0x83: {  	_ =	shalt  }
0x84: {  	_ =	shalt  }
0x85: {  	_ =	shalt  }
0x86: {  	_ =	shalt  }
0x87: {  	_ =	shalt  }
.Lfunc_end0:
.L_simem_size_0:
called_computation.1_lowered:
.L_overlay_start_0:
0x88: {  	s2 =	sld [smem:$0x3FD9]  }
0x89: {  	s3 =	sld [smem:$0x3FFE];
	_ =	sdelay $0x1  }
0x8a: {  	s1 =	srdreg.scid  }
0x8b: {  	s0 =	sand.u32 $0x1, s1  }
0x8c: {  	s17 =	sshll.u32 s0, $0xA;
	s2 =	sadd.s32 s3, s2  }
0x8d: {  	s2 =	sadd.s32 s2, s17  }
0x8e: {  	[smem:$0x3FB6] =	sst s2  }
0x8f: {  	_ = 	snop  }
0x90: {  	s2 =	sld [smem:$0x3FD0];
	(tm) =	ssettm $0x1  }
0x91: {  	s18 =	sld [smem:$0x3FFB];
	_ =	sdelay $0x3  }
0x92: {  	_ =	strace s18  }
0x93: {  	s3 =	sld [smem:$0x3FFC];
	_ =	sdelay $0x3  }
0x94: {  	_ =	strace s3  }
0x95: {  	s3 =	sld [smem:$0x3FFD];
	_ =	sdelay $0x3  }
0x96: {  	_ =	strace s3  }
0x97: {  	_ =	strace $0x8FFFFFFF  }
0x98: {  	s19 =	sld [smem:$0x3FDB];
	_ =	sdelay $0x1  }
0x99: {  	s4 =	simm.s32 $_scs_section_size  }
0x9a: {  	s5 =	simm.s32 $_size__tile_overlayer_lowered;
	s6 =	simm.s32 $_tile_overlayer_lowered  }
0x9b: {  	s22 =	simm.s32 $0x1BFF;
	s21 =	sshll.u32 s6, $0x1;
	s3 =	sadd.s32 s4, s19  }
0x9c: {  	s7 =	simm.s32 $0x0;
	s20 =	sshll.u32 s5, $0x1;
	s5 =	sadd.s32 s21, s3  }
0x9d: {  	[timem:s7], [sflag:s22] =	dma.local [hbm:s5], s20  }
0x9e: {  	_ =	swait.ge [sflag:s22], s20  }
0x9f: {  	s4 =	ssub.s32 $0x0, s20;
	[sflag:s22] =	ssyncset.done $0x0  }
0xa0: {  	[sflag:s22] =	ssyncadd.s32 s4;
	_ =	sdelay $0x1  }
0xa1: {  	s23 =	simm.s32 $0x1B8B  }
0xa2: {  	_ =	swait.ge [sflag:s23], $0x1  }
0xa3: {  	[sflag:s23] =	ssyncset.done $0x0  }
0xa4: {  	s25 =	simm.s32 $0x1B8E;
	s24 =	sld [smem:$0x3FFE];
	[sflag:s23] =	ssyncadd.s32 $0xFFFFFFFF  }
0xa5: {  	s26 =	simm.s32 $execute0_lowered;
	[smem:$0x3FD2] =	sst s25  }
0xa6: {  	s5 =	sshll.u32 s26, $0x1;
	_ =	strace $0x80000049;
	[dreg:$0x1] =	wrdreg $0xFFFFFFFF  }
0xa7: {  	s28 =	simm.s32 $_size_execute0_lowered;
	s3 =	sadd.s32 s3, s5;
	[dreg:$0x0] =	wrdreg $0x0  }
0xa8: {  	s5 =	sshll.u32 s28, $0x1;
	[dreg:$0x2] =	wrdreg s3  }
0xa9: {  	[dreg:$0x3] =	wrdreg s5  }
0xaa: {  	[dreg:$0x4] =	wrdreg $0xC0  }
0xab: {  	_ =	task [dreg:s7], $0x5FFFF  }
0xac: {  	[dreg:$0x1] =	wrdreg $0xFFFFFFFF  }
0xad: {  	[dreg:$0x0] =	wrdreg $0x60  }
0xae: {  	[dreg:$0x2] =	wrdreg s24  }
0xaf: {  	[dreg:$0x3] =	wrdreg s2  }
0xb0: {  	[dreg:$0x4] =	wrdreg $0x97F00  }
0xb1: {  	[dreg:$0x5] =	wrdreg $0x9  }
0xb2: {  	_ =	task.clear_ibuf [dreg:s7], $0x6FFFF;
	_ =	strace $0x90000049  }
0xb3: {  	s29 =	simm.s32 $0x9;
	_ =	strace $0x8000004B  }
0xb4: {  	_ =	swait.ge [sflag:s29], $0x1  }
0xb5: {  	[sflag:s29] =	ssyncadd.s32 $0xFFFFFFFF  }
0xb6: {  	_ =	strace $0x9000004B  }
0xb7: {  	_ =	sfence  }
0xb8: {  	s30 =	sld [smem:$0x0];
	_ =	sdelay $0x2  }
0xb9: {  	s31 =	sshll.u32 s1, $0xD;
	s1 =	sshrl.u32 s1, $0x2  }
0xba: {  	s3 =	sand.u32 $0x4000, s31;
	s1 =	sadd.s32 s1, s30  }
0xbb: {  	s0 =	sor.u32 s3, s0;
	s1 =	sshll.u32 s1, $0x11  }
0xbc: {  	s0 =	sor.u32 s1, s0  }
0xbd: {  	s0 =	sadd.s32 $0x8F2B, s0  }
0xbe: {  	[sflag:s0] =	ssyncadd.remote.s32 $0x1  }
0xbf: {  	_ =	sfence.sel $0xFFFF  }
0xc0: {  	[dreg:$0x0] =	wrdreg $0xFFFFFFFF;
	(pc) =	sbr.abs _section_cstart, $3  }
0xc1: {  	[dreg:$0x1] =	wrdreg $0xFFFFFFFF  }
0xc2: {  	_ =	task.clear_ibuf [dreg:s7], $0x2FFFF;
	_ =	strace $0x9FFFFFFF  }
0xc3: {  	(tm) =	ssettm $0x7FFFFFFF  }
tec
execute0_lowered:
.L_overlay_start_1:
0x0: {  	(tag) =	ssettag $0x1  }
0x1: {  	s0 =	srdreg.scid  }
0x2: {  	s21 =	stileid.u32;
	s16 =	rddreg [dreg:$0x0]  }
0x3: {  	s1 =	simm.s32 $0x0;
	s28 =	simm.s32 $0x50;
	s29 =	simm.s32 $0x51F0  }
0x4: {  	s30 =	simm.s32 $0x5060;
	s31 =	simm.s32 $0x5100;
	s3 =	smul.u32 $0x280, s21  }
0x5: {  	s6 =	sand.u32 $0x1, s0;
	s0 =	smul.u32 $0xC800, s21;
	[smem:$0x7FF] =	sst s1  }
0x6: {  	s15 =	sadd.s32 $0x1200, s16;
	s23 =	sadd.s32 $0xE8C00, s16;
	s24 =	sadd.s32 $0xE8600, s16  }
0x7: {  	s25 =	sadd.s32 $0xE9200, s16;
	s11 =	smul.u32 $0xC8000, s6;
	s10 =	sor.u32 $0x40, s3  }
0x8: {  	s4 =	ssub.s32 $0x2, s6;
	s18 =	sadd.s32 $0x80, s3;
	s2 =	smul.u32 $0x50, s10  }
0x9: {  	s5 =	sshrl.u32 s4, $0x1;
	s7 =	sadd.s32 s11, s0;
	s3 =	smul.u32 $0x50, s18  }
0xa: {  	s17 =	ssub.s32 s4, s5;
	s5 =	sadd.s32 $0x5000, s0;
	s4 =	sshrl.u32 s7, $0x3  }
0xb: {  	s8 =	sadd.s32 s11, s2;
	s4 =	sadd.s32 s15, s4;
	s7 =	sadd.s32 s11, s3  }
0xc: {  	s9 =	sshrl.u32 s8, $0x3;
	[dreg:$0x4] =	wrdreg s4;
	s4 =	sadd.s32 $0x3C00, s0  }
0xd: {  	s7 =	sshrl.u32 s7, $0x3;
	s12 =	sadd.s32 s15, s9;
	s8 =	sadd.s32 s11, s4  }
0xe: {  	s9 =	sadd.s32 s11, s5;
	s7 =	sadd.s32 s15, s7;
	[dreg:$0x5] =	wrdreg s12  }
0xf: {  	s8 =	sshrl.u32 s8, $0x3;
	[dreg:$0x6] =	wrdreg s7;
	s14 =	sshrl.u32 s9, $0x3  }
0x10: {  	s9 =	sadd.s32 $0x8C00, s0;
	s13 =	sadd.s32 s15, s8;
	s7 =	sadd.s32 s15, s14  }
0x11: {  	s8 =	sadd.s32 $0x7800, s0;
	s14 =	sadd.s32 s11, s9;
	[dreg:$0x7] =	wrdreg s13  }
0x12: {  	[dreg:$0x8] =	wrdreg s7;
	s7 =	sadd.s32 $0x6400, s0;
	s13 =	sadd.s32 s11, s8  }
0x13: {  	s20 =	sshrl.u32 s14, $0x3;
	s12 =	sadd.s32 s11, s7;
	s13 =	sshrl.u32 s13, $0x3  }
0x14: {  	s14 =	sadd.s32 $0xB400, s0;
	s12 =	sshrl.u32 s12, $0x3;
	s19 =	sadd.s32 s15, s13  }
0x15: {  	s13 =	sadd.s32 $0xA000, s0;
	s12 =	sadd.s32 s15, s12;
	[dreg:$0xa] =	wrdreg s19  }
0x16: {  	s22 =	sadd.s32 s11, s13;
	s19 =	sadd.s32 s11, s14;
	s11 =	rddreg [dreg:$0x1]  }
0x17: {  	s6 =	smul.u32 $0x2800, s6;
	[dreg:$0x9] =	wrdreg s12;
	s12 =	sadd.s32 s15, s20  }
0x18: {  	s10 =	smul.u32 $0x140, s10;
	s20 =	sshrl.u32 s22, $0x3;
	[dreg:$0xb] =	wrdreg s12  }
0x19: {  	s19 =	sshrl.u32 s19, $0x3;
	s12 =	rddreg [dreg:$0x2];
	s20 =	sadd.s32 s15, s20  }
0x1a: {  	s17 =	smax.u32 s17, $0x1;
	s15 =	sadd.s32 s15, s19;
	[dreg:$0xc] =	wrdreg s20  }
0x1b: {  	s10 =	sshrl.u32 s10, $0x2;
	s19 =	sadd.s32 $0xB6600, s16;
	[dreg:$0xd] =	wrdreg s15  }
0x1c: {  	s15 =	sadd.s32 $0x84200, s16;
	s20 =	smul.u32 $0x4E20, s21;
	s10 =	sadd.s32 s10, s12  }
0x1d: {  	s0 =	sadd.s32 s0, s12;
	_ =	strace $0x8000004A;
	[dreg:$0xe] =	wrdreg s23  }
0x1e: {  	s2 =	sadd.s32 s2, s12;
	s3 =	sadd.s32 s3, s12;
	[dreg:$0xf] =	wrdreg s24  }
0x1f: {  	s4 =	sadd.s32 s4, s12;
	s5 =	sadd.s32 s5, s12;
	[dreg:$0x10] =	wrdreg s25  }
0x20: {  	s7 =	sadd.s32 s7, s12;
	s8 =	sadd.s32 s8, s12;
	[dreg:$0x13] =	wrdreg s17  }
0x21: {  	s9 =	sadd.s32 s9, s12;
	[dreg:$0x15] =	wrdreg s10;
	s26 =	sshrl.u32 s20, $0x3  }
0x22: {  	s0 =	sshrl.u32 s0, $0x3;
	s23 =	sadd.s32 $0xA0, s20;
	s16 =	sadd.s32 s11, s26  }
0x23: {  	s22 =	sadd.s32 s15, s26;
	[dreg:$0x12] =	wrdreg s16;
	s16 =	smul.u32 $0x32000, s21  }
0x24: {  	[dreg:$0x11] =	wrdreg s22;
	s22 =	sadd.s32 $0x50, s20;
	s20 =	smul.u32 $0x140, s18  }
0x25: {  	[dreg:$0x1e] =	wrdreg s0;
	s0 =	simm.s32 $0x5150;
	s21 =	sshrl.u32 s16, $0x2  }
0x26: {  	s24 =	sadd.s32 $0xF000, s16;
	s25 =	sshrl.u32 s20, $0x2;
	s20 =	sadd.s32 $0x14000, s16  }
0x27: {  	s18 =	sadd.s32 s21, s12;
	s26 =	sshrl.u32 s24, $0x2;
	s10 =	sadd.s32 s25, s12  }
0x28: {  	s21 =	sadd.s32 $0x19000, s16;
	s24 =	sadd.s32 $0x1E000, s16;
	[dreg:$0x14] =	wrdreg s18  }
0x29: {  	[dreg:$0x16] =	wrdreg s10;
	s18 =	sadd.s32 s26, s12;
	s10 =	sshrl.u32 s20, $0x2  }
0x2a: {  	s25 =	sshrl.u32 s21, $0x2;
	s26 =	sshrl.u32 s24, $0x2;
	s20 =	sadd.s32 $0x28000, s16  }
0x2b: {  	[dreg:$0x17] =	wrdreg s18;
	s10 =	sadd.s32 s10, s12;
	s17 =	sadd.s32 s26, s12  }
0x2c: {  	s18 =	sadd.s32 $0x23000, s16;
	s16 =	sadd.s32 $0x2D000, s16;
	s21 =	sshrl.u32 s20, $0x2  }
0x2d: {  	s26 =	sadd.s32 s14, s12;
	s14 =	sshrl.u32 s2, $0x3;
	[dreg:$0x18] =	wrdreg s10  }
0x2e: {  	s20 =	sshrl.u32 s7, $0x3;
	s2 =	simm.s32 $0x2;
	[dreg:$0x1a] =	wrdreg s17  }
0x2f: {  	s7 =	simm.s32 $0x6;
	s10 =	sadd.s32 s25, s12;
	[dreg:$0x1f] =	wrdreg s14  }
0x30: {  	s16 =	sshrl.u32 s16, $0x2;
	s25 =	sadd.s32 s13, s12;
	[smem:$0x7F9] =	sst s20  }
0x31: {  	s17 =	sshrl.u32 s4, $0x3;
	s26 =	sshrl.u32 s26, $0x3;
	[dreg:$0x19] =	wrdreg s10  }
0x32: {  	s20 =	simm.s32 $0x2800;
	s4 =	simm.s32 $0x4;
	[smem:$0x7F7] =	sst s17  }
0x33: {  	s10 =	sshrl.u32 s18, $0x2;
	s24 =	sadd.s32 s16, s12;
	[smem:$0x7FD] =	sst s26  }
0x34: {  	s16 =	sshrl.u32 s3, $0x3;
	s18 =	sshrl.u32 s5, $0x3;
	[dreg:$0x1d] =	wrdreg s24  }
0x35: {  	s25 =	sshrl.u32 s25, $0x3;
	s26 =	simm.s32 $0x1;
	[smem:$0x7F6] =	sst s16  }
0x36: {  	s3 =	simm.s32 $0x6AF0;
	s5 =	simm.s32 $0x51A0;
	[smem:$0x7F8] =	sst s18  }
0x37: {  	s10 =	sadd.s32 s10, s12;
	s24 =	sshrl.u32 s9, $0x3;
	[smem:$0x7FC] =	sst s25  }
0x38: {  	s18 =	simm.s32 $0x7;
	s25 =	simm.s32 $0x50B0;
	[dreg:$0x1b] =	wrdreg s10  }
0x39: {  	s10 =	sadd.s32 s21, s12;
	s21 =	sshrl.u32 s8, $0x3;
	[smem:$0x7FB] =	sst s24  }
0x3a: {  	s24 =	simm.s32 $0x5010;
	s8 =	simm.s32 $0x0;
	[dreg:$0x1c] =	wrdreg s10  }
0x3b: {  	v1 =	vimm.f32 $0.0e+00;
	v0 =	vmov s6;
	[smem:$0x7FA] =	sst s21;
	s21 =	simm.s32 $0x83F0;
	s10 =	simm.s32 $0x3  }
.LBB2_1:
0x3c: {  	s6 =	rddreg [dreg:$0xe]  }
0x3d: {  	[tilespmem:s1], [sflag:$0x7] =	stream.linear.gather [hbm4b:s6+s1], $0x2800, $0x38;
	[tilespmem:$0x15FF0] =	vst v63  }
0x3e: {  	_ =	swait.ge [sflag:s18], $0x2800  }
0x3f: {  	[sflag:s18] =	ssyncset.done $0x0  }
0x40: {  	s16 =	rddreg [dreg:$0xf];
	[sflag:s18] =	ssyncadd.s32 $0xFFFFD800  }
0x41: {  	[tilespmem:s20], [sflag:$0x7] =	stream.linear.gather [hbm4b:s16+s1], $0x2800, $0x38;
	[tilespmem:$0x15FF0] =	vst v63  }
0x42: {  	_ =	swait.ge [sflag:s18], $0x2800  }
0x43: {  	[sflag:s18] =	ssyncset.done $0x0  }
0x44: {  	s9 =	simm.s32 $0x5000;
	s17 =	rddreg [dreg:$0x10];
	[sflag:s18] =	ssyncadd.s32 $0xFFFFD800  }
0x45: {  	[tilespmem:s9], [sflag:$0x7] =	stream.linear.gather [hbm4b:s17+s1], $0x10, $0x38;
	[tilespmem:$0x15FF0] =	vst v63  }
0x46: {  	_ =	swait.ge [sflag:s18], $0x10  }
0x47: {  	[sflag:s18] =	ssyncset.done $0x0  }
0x48: {  	[sflag:s18] =	ssyncadd.s32 $0xFFFFFFF0  }
0x49: {  	s6 =	simm.s32 $0x0;
	s9 =	simm.s32 $0x140;
	v2 =	vld [tilespmem:$0x5000]  }
.LBB2_2:
0x4a: {  	p0 =	sne.s32 s9, $0x4EC0;
	[tilespmem:s6+$0x8430] =	vst v1;
	s13 =	smov.u32 s9;
	s9 =	sadd.s32 $0x140, s9  }
.Ltmp0:
0x4b: {  	[tilespmem:s6+$0x8420] =	vst v1;
	(pc) =	sbr.rel @p0 .LBB2_2-.Ltmp0, $4  }
0x4c: {  	[tilespmem:s6+$0x8410] =	vst v1  }
0x4d: {  	[tilespmem:s6+$0x83F0] =	vst v1  }
0x4e: {  	[tilespmem:s6+$0x8400] =	vst v1  }
0x4f: {  	s6 =	sshra.s32 s13, $0x2  }
0x50: {  	[tilespmem:s6+$0x8430] =	vst v1  }
0x51: {  	[tilespmem:s6+$0x8420] =	vst v1  }
0x52: {  	[tilespmem:s6+$0x8410] =	vst v1  }
0x53: {  	[tilespmem:s6+$0x83F0] =	vst v1  }
0x54: {  	[tilespmem:s6+$0x8400] =	vst v1;
	s16 =	rddreg [dreg:$0x14]  }
0x55: {  	[spmem:s16] =	stream.linear.scatter [tilespmem:s21], [sflag:$0x7], $0x1400, $0x38;
	[tilespmem:$0x15FF0] =	vst v63  }
0x56: {  	_ =	swait.ge [sflag:s18], $0x1400  }
0x57: {  	[sflag:s18] =	ssyncset.done $0x0  }
0x58: {  	s17 =	rddreg [dreg:$0x15];
	[sflag:s18] =	ssyncadd.s32 $0xFFFFEC00  }
0x59: {  	[spmem:s17] =	stream.linear.scatter [tilespmem:s21], [sflag:$0x7], $0x1400, $0x38;
	[tilespmem:$0x15FF0] =	vst v63  }
0x5a: {  	_ =	swait.ge [sflag:s18], $0x1400  }
0x5b: {  	[sflag:s18] =	ssyncset.done $0x0  }
0x5c: {  	s9 =	rddreg [dreg:$0x16];
	[sflag:s18] =	ssyncadd.s32 $0xFFFFEC00  }
0x5d: {  	[spmem:s9] =	stream.linear.scatter [tilespmem:s21], [sflag:$0x7], $0x1400, $0x38;
	[tilespmem:$0x15FF0] =	vst v63  }
0x5e: {  	_ =	swait.ge [sflag:s18], $0x1400  }
0x5f: {  	[sflag:s18] =	ssyncset.done $0x0  }
0x60: {  	s13 =	rddreg [dreg:$0x17];
	[sflag:s18] =	ssyncadd.s32 $0xFFFFEC00  }
0x61: {  	[spmem:s13] =	stream.linear.scatter [tilespmem:s21], [sflag:$0x7], $0x1400, $0x38;
	[tilespmem:$0x15FF0] =	vst v63  }
0x62: {  	_ =	swait.ge [sflag:s18], $0x1400  }
0x63: {  	[sflag:s18] =	ssyncset.done $0x0  }
0x64: {  	s14 =	rddreg [dreg:$0x18];
	[sflag:s18] =	ssyncadd.s32 $0xFFFFEC00  }
0x65: {  	[spmem:s14] =	stream.linear.scatter [tilespmem:s21], [sflag:$0x7], $0x1400, $0x38;
	[tilespmem:$0x15FF0] =	vst v63  }
0x66: {  	_ =	swait.ge [sflag:s18], $0x1400  }
0x67: {  	[sflag:s18] =	ssyncset.done $0x0  }
0x68: {  	s16 =	rddreg [dreg:$0x19];
	[sflag:s18] =	ssyncadd.s32 $0xFFFFEC00  }
0x69: {  	[spmem:s16] =	stream.linear.scatter [tilespmem:s21], [sflag:$0x7], $0x1400, $0x38;
	[tilespmem:$0x15FF0] =	vst v63  }
0x6a: {  	_ =	swait.ge [sflag:s18], $0x1400  }
0x6b: {  	[sflag:s18] =	ssyncset.done $0x0  }
0x6c: {  	s17 =	rddreg [dreg:$0x1a];
	[sflag:s18] =	ssyncadd.s32 $0xFFFFEC00  }
0x6d: {  	[spmem:s17] =	stream.linear.scatter [tilespmem:s21], [sflag:$0x7], $0x1400, $0x38;
	[tilespmem:$0x15FF0] =	vst v63  }
0x6e: {  	_ =	swait.ge [sflag:s18], $0x1400  }
0x6f: {  	[sflag:s18] =	ssyncset.done $0x0  }
0x70: {  	s9 =	rddreg [dreg:$0x1b];
	[sflag:s18] =	ssyncadd.s32 $0xFFFFEC00  }
0x71: {  	[spmem:s9] =	stream.linear.scatter [tilespmem:s21], [sflag:$0x7], $0x1400, $0x38;
	[tilespmem:$0x15FF0] =	vst v63  }
0x72: {  	_ =	swait.ge [sflag:s18], $0x1400  }
0x73: {  	[sflag:s18] =	ssyncset.done $0x0  }
0x74: {  	s13 =	rddreg [dreg:$0x1c];
	[sflag:s18] =	ssyncadd.s32 $0xFFFFEC00  }
0x75: {  	[spmem:s13] =	stream.linear.scatter [tilespmem:s21], [sflag:$0x7], $0x1400, $0x38;
	[tilespmem:$0x15FF0] =	vst v63  }
0x76: {  	_ =	swait.ge [sflag:s18], $0x1400  }
0x77: {  	[sflag:s18] =	ssyncset.done $0x0  }
0x78: {  	s14 =	rddreg [dreg:$0x1d];
	[sflag:s18] =	ssyncadd.s32 $0xFFFFEC00  }
0x79: {  	[spmem:s14] =	stream.linear.scatter [tilespmem:s21], [sflag:$0x7], $0x1400, $0x38;
	[tilespmem:$0x15FF0] =	vst v63  }
0x7a: {  	_ =	swait.ge [sflag:s18], $0x1400  }
0x7b: {  	[sflag:s18] =	ssyncset.done $0x0  }
0x7c: {  	[sflag:s18] =	ssyncadd.s32 $0xFFFFEC00  }
0x7d: {  	[bflag:$0x0] =	sbarrier.arrive $0xFFFF  }
0x7e: {  	s9 =	simm.s32 $0x0;
	s16 =	rddreg [dreg:$0x11]  }
0x7f: {  	[tilespmem:s24], [sflag:$0x1] =	stream.linear.gather [hbm4b:s16+s9], $0x50, $0x38;
	[tilespmem:$0x15FF0] =	vst v63  }
0x80: {  	s13 =	simm.s32 $0x0;
	s17 =	rddreg [dreg:$0x12]  }
0x81: {  	[tilespmem:s25], [sflag:$0x1] =	stream.linear.gather [hbm4b:s17+s9], $0x50, $0x38;
	[tilespmem:$0x15FF0] =	vst v63  }
.LBB2_4:
0x82: {  	_ =	swait.ge [sflag:s26], $0x50  }
0x83: {  	[sflag:s26] =	ssyncset.done $0x0  }
0x84: {  	[sflag:s26] =	ssyncadd.s32 $0xFFFFFFB0  }
0x85: {  	_ =	swait.ge [sflag:s26], $0x50  }
0x86: {  	[sflag:s26] =	ssyncset.done $0x0  }
0x87: {  	[sflag:s26] =	ssyncadd.s32 $0xFFFFFFB0  }
0x88: {  	v3 =	vld [tilespmem:$0x5010]  }
0x89: {  	v4 =	vld [tilespmem:$0x50B0];
	_ =	sdelay $0x6  }
0x8a: {  	v5 =	vld.idx.msk [tilespmem:v3+s1+$0x0], $0xffff  }
0x8b: {  	v4 =	vld.idx.msk [tilespmem:v4+s20+$0x0], $0xffff;
	_ =	sdelay $0x4  }
0x8c: {  	v4 =	vadd.f32 v4, v5;
	_ =	sdelay $0x1  }
0x8d: {  	v5 =	vmul.f32 $2.000000030e-01, v4  }
0x8e: {  	vm0 =	vgt.f32 v4, $0.0e+00  }
0x8f: {  	v4 =	vsel vm0, v4, v5  }
0x90: {  	v4 =	vsub.f32 v4, v2;
	_ =	sdelay $0x1  }
0x91: {  	v4 =	vmul.f32 $1.442695020e+00, v4;
	_ =	sdelay $0x1  }
0x92: {  	(erf) = vpow2.f32 v4;
	_ =	sdelay $0x2  }
0x93: {  	v4 =	vld [tilespmem:$0x5020]  }
0x94: {  	v5 =	vld [tilespmem:$0x50C0];
	_ =	sdelay $0x3  }
0x95: {  	v3 =	vadd.s32 v0, v3  }
0x96: {  	[tilespmem:$0x5010] =	vst v3;
	v6 =	vpop (erf)  }
0x97: {  	[tilespmem:$0x5150] =	vst v6  }
0x98: {  	v3 =	vld.idx.msk [tilespmem:v4+s1+$0x0], $0xffff  }
0x99: {  	v5 =	vld.idx.msk [tilespmem:v5+s20+$0x0], $0xffff;
	_ =	sdelay $0x4  }
0x9a: {  	v3 =	vadd.f32 v5, v3;
	_ =	sdelay $0x1  }
0x9b: {  	v5 =	vmul.f32 $2.000000030e-01, v3  }
0x9c: {  	vm12 =	vgt.f32 v3, $0.0e+00  }
0x9d: {  	v3 =	vsel vm12, v3, v5  }
0x9e: {  	v3 =	vsub.f32 v3, v2;
	_ =	sdelay $0x1  }
0x9f: {  	v3 =	vmul.f32 $1.442695020e+00, v3;
	_ =	sdelay $0x1  }
0xa0: {  	(erf) = vpow2.f32 v3;
	_ =	sdelay $0x2  }
0xa1: {  	v3 =	vld [tilespmem:$0x5030]  }
0xa2: {  	v5 =	vld [tilespmem:$0x50D0];
	_ =	sdelay $0x3  }
0xa3: {  	v4 =	vadd.s32 v0, v4  }
0xa4: {  	[tilespmem:$0x5020] =	vst v4;
	v6 =	vpop (erf)  }
0xa5: {  	[tilespmem:$0x5160] =	vst v6  }
0xa6: {  	v4 =	vld.idx.msk [tilespmem:v3+s1+$0x0], $0xffff  }
0xa7: {  	v5 =	vld.idx.msk [tilespmem:v5+s20+$0x0], $0xffff;
	_ =	sdelay $0x4  }
0xa8: {  	v4 =	vadd.f32 v5, v4;
	_ =	sdelay $0x1  }
0xa9: {  	v5 =	vmul.f32 $2.000000030e-01, v4  }
0xaa: {  	vm13 =	vgt.f32 v4, $0.0e+00  }
0xab: {  	v4 =	vsel vm13, v4, v5  }
0xac: {  	v4 =	vsub.f32 v4, v2;
	_ =	sdelay $0x1  }
0xad: {  	v4 =	vmul.f32 $1.442695020e+00, v4;
	_ =	sdelay $0x1  }
0xae: {  	(erf) = vpow2.f32 v4;
	_ =	sdelay $0x2  }
0xaf: {  	v4 =	vld [tilespmem:$0x5040]  }
0xb0: {  	v5 =	vld [tilespmem:$0x50E0];
	_ =	sdelay $0x3  }
0xb1: {  	v3 =	vadd.s32 v0, v3  }
0xb2: {  	[tilespmem:$0x5030] =	vst v3;
	v6 =	vpop (erf)  }
0xb3: {  	[tilespmem:$0x5170] =	vst v6  }
0xb4: {  	v3 =	vld.idx.msk [tilespmem:v4+s1+$0x0], $0xffff  }
0xb5: {  	v5 =	vld.idx.msk [tilespmem:v5+s20+$0x0], $0xffff;
	_ =	sdelay $0x4  }
0xb6: {  	v3 =	vadd.f32 v5, v3;
	_ =	sdelay $0x1  }
0xb7: {  	v5 =	vmul.f32 $2.000000030e-01, v3  }
0xb8: {  	vm14 =	vgt.f32 v3, $0.0e+00  }
0xb9: {  	v3 =	vsel vm14, v3, v5  }
0xba: {  	v3 =	vsub.f32 v3, v2;
	_ =	sdelay $0x1  }
0xbb: {  	v3 =	vmul.f32 $1.442695020e+00, v3;
	_ =	sdelay $0x1  }
0xbc: {  	(erf) = vpow2.f32 v3;
	_ =	sdelay $0x2  }
0xbd: {  	v3 =	vld [tilespmem:$0x5050]  }
0xbe: {  	v5 =	vld [tilespmem:$0x50F0];
	_ =	sdelay $0x3  }
0xbf: {  	v4 =	vadd.s32 v0, v4  }
0xc0: {  	[tilespmem:$0x5040] =	vst v4;
	v6 =	vpop (erf)  }
0xc1: {  	[tilespmem:$0x5180] =	vst v6  }
0xc2: {  	v4 =	vld.idx.msk [tilespmem:v3+s1+$0x0], $0xffff  }
0xc3: {  	v5 =	vld.idx.msk [tilespmem:v5+s20+$0x0], $0xffff;
	_ =	sdelay $0x4  }
0xc4: {  	v4 =	vadd.f32 v5, v4;
	_ =	sdelay $0x1  }
0xc5: {  	v5 =	vmul.f32 $2.000000030e-01, v4  }
0xc6: {  	vm15 =	vgt.f32 v4, $0.0e+00  }
0xc7: {  	v4 =	vsel vm15, v4, v5  }
0xc8: {  	v4 =	vsub.f32 v4, v2;
	_ =	sdelay $0x1  }
0xc9: {  	v4 =	vmul.f32 $1.442695020e+00, v4;
	_ =	sdelay $0x1  }
0xca: {  	(erf) = vpow2.f32 v4;
	_ =	sdelay $0x7  }
0xcb: {  	v3 =	vadd.s32 v0, v3  }
0xcc: {  	p0 =	seq.s32 s13, $0x0;
	[tilespmem:$0x5050] =	vst v3;
	v4 =	vpop (erf)  }
0xcd: {  	s14 =	smul.u32 $0xA0, s13;
	s6 =	simm.s32 @!p0 $0x6;
	[tilespmem:$0x5190] =	vst v4  }
0xce: {  	[tilespmem:s29], [sflag:$0x3] =	stream.indirect.gather [hbm4b:s19+s28], $0x50, s24, s28, $0xb8;
	[tilespmem:$0x15FF0] =	vst v63  }
0xcf: {  	s16 =	sadd.s32 s14, s22;
	_ =	swait.ge @!p0 [sflag:s6], $0x1900  }
0xd0: {  	s16 =	sshrl.u32 s16, $0x3;
	[sflag:s6] =	ssyncset.done @!p0 $0x0  }
0xd1: {  	s17 =	sadd.s32 s15, s16;
	[sflag:s6] =	ssyncadd.s32 @!p0 $0xFFFFE700  }
0xd2: {  	[tilespmem:s30], [sflag:$0x2] =	stream.linear.gather [hbm4b:s17+s9], $0x50, $0x38;
	[tilespmem:$0x15FF0] =	vst v63  }
0xd3: {  	s16 =	sadd.s32 s11, s16  }
0xd4: {  	[tilespmem:s31], [sflag:$0x2] =	stream.linear.gather [hbm4b:s16+s9], $0x50, $0x38;
	[tilespmem:$0x15FF0] =	vst v63  }
0xd5: {  	v3 =	vmov s9;
	_ =	swait.ge [sflag:s10], $0x1900  }
0xd6: {  	[sflag:s10] =	ssyncset.done $0x0  }
0xd7: {  	s16 =	simm.s32 $0x5210;
	[sflag:s10] =	ssyncadd.s32 $0xFFFFE700  }
0xd8: {  	v4 =	vld [tilespmem:s16+$0xFFFFFFF0]  }
0xd9: {  	v5 =	vld [tilespmem:s16+$0x10]  }
0xda: {  	v8 =	vld.idx.msk [tilespmem:v3+s0+$0x0], $0xffff  }
0xdb: {  	v3 =	vld [tilespmem:s16+$0xFFFFFFE0]  }
0xdc: {  	v7 =	vld [tilespmem:s16+$0x0]  }
0xdd: {  	v9 =	vld [tilespmem:s16+$0x20];
	_ =	sdelay $0x2  }
0xde: {  	v10 =	vmul.f32 v3, v8  }
0xdf: {  	s17 =	simm.s32 $0x1;
	v6 =	vmul.f32 v4, v8;
	v7 =	vmul.f32 v7, v8  }
0xe0: {  	s6 =	simm.s32 $0x2;
	v4 =	vmul.f32 v5, v8;
	v3 =	vmov s17;
	v5 =	vmul.f32 v9, v8;
	s17 =	simm.s32 $0x5210;
	[tilespmem:s16+$0xFFFFFFE0] =	vst v10  }
.LBB2_5:
0xe1: {  	p0 =	sne.s32 s6, $0x4F;
	[tilespmem:s16+$0xFFFFFFF0] =	vst v6  }
0xe2: {  	s16 =	sadd.s32 $0x50, s16;
	[tilespmem:s17+$0x0] =	vst v7  }
0xe3: {  	v6 =	vld [tilespmem:s16+$0xFFFFFFF0];
	[tilespmem:s17+$0x10] =	vst v4  }
0xe4: {  	v4 =	vld [tilespmem:s16+$0x10];
	[tilespmem:s17+$0x20] =	vst v5;
	s17 =	smov.u32 s16  }
0xe5: {  	v5 =	vld.idx.msk [tilespmem:v3+s0+$0x0], $0xffff  }
0xe6: {  	v3 =	vld [tilespmem:s16+$0xFFFFFFE0]  }
0xe7: {  	v7 =	vld [tilespmem:s16+$0x0]  }
0xe8: {  	v8 =	vld [tilespmem:s16+$0x20]  }
.Ltmp1:
0xe9: {  	(pc) =	sbr.rel @p0 .LBB2_5-.Ltmp1, $4  }
0xea: {  	_ = 	snop  }
0xeb: {  	v6 =	vmul.f32 v6, v5;
	v9 =	vmul.f32 v3, v5  }
0xec: {  	v4 =	vmul.f32 v4, v5;
	v7 =	vmul.f32 v7, v5  }
0xed: {  	v3 =	vmov s6;
	s6 =	sadd.s32 $0x1, s6;
	[tilespmem:s16+$0xFFFFFFE0] =	vst v9;
	v5 =	vmul.f32 v8, v5  }
0xee: {  	[tilespmem:s16+$0xFFFFFFF0] =	vst v6  }
0xef: {  	s6 =	sadd.s32 $0x50, s16;
	[tilespmem:s17+$0x0] =	vst v7  }
0xf0: {  	v6 =	vld [tilespmem:s6+$0xFFFFFFF0];
	[tilespmem:s17+$0x10] =	vst v4  }
0xf1: {  	v4 =	vld [tilespmem:s6+$0x10]  }
0xf2: {  	[tilespmem:s17+$0x20] =	vst v5;
	v5 =	vld [tilespmem:s6+$0xFFFFFFE0]  }
0xf3: {  	v3 =	vld.idx.msk [tilespmem:v3+s0+$0x0], $0xffff;
	_ =	sdelay $0x1  }
0xf4: {  	v7 =	vld [tilespmem:s6+$0x0];
	_ =	sdelay $0x1  }
0xf5: {  	v8 =	vld [tilespmem:s6+$0x20]  }
0xf6: {  	v5 =	vmul.f32 v5, v3  }
0xf7: {  	v6 =	vmul.f32 v6, v3  }
0xf8: {  	v7 =	vmul.f32 v7, v3;
	[tilespmem:s6+$0xFFFFFFE0] =	vst v5  }
0xf9: {  	v4 =	vmul.f32 v4, v3;
	[tilespmem:s6+$0xFFFFFFF0] =	vst v6  }
0xfa: {  	v3 =	vmul.f32 v8, v3;
	[tilespmem:s6+$0x0] =	vst v7  }
0xfb: {  	[tilespmem:s6+$0x10] =	vst v4  }
0xfc: {  	[tilespmem:s6+$0x20] =	vst v3  }
0xfd: {  	[spmem:s12] =	stream.indirect.scatter.add.f32 [tilespmem:s29], [sflag:$0x5], $0x50, s25, s28, $0xb8;
	[tilespmem:$0x15FF0] =	vst v63  }
0xfe: {  	_ =	swait.ge [sflag:s2], $0x50  }
0xff: {  	[sflag:s2] =	ssyncset.done $0x0  }
0x100: {  	[sflag:s2] =	ssyncadd.s32 $0xFFFFFFB0  }
0x101: {  	_ =	swait.ge [sflag:s2], $0x50  }
0x102: {  	[sflag:s2] =	ssyncset.done $0x0  }
0x103: {  	[sflag:s2] =	ssyncadd.s32 $0xFFFFFFB0  }
0x104: {  	v3 =	vld [tilespmem:$0x5060]  }
0x105: {  	v4 =	vld [tilespmem:$0x5100];
	_ =	sdelay $0x6  }
0x106: {  	v5 =	vld.idx.msk [tilespmem:v3+s1+$0x0], $0xffff  }
0x107: {  	v4 =	vld.idx.msk [tilespmem:v4+s20+$0x0], $0xffff;
	_ =	sdelay $0x4  }
0x108: {  	v4 =	vadd.f32 v4, v5;
	_ =	sdelay $0x1  }
0x109: {  	v5 =	vmul.f32 $2.000000030e-01, v4  }
0x10a: {  	vm0 =	vgt.f32 v4, $0.0e+00  }
0x10b: {  	v4 =	vsel vm0, v4, v5  }
0x10c: {  	v4 =	vsub.f32 v4, v2;
	_ =	sdelay $0x1  }
0x10d: {  	v4 =	vmul.f32 $1.442695020e+00, v4;
	_ =	sdelay $0x1  }
0x10e: {  	(erf) = vpow2.f32 v4;
	_ =	sdelay $0x2  }
0x10f: {  	v4 =	vld [tilespmem:$0x5070]  }
0x110: {  	v5 =	vld [tilespmem:$0x5110];
	_ =	sdelay $0x3  }
0x111: {  	v3 =	vadd.s32 v0, v3  }
0x112: {  	[tilespmem:$0x5060] =	vst v3;
	v6 =	vpop (erf)  }
0x113: {  	[tilespmem:$0x51A0] =	vst v6  }
0x114: {  	v3 =	vld.idx.msk [tilespmem:v4+s1+$0x0], $0xffff  }
0x115: {  	v5 =	vld.idx.msk [tilespmem:v5+s20+$0x0], $0xffff;
	_ =	sdelay $0x4  }
0x116: {  	v3 =	vadd.f32 v5, v3;
	_ =	sdelay $0x1  }
0x117: {  	v5 =	vmul.f32 $2.000000030e-01, v3  }
0x118: {  	vm12 =	vgt.f32 v3, $0.0e+00  }
0x119: {  	v3 =	vsel vm12, v3, v5  }
0x11a: {  	v3 =	vsub.f32 v3, v2;
	_ =	sdelay $0x1  }
0x11b: {  	v3 =	vmul.f32 $1.442695020e+00, v3;
	_ =	sdelay $0x1  }
0x11c: {  	(erf) = vpow2.f32 v3;
	_ =	sdelay $0x2  }
0x11d: {  	v3 =	vld [tilespmem:$0x5080]  }
0x11e: {  	v5 =	vld [tilespmem:$0x5120];
	_ =	sdelay $0x3  }
0x11f: {  	v4 =	vadd.s32 v0, v4  }
0x120: {  	[tilespmem:$0x5070] =	vst v4;
	v6 =	vpop (erf)  }
0x121: {  	[tilespmem:$0x51B0] =	vst v6  }
0x122: {  	v4 =	vld.idx.msk [tilespmem:v3+s1+$0x0], $0xffff  }
0x123: {  	v5 =	vld.idx.msk [tilespmem:v5+s20+$0x0], $0xffff;
	_ =	sdelay $0x4  }
0x124: {  	v4 =	vadd.f32 v5, v4;
	_ =	sdelay $0x1  }
0x125: {  	v5 =	vmul.f32 $2.000000030e-01, v4  }
0x126: {  	vm13 =	vgt.f32 v4, $0.0e+00  }
0x127: {  	v4 =	vsel vm13, v4, v5  }
0x128: {  	v4 =	vsub.f32 v4, v2;
	_ =	sdelay $0x1  }
0x129: {  	v4 =	vmul.f32 $1.442695020e+00, v4;
	_ =	sdelay $0x1  }
0x12a: {  	(erf) = vpow2.f32 v4;
	_ =	sdelay $0x2  }
0x12b: {  	v4 =	vld [tilespmem:$0x5090]  }
0x12c: {  	v5 =	vld [tilespmem:$0x5130];
	_ =	sdelay $0x3  }
0x12d: {  	v3 =	vadd.s32 v0, v3  }
0x12e: {  	[tilespmem:$0x5080] =	vst v3;
	v6 =	vpop (erf)  }
0x12f: {  	[tilespmem:$0x51C0] =	vst v6  }
0x130: {  	v3 =	vld.idx.msk [tilespmem:v4+s1+$0x0], $0xffff  }
0x131: {  	v5 =	vld.idx.msk [tilespmem:v5+s20+$0x0], $0xffff;
	_ =	sdelay $0x4  }
0x132: {  	v3 =	vadd.f32 v5, v3;
	_ =	sdelay $0x1  }
0x133: {  	v5 =	vmul.f32 $2.000000030e-01, v3  }
0x134: {  	vm14 =	vgt.f32 v3, $0.0e+00  }
0x135: {  	v3 =	vsel vm14, v3, v5  }
0x136: {  	v3 =	vsub.f32 v3, v2;
	_ =	sdelay $0x1  }
0x137: {  	v3 =	vmul.f32 $1.442695020e+00, v3;
	_ =	sdelay $0x1  }
0x138: {  	(erf) = vpow2.f32 v3;
	_ =	sdelay $0x2  }
0x139: {  	v3 =	vld [tilespmem:$0x50A0]  }
0x13a: {  	v5 =	vld [tilespmem:$0x5140];
	_ =	sdelay $0x3  }
0x13b: {  	v4 =	vadd.s32 v0, v4  }
0x13c: {  	[tilespmem:$0x5090] =	vst v4;
	v6 =	vpop (erf)  }
0x13d: {  	[tilespmem:$0x51D0] =	vst v6  }
0x13e: {  	v4 =	vld.idx.msk [tilespmem:v3+s1+$0x0], $0xffff  }
0x13f: {  	v5 =	vld.idx.msk [tilespmem:v5+s20+$0x0], $0xffff;
	_ =	sdelay $0x4  }
0x140: {  	v4 =	vadd.f32 v5, v4;
	_ =	sdelay $0x1  }
0x141: {  	v5 =	vmul.f32 $2.000000030e-01, v4  }
0x142: {  	vm15 =	vgt.f32 v4, $0.0e+00  }
0x143: {  	v4 =	vsel vm15, v4, v5  }
0x144: {  	v4 =	vsub.f32 v4, v2;
	_ =	sdelay $0x1  }
0x145: {  	v4 =	vmul.f32 $1.442695020e+00, v4;
	_ =	sdelay $0x1  }
0x146: {  	(erf) = vpow2.f32 v4;
	_ =	sdelay $0x7  }
0x147: {  	v3 =	vadd.s32 v0, v3  }
0x148: {  	p0 =	seq.s32 s13, $0x7C;
	[tilespmem:$0x50A0] =	vst v3;
	v4 =	vpop (erf)  }
0x149: {  	s6 =	simm.s32 @!p0 $0x5;
	[tilespmem:$0x51E0] =	vst v4  }
0x14a: {  	[tilespmem:s3], [sflag:$0x4] =	stream.indirect.gather [hbm4b:s19+s28], $0x50, s30, s28, $0xb8;
	[tilespmem:$0x15FF0] =	vst v63  }
0x14b: {  	_ =	swait.ge @!p0 [sflag:s6], $0x1900  }
0x14c: {  	s14 =	sadd.s32 @!p0 s14, s23;
	[sflag:s6] =	ssyncset.done @!p0 $0x0  }
0x14d: {  	[sflag:s6] =	ssyncadd.s32 @!p0 $0xFFFFE700;
	s6 =	sshrl.u32 @!p0 s14, $0x3  }
0x14e: {  	s16 =	simm.s32 @!p0 $0x0;
	s17 =	simm.s32 @!p0 $0x5010;
	s14 =	sadd.s32 @!p0 s15, s6  }
0x14f: {  	[tilespmem:s17], [sflag:$0x1] =	stream.linear.gather @!p0 [hbm4b:s14+s16], $0x50, $0x38;
	[tilespmem:$0x15FF0] =	vst v63  }
0x150: {  	s6 =	sadd.s32 @!p0 s11, s6;
	s14 =	simm.s32 @!p0 $0x50B0  }
0x151: {  	[tilespmem:s14], [sflag:$0x1] =	stream.linear.gather @!p0 [hbm4b:s6+s16], $0x50, $0x38;
	[tilespmem:$0x15FF0] =	vst v63  }
0x152: {  	s16 =	simm.s32 $0x0  }
0x153: {  	_ =	swait.ge [sflag:s4], $0x1900;
	v3 =	vmov s16  }
0x154: {  	[sflag:s4] =	ssyncset.done $0x0  }
0x155: {  	s14 =	simm.s32 $0x6B10;
	[sflag:s4] =	ssyncadd.s32 $0xFFFFE700  }
0x156: {  	v4 =	vld [tilespmem:s14+$0xFFFFFFF0]  }
0x157: {  	v5 =	vld [tilespmem:s14+$0x10]  }
0x158: {  	v8 =	vld.idx.msk [tilespmem:v3+s5+$0x0], $0xffff  }
0x159: {  	v3 =	vld [tilespmem:s14+$0xFFFFFFE0]  }
0x15a: {  	v7 =	vld [tilespmem:s14+$0x0]  }
0x15b: {  	v9 =	vld [tilespmem:s14+$0x20];
	_ =	sdelay $0x2  }
0x15c: {  	v10 =	vmul.f32 v3, v8  }
0x15d: {  	s17 =	simm.s32 $0x1;
	v6 =	vmul.f32 v4, v8;
	v7 =	vmul.f32 v7, v8  }
0x15e: {  	s6 =	simm.s32 $0x2;
	s16 =	simm.s32 $0x6B10;
	v4 =	vmul.f32 v5, v8;
	v3 =	vmov s17;
	v5 =	vmul.f32 v9, v8;
	[tilespmem:s14+$0xFFFFFFE0] =	vst v10  }
.LBB2_7:
0x15f: {  	p0 =	sne.s32 s6, $0x4F;
	[tilespmem:s14+$0xFFFFFFF0] =	vst v6  }
0x160: {  	s14 =	sadd.s32 $0x50, s14;
	[tilespmem:s16+$0x0] =	vst v7  }
0x161: {  	v6 =	vld [tilespmem:s14+$0xFFFFFFF0];
	[tilespmem:s16+$0x10] =	vst v4  }
0x162: {  	v4 =	vld [tilespmem:s14+$0x10];
	[tilespmem:s16+$0x20] =	vst v5;
	s16 =	smov.u32 s14  }
0x163: {  	v5 =	vld.idx.msk [tilespmem:v3+s5+$0x0], $0xffff  }
0x164: {  	v3 =	vld [tilespmem:s14+$0xFFFFFFE0]  }
0x165: {  	v7 =	vld [tilespmem:s14+$0x0]  }
0x166: {  	v8 =	vld [tilespmem:s14+$0x20]  }
.Ltmp2:
0x167: {  	(pc) =	sbr.rel @p0 .LBB2_7-.Ltmp2, $4  }
0x168: {  	_ = 	snop  }
0x169: {  	v6 =	vmul.f32 v6, v5;
	v9 =	vmul.f32 v3, v5  }
0x16a: {  	v4 =	vmul.f32 v4, v5;
	v7 =	vmul.f32 v7, v5  }
0x16b: {  	v3 =	vmov s6;
	s6 =	sadd.s32 $0x1, s6;
	[tilespmem:s14+$0xFFFFFFE0] =	vst v9;
	v5 =	vmul.f32 v8, v5  }
0x16c: {  	[tilespmem:s14+$0xFFFFFFF0] =	vst v6  }
0x16d: {  	s6 =	sadd.s32 $0x50, s14;
	[tilespmem:s16+$0x0] =	vst v7  }
0x16e: {  	v6 =	vld [tilespmem:s6+$0xFFFFFFF0];
	[tilespmem:s16+$0x10] =	vst v4  }
0x16f: {  	v4 =	vld [tilespmem:s6+$0x10]  }
0x170: {  	[tilespmem:s16+$0x20] =	vst v5;
	v63 =	vld [tilespmem:s6+$0xFFFFFFE0]  }
0x171: {  	v3 =	vld.idx.msk [tilespmem:v3+s5+$0x0], $0xffff;
	_ =	sdelay $0x1  }
0x172: {  	v7 =	vld [tilespmem:s6+$0x0];
	_ =	sdelay $0x1  }
0x173: {  	v8 =	vld [tilespmem:s6+$0x20]  }
0x174: {  	v5 =	vmul.f32 v63, v3  }
0x175: {  	s13 =	sadd.s32 $0x1, s13;
	v6 =	vmul.f32 v6, v3  }
0x176: {  	p0 =	sne.s32 s13, $0x7D;
	v7 =	vmul.f32 v7, v3;
	[tilespmem:s6+$0xFFFFFFE0] =	vst v5  }
.Ltmp3:
0x177: {  	v4 =	vmul.f32 v4, v3;
	[tilespmem:s6+$0xFFFFFFF0] =	vst v6;
	(pc) =	sbr.rel @p0 .LBB2_4-.Ltmp3, $4  }
0x178: {  	v3 =	vmul.f32 v8, v3;
	[tilespmem:s6+$0x0] =	vst v7  }
0x179: {  	[tilespmem:s6+$0x10] =	vst v4  }
0x17a: {  	[tilespmem:s6+$0x20] =	vst v3  }
0x17b: {  	[spmem:s12] =	stream.indirect.scatter.add.f32 [tilespmem:s3], [sflag:$0x6], $0x50, s31, s28, $0xb8;
	[tilespmem:$0x15FF0] =	vst v63  }
0x17c: {  	s6 =	simm.s32 $0x5  }
0x17d: {  	_ =	swait.ge [sflag:s6], $0x1900  }
0x17e: {  	[sflag:s6] =	ssyncset.done $0x0  }
0x17f: {  	[sflag:s6] =	ssyncadd.s32 $0xFFFFE700  }
0x180: {  	_ =	swait.ge [sflag:s7], $0x1900  }
0x181: {  	[sflag:s7] =	ssyncset.done $0x0  }
0x182: {  	[sflag:s7] =	ssyncadd.s32 $0xFFFFE700  }
0x183: {  	s9 =	stileid.u32;
	[bflag:$0x0] =	sbarrier.arrive $0xFFFF  }
0x184: {  	s6 =	sshll.u32 s9, $0x6;
	s9 =	rddreg [dreg:$0x4]  }
0x185: {  	s6 =	sor.u32 $0x1C07, s6;
	s13 =	rddreg [dreg:$0x1e]  }
0x186: {  	[hbm:s9], [sflag:s6] =	dma.local [spmem:s13], $0x280  }
0x187: {  	_ =	swait.ge [sflag:s18], $0x280  }
0x188: {  	[sflag:s18] =	ssyncset.done $0x0;
	s13 =	rddreg [dreg:$0x5]  }
0x189: {  	s14 =	rddreg [dreg:$0x1f];
	[sflag:s18] =	ssyncadd.s32 $0xFFFFFD80  }
0x18a: {  	[hbm:s13], [sflag:s6] =	dma.local [spmem:s14], $0x280  }
0x18b: {  	_ =	swait.ge [sflag:s18], $0x280  }
0x18c: {  	s17 =	sld [smem:$0x7F6]  }
0x18d: {  	[sflag:s18] =	ssyncset.done $0x0  }
0x18e: {  	s16 =	rddreg [dreg:$0x6];
	[sflag:s18] =	ssyncadd.s32 $0xFFFFFD80  }
0x18f: {  	[hbm:s16], [sflag:s6] =	dma.local [spmem:s17], $0x280  }
0x190: {  	_ =	swait.ge [sflag:s18], $0x280  }
0x191: {  	s14 =	sld [smem:$0x7F7]  }
0x192: {  	[sflag:s18] =	ssyncset.done $0x0  }
0x193: {  	s13 =	rddreg [dreg:$0x7];
	[sflag:s18] =	ssyncadd.s32 $0xFFFFFD80  }
0x194: {  	[hbm:s13], [sflag:s6] =	dma.local [spmem:s14], $0x280  }
0x195: {  	_ =	swait.ge [sflag:s18], $0x280  }
0x196: {  	s17 =	sld [smem:$0x7F8]  }
0x197: {  	[sflag:s18] =	ssyncset.done $0x0  }
0x198: {  	s16 =	rddreg [dreg:$0x8];
	[sflag:s18] =	ssyncadd.s32 $0xFFFFFD80  }
0x199: {  	[hbm:s16], [sflag:s6] =	dma.local [spmem:s17], $0x280  }
0x19a: {  	_ =	swait.ge [sflag:s18], $0x280  }
0x19b: {  	s14 =	sld [smem:$0x7F9]  }
0x19c: {  	[sflag:s18] =	ssyncset.done $0x0  }
0x19d: {  	s13 =	rddreg [dreg:$0x9];
	[sflag:s18] =	ssyncadd.s32 $0xFFFFFD80  }
0x19e: {  	[hbm:s13], [sflag:s6] =	dma.local [spmem:s14], $0x280  }
0x19f: {  	_ =	swait.ge [sflag:s18], $0x280  }
0x1a0: {  	s17 =	sld [smem:$0x7FA]  }
0x1a1: {  	[sflag:s18] =	ssyncset.done $0x0  }
0x1a2: {  	s16 =	rddreg [dreg:$0xa];
	[sflag:s18] =	ssyncadd.s32 $0xFFFFFD80  }
0x1a3: {  	[hbm:s16], [sflag:s6] =	dma.local [spmem:s17], $0x280  }
0x1a4: {  	_ =	swait.ge [sflag:s18], $0x280  }
0x1a5: {  	s14 =	sld [smem:$0x7FB]  }
0x1a6: {  	[sflag:s18] =	ssyncset.done $0x0  }
0x1a7: {  	s13 =	rddreg [dreg:$0xb];
	[sflag:s18] =	ssyncadd.s32 $0xFFFFFD80  }
0x1a8: {  	[hbm:s13], [sflag:s6] =	dma.local [spmem:s14], $0x280  }
0x1a9: {  	_ =	swait.ge [sflag:s18], $0x280  }
0x1aa: {  	s17 =	sld [smem:$0x7FC]  }
0x1ab: {  	[sflag:s18] =	ssyncset.done $0x0  }
0x1ac: {  	s16 =	rddreg [dreg:$0xc];
	[sflag:s18] =	ssyncadd.s32 $0xFFFFFD80  }
0x1ad: {  	[hbm:s16], [sflag:s6] =	dma.local [spmem:s17], $0x280  }
0x1ae: {  	_ =	swait.ge [sflag:s18], $0x280  }
0x1af: {  	s16 =	sld [smem:$0x7FD]  }
0x1b0: {  	[sflag:s18] =	ssyncset.done $0x0  }
0x1b1: {  	s14 =	rddreg [dreg:$0xd];
	[sflag:s18] =	ssyncadd.s32 $0xFFFFFD80  }
0x1b2: {  	[hbm:s14], [sflag:s6] =	dma.local [spmem:s16], $0x280  }
0x1b3: {  	_ =	swait.ge [sflag:s18], $0x280  }
0x1b4: {  	s8 =	sadd.s32 $0x1, s8;
	s17 =	rddreg [dreg:$0x13]  }
0x1b5: {  	p0 =	sne.s32 s8, s17  }
.Ltmp4:
0x1b6: {  	_ = 	snop;
	(pc) =	sbr.rel @p0 .LBB2_1-.Ltmp4, $3  }
0x1b7: {  	_ =	sdelay $0x1  }
0x1b8: {  	[sflag:s18] =	ssyncset.done $0x0  }
0x1b9: {  	[sflag:s18] =	ssyncadd.s32 $0xFFFFFD80  }
0x1ba: {  	_ =	sfence.sel $0x180000  }
0x1bb: {  	[bflag:$0x0] =	sbarrier.arrive $0xFFFF  }
0x1bc: {  	_ =	strace $0x9000004A  }
0x1bd: {  	s0 =	stileid.u32;
	[bflag:$0x2] =	sbarrier.arrive $0xFFFF  }
0x1be: {  	p0 =	sne.s32 s0, $0x0;
	s0 =	rddreg [dreg:$0x3]  }
0x1bf: {  	s0 =	sadd.s32 @!p0 $0x100000, s0  }
0x1c0: {  	[sflag:s0] =	ssyncadd.tile.s32 @!p0 $0x1;
	_ =	shalt  }
.Lfunc_end2:
_tile_overlayer_lowered:
.L_overlay_start_2:
0x1c1: {  	(tag) =	ssettag $0x2  }
0x1c2: {  	s0 =	rddreg [dreg:$0x0];
	s2 =	stileid.u32  }
0x1c3: {  	s1 =	rddreg [dreg:$0x1];
	p0 =	sne.s32 s2, $0x0  }
0x1c4: {  	s3 =	rddreg [dreg:$0x2];
	[bflag:$0x3] =	sbarrier.arrive $0xFFFF;
	s2 =	simm.s32 @!p0 $0x1C07  }
0x1c5: {  	[timem:s3], [sflag:s2] =	dma.local @!p0 [hbm:s0], s1  }
0x1c6: {  	s0 =	simm.s32 @!p0 $0x7  }
0x1c7: {  	_ =	swait.ge @!p0 [sflag:s0], s1  }
0x1c8: {  	s1 =	ssub.s32 @!p0 $0x0, s1;
	[sflag:s0] =	ssyncset.done @!p0 $0x0  }
0x1c9: {  	[sflag:s0] =	ssyncadd.s32 @!p0 s1  }
0x1ca: {  	[bflag:$0x3] =	sbarrier.arrive $0xFFFF  }
0x1cb: {  	_ =	shalt  }

// kernel: kernel.7.cloned.1.call-start
scs
__scs_entry_jumppad:
0x0: {  	(pc) =	sbr.rel $0x88, $3  }
0x1: {  	(tag) =	ssettag $0x0;
	lr =	simm.s32 $0x1  }
0x2: {  	[smem:$0x3F8F] =	sst lr;
	_ =	strace $0xD0000000  }
0x3: {  	_ = 	snop  }
0x4: {  	_ = 	snop  }
0x5: {  	_ = 	snop  }
0x6: {  	_ = 	snop  }
0x7: {  	_ = 	snop  }
__scs_overlays_trampoline_lowered:
0x8: {  	[smem:$0x3F9E] =	sst s0  }
0x9: {  	[smem:$0x3F9F] =	sst s1  }
0xa: {  	[smem:$0x3FA0] =	sst s2  }
0xb: {  	[smem:$0x3FA1] =	sst s3  }
0xc: {  	[smem:$0x3FA2] =	sst s4  }
0xd: {  	[smem:$0x3FA3] =	sst s5  }
0xe: {  	[smem:$0x3FA4] =	sst s6  }
0xf: {  	[smem:$0x3FA5] =	sst s7  }
0x10: {  	[smem:$0x3FA6] =	sst s8  }
0x11: {  	[smem:$0x3FA7] =	sst s9;
	s0 =	simm.s32 @!p0 $0x0  }
0x12: {  	s1 =	sld [smem:$0x3F8D];
	s0 =	simm.s32 @p0 $0x1  }
0x13: {  	[smem:$0x3FA8] =	sst s0;
	s0 =	simm.s32 @!p1 $0x0  }
0x14: {  	s2 =	sld [smem:$0x3F8C];
	s0 =	simm.s32 @p1 $0x1  }
0x15: {  	[smem:$0x3FA9] =	sst s0;
	s0 =	simm.s32 @!p2 $0x0  }
0x16: {  	s3 =	sld [smem:$0x3FDB];
	s0 =	simm.s32 @p2 $0x1  }
0x17: {  	s4 =	simm.s32 $0x1BF5;
	[smem:$0x3FAB] =	sst s0  }
0x18: {  	s0 =	sld [smem:$0x3F8E];
	_ =	swait.ge [sflag:s4], $0x0  }
0x19: {  	s7 =	sld [smem:$0x3F8F]  }
0x1a: {  	s8 =	sadd.s32 $0xFFFFE003, lr  }
0x1b: {  	s9 =	sadd.s32 $0xFFFFFEF7, lr;
	s5 =	simm.s32 $0xFFFFFFFF;
	p2 =	slt.u32 s8, $0xFFFFF086  }
0x1c: {  	p1 =	slt.u32 s9, $0xF7A;
	s5 =	simm.s32 @!p2 $0x0  }
0x1d: {  	s5 =	simm.s32 @p1 $0x1;
	p0 =	seq.s32 s7, s2  }
0x1e: {  	s7 =	smul.u32 @!p0 $0xF7A, s2;
	p2 =	seq.s32 @!p0 s5, $0x0  }
0x1f: {  	s9 =	smul.u32 $0xF7A, s1;
	s8 =	simm.s32 @!p0 $0x1BF5;
	p2 =	por !p2, p0  }
0x20: {  	[sflag:s8] =	ssyncset.s32 @!p0 $0xFFFFF086;
	s6 =	sadd.s32 @!p0 s3, s7;
	s7 =	simm.s32 @!p0 $0x108  }
0x21: {  	s3 =	sadd.s32 s3, s9;
	s6 =	sadd.s32 @!p0 $0x88, s6;
	s7 =	simm.s32 @p2 $0x1082  }
0x22: {  	[simem:s7], [sflag:s8] =	dma.local @!p0 [hbm:s6], $0xF7A  }
0x23: {  	s9 =	sor.u32 $0xD0000000, s2;
	s6 =	simm.s32 $0x108;
	_ =	swait.ge @!p0 [sflag:s8], $0x0  }
0x24: {  	s3 =	sadd.s32 $0x88, s3;
	s6 =	simm.s32 @!p1 $0x1082;
	[sflag:s4] =	ssyncset.s32 $0xFFFFF086  }
0x25: {  	[simem:s6], [sflag:s4] =	dma.local [hbm:s3], $0xF7A  }
0x26: {  	[smem:$0x3F8F] =	sst s1;
	(tag) =	ssettag s2;
	_ =	strace s9  }
0x27: {  	s1 =	sld [smem:$0x3F9F]  }
0x28: {  	s2 =	sld [smem:$0x3FA0]  }
0x29: {  	s4 =	sld [smem:$0x3FA2]  }
0x2a: {  	p0 =	seq.s32 s5, $0x0;
	s5 =	sld [smem:$0x3FA3]  }
0x2b: {  	s6 =	sld [smem:$0x3FA4]  }
0x2c: {  	s7 =	sld [smem:$0x3FA5]  }
0x2d: {  	s3 =	simm.s32 $0x108;
	s8 =	sld [smem:$0x3FA6]  }
0x2e: {  	s3 =	simm.s32 @!p0 $0x1082;
	s9 =	sld [smem:$0x3FA7]  }
0x2f: {  	lr =	sadd.s32 s0, s3;
	s0 =	sld [smem:$0x3F9E]  }
0x30: {  	s3 =	sld [smem:$0x3FA1]  }
0x31: {  	[smem:$0x3FAA] =	sst s10  }
0x32: {  	s10 =	sld [smem:$0x3FA8];
	_ =	sdelay $0x3  }
0x33: {  	p0 =	seq.s32 s10, $0x1;
	s10 =	sld [smem:$0x3FAA];
	_ =	sdelay $0x3  }
0x34: {  	[smem:$0x3FAA] =	sst s10  }
0x35: {  	s10 =	sld [smem:$0x3FA9];
	_ =	sdelay $0x3  }
0x36: {  	p1 =	seq.s32 s10, $0x1;
	s10 =	sld [smem:$0x3FAA];
	_ =	sdelay $0x3  }
0x37: {  	[smem:$0x3FAA] =	sst s10  }
0x38: {  	s10 =	sld [smem:$0x3FAB]  }
0x39: {  	_ = 	snop;
	(pc) =	sbr.ind lr, $3  }
0x3a: {  	_ = 	snop  }
0x3b: {  	_ = 	snop  }
0x3c: {  	p2 =	seq.s32 s10, $0x1;
	s10 =	sld [smem:$0x3FAA]  }
0x3d: {  	_ =	shalt  }
0x3e: {  	_ =	shalt  }
0x3f: {  	_ =	shalt  }
0x40: {  	_ =	shalt  }
0x41: {  	_ =	shalt  }
0x42: {  	_ =	shalt  }
0x43: {  	_ =	shalt  }
0x44: {  	_ =	shalt  }
0x45: {  	_ =	shalt  }
0x46: {  	_ =	shalt  }
0x47: {  	_ =	shalt  }
0x48: {  	_ =	shalt  }
0x49: {  	_ =	shalt  }
0x4a: {  	_ =	shalt  }
0x4b: {  	_ =	shalt  }
0x4c: {  	_ =	shalt  }
0x4d: {  	_ =	shalt  }
0x4e: {  	_ =	shalt  }
0x4f: {  	_ =	shalt  }
0x50: {  	_ =	shalt  }
0x51: {  	_ =	shalt  }
0x52: {  	_ =	shalt  }
0x53: {  	_ =	shalt  }
0x54: {  	_ =	shalt  }
0x55: {  	_ =	shalt  }
0x56: {  	_ =	shalt  }
0x57: {  	_ =	shalt  }
0x58: {  	_ =	shalt  }
0x59: {  	_ =	shalt  }
0x5a: {  	_ =	shalt  }
0x5b: {  	_ =	shalt  }
0x5c: {  	_ =	shalt  }
0x5d: {  	_ =	shalt  }
0x5e: {  	_ =	shalt  }
0x5f: {  	_ =	shalt  }
0x60: {  	_ =	shalt  }
0x61: {  	_ =	shalt  }
0x62: {  	_ =	shalt  }
0x63: {  	_ =	shalt  }
0x64: {  	_ =	shalt  }
0x65: {  	_ =	shalt  }
0x66: {  	_ =	shalt  }
0x67: {  	_ =	shalt  }
0x68: {  	_ =	shalt  }
0x69: {  	_ =	shalt  }
0x6a: {  	_ =	shalt  }
0x6b: {  	_ =	shalt  }
0x6c: {  	_ =	shalt  }
0x6d: {  	_ =	shalt  }
0x6e: {  	_ =	shalt  }
0x6f: {  	_ =	shalt  }
0x70: {  	_ =	shalt  }
0x71: {  	_ =	shalt  }
0x72: {  	_ =	shalt  }
0x73: {  	_ =	shalt  }
0x74: {  	_ =	shalt  }
0x75: {  	_ =	shalt  }
0x76: {  	_ =	shalt  }
0x77: {  	_ =	shalt  }
0x78: {  	_ =	shalt  }
0x79: {  	_ =	shalt  }
0x7a: {  	_ =	shalt  }
0x7b: {  	_ =	shalt  }
0x7c: {  	_ =	shalt  }
0x7d: {  	_ =	shalt  }
0x7e: {  	_ =	shalt  }
0x7f: {  	_ =	shalt  }
0x80: {  	_ =	shalt  }
0x81: {  	_ =	shalt  }
0x82: {  	_ =	shalt  }
0x83: {  	_ =	shalt  }
0x84: {  	_ =	shalt  }
0x85: {  	_ =	shalt  }
0x86: {  	_ =	shalt  }
0x87: {  	_ =	shalt  }
.Lfunc_end0:
.L_simem_size_0:
called_computation_lowered:
.L_overlay_start_0:
0x88: {  	s2 =	sld [smem:$0x3FD9]  }
0x89: {  	s3 =	sld [smem:$0x3FFE];
	_ =	sdelay $0x1  }
0x8a: {  	s1 =	srdreg.scid  }
0x8b: {  	s0 =	sand.u32 $0x1, s1  }
0x8c: {  	s17 =	sshll.u32 s0, $0xA;
	s2 =	sadd.s32 s3, s2  }
0x8d: {  	s2 =	sadd.s32 s2, s17  }
0x8e: {  	[smem:$0x3FB6] =	sst s2  }
0x8f: {  	_ = 	snop  }
0x90: {  	s2 =	sld [smem:$0x3FD0];
	(tm) =	ssettm $0x1  }
0x91: {  	s18 =	sld [smem:$0x3FFB];
	_ =	sdelay $0x3  }
0x92: {  	_ =	strace s18  }
0x93: {  	s3 =	sld [smem:$0x3FFC];
	_ =	sdelay $0x3  }
0x94: {  	_ =	strace s3  }
0x95: {  	s3 =	sld [smem:$0x3FFD];
	_ =	sdelay $0x3  }
0x96: {  	_ =	strace s3  }
0x97: {  	_ =	strace $0x8FFFFFFF  }
0x98: {  	s19 =	sld [smem:$0x3FDB];
	_ =	sdelay $0x1  }
0x99: {  	s4 =	simm.s32 $_scs_section_size  }
0x9a: {  	s5 =	simm.s32 $_size__tile_overlayer_lowered;
	s6 =	simm.s32 $_tile_overlayer_lowered  }
0x9b: {  	s22 =	simm.s32 $0x1BFF;
	s21 =	sshll.u32 s6, $0x1;
	s3 =	sadd.s32 s4, s19  }
0x9c: {  	s7 =	simm.s32 $0x0;
	s20 =	sshll.u32 s5, $0x1;
	s5 =	sadd.s32 s21, s3  }
0x9d: {  	[timem:s7], [sflag:s22] =	dma.local [hbm:s5], s20  }
0x9e: {  	_ =	swait.ge [sflag:s22], s20  }
0x9f: {  	s4 =	ssub.s32 $0x0, s20;
	[sflag:s22] =	ssyncset.done $0x0  }
0xa0: {  	[sflag:s22] =	ssyncadd.s32 s4;
	_ =	sdelay $0x1  }
0xa1: {  	s23 =	simm.s32 $0x1B8B  }
0xa2: {  	_ =	swait.ge [sflag:s23], $0x1  }
0xa3: {  	[sflag:s23] =	ssyncset.done $0x0  }
0xa4: {  	s25 =	simm.s32 $0x1B8E;
	s24 =	sld [smem:$0x3FFE];
	[sflag:s23] =	ssyncadd.s32 $0xFFFFFFFF  }
0xa5: {  	s26 =	simm.s32 $execute0_lowered;
	[smem:$0x3FD2] =	sst s25  }
0xa6: {  	s5 =	sshll.u32 s26, $0x1;
	_ =	strace $0x80000046;
	[dreg:$0x1] =	wrdreg $0xFFFFFFFF  }
0xa7: {  	s28 =	simm.s32 $_size_execute0_lowered;
	s3 =	sadd.s32 s3, s5;
	[dreg:$0x0] =	wrdreg $0x0  }
0xa8: {  	s5 =	sshll.u32 s28, $0x1;
	[dreg:$0x2] =	wrdreg s3  }
0xa9: {  	[dreg:$0x3] =	wrdreg s5  }
0xaa: {  	[dreg:$0x4] =	wrdreg $0xC0  }
0xab: {  	_ =	task [dreg:s7], $0x5FFFF  }
0xac: {  	[dreg:$0x1] =	wrdreg $0xFFFFFFFF  }
0xad: {  	[dreg:$0x0] =	wrdreg $0x60  }
0xae: {  	[dreg:$0x2] =	wrdreg s24  }
0xaf: {  	[dreg:$0x3] =	wrdreg s2  }
0xb0: {  	[dreg:$0x4] =	wrdreg $0x97F00  }
0xb1: {  	[dreg:$0x5] =	wrdreg $0x9  }
0xb2: {  	_ =	task.clear_ibuf [dreg:s7], $0x6FFFF;
	_ =	strace $0x90000046  }
0xb3: {  	s29 =	simm.s32 $0x9;
	_ =	strace $0x80000048  }
0xb4: {  	_ =	swait.ge [sflag:s29], $0x1  }
0xb5: {  	[sflag:s29] =	ssyncadd.s32 $0xFFFFFFFF  }
0xb6: {  	_ =	strace $0x90000048  }
0xb7: {  	_ =	sfence  }
0xb8: {  	s30 =	sld [smem:$0x0];
	_ =	sdelay $0x2  }
0xb9: {  	s31 =	sshll.u32 s1, $0xD;
	s1 =	sshrl.u32 s1, $0x2  }
0xba: {  	s3 =	sand.u32 $0x4000, s31;
	s1 =	sadd.s32 s1, s30  }
0xbb: {  	s0 =	sor.u32 s3, s0;
	s1 =	sshll.u32 s1, $0x11  }
0xbc: {  	s0 =	sor.u32 s1, s0  }
0xbd: {  	s0 =	sadd.s32 $0x8F2B, s0  }
0xbe: {  	[sflag:s0] =	ssyncadd.remote.s32 $0x1  }
0xbf: {  	_ =	sfence.sel $0xFFFF  }
0xc0: {  	[dreg:$0x0] =	wrdreg $0xFFFFFFFF;
	(pc) =	sbr.abs _section_cstart, $3  }
0xc1: {  	[dreg:$0x1] =	wrdreg $0xFFFFFFFF  }
0xc2: {  	_ =	task.clear_ibuf [dreg:s7], $0x2FFFF;
	_ =	strace $0x9FFFFFFF  }
0xc3: {  	(tm) =	ssettm $0x7FFFFFFF  }
tec
execute0_lowered:
.L_overlay_start_1:
0x0: {  	(tag) =	ssettag $0x1  }
0x1: {  	s0 =	srdreg.scid  }
0x2: {  	s21 =	stileid.u32;
	s16 =	rddreg [dreg:$0x0]  }
0x3: {  	s1 =	simm.s32 $0x0;
	s28 =	simm.s32 $0x50;
	s29 =	simm.s32 $0x51F0  }
0x4: {  	s30 =	simm.s32 $0x5060;
	s31 =	simm.s32 $0x5100;
	s3 =	smul.u32 $0x280, s21  }
0x5: {  	s6 =	sand.u32 $0x1, s0;
	s0 =	smul.u32 $0xC800, s21;
	[smem:$0x7FF] =	sst s1  }
0x6: {  	s15 =	sadd.s32 $0x8E400, s16;
	s23 =	sadd.s32 $0x83C00, s16;
	s24 =	sadd.s32 $0x83600, s16  }
0x7: {  	s25 =	sadd.s32 $0x8E200, s16;
	s11 =	smul.u32 $0xC8000, s6;
	s10 =	sor.u32 $0x40, s3  }
0x8: {  	s4 =	ssub.s32 $0x2, s6;
	s18 =	sadd.s32 $0x80, s3;
	s2 =	smul.u32 $0x50, s10  }
0x9: {  	s5 =	sshrl.u32 s4, $0x1;
	s7 =	sadd.s32 s11, s0;
	s3 =	smul.u32 $0x50, s18  }
0xa: {  	s17 =	ssub.s32 s4, s5;
	s5 =	sadd.s32 $0x5000, s0;
	s4 =	sshrl.u32 s7, $0x3  }
0xb: {  	s8 =	sadd.s32 s11, s2;
	s4 =	sadd.s32 s15, s4;
	s7 =	sadd.s32 s11, s3  }
0xc: {  	s9 =	sshrl.u32 s8, $0x3;
	[dreg:$0x4] =	wrdreg s4;
	s4 =	sadd.s32 $0x3C00, s0  }
0xd: {  	s7 =	sshrl.u32 s7, $0x3;
	s12 =	sadd.s32 s15, s9;
	s8 =	sadd.s32 s11, s4  }
0xe: {  	s9 =	sadd.s32 s11, s5;
	s7 =	sadd.s32 s15, s7;
	[dreg:$0x5] =	wrdreg s12  }
0xf: {  	s8 =	sshrl.u32 s8, $0x3;
	[dreg:$0x6] =	wrdreg s7;
	s14 =	sshrl.u32 s9, $0x3  }
0x10: {  	s9 =	sadd.s32 $0x8C00, s0;
	s13 =	sadd.s32 s15, s8;
	s7 =	sadd.s32 s15, s14  }
0x11: {  	s8 =	sadd.s32 $0x7800, s0;
	s14 =	sadd.s32 s11, s9;
	[dreg:$0x7] =	wrdreg s13  }
0x12: {  	[dreg:$0x8] =	wrdreg s7;
	s7 =	sadd.s32 $0x6400, s0;
	s13 =	sadd.s32 s11, s8  }
0x13: {  	s20 =	sshrl.u32 s14, $0x3;
	s12 =	sadd.s32 s11, s7;
	s13 =	sshrl.u32 s13, $0x3  }
0x14: {  	s14 =	sadd.s32 $0xB400, s0;
	s12 =	sshrl.u32 s12, $0x3;
	s19 =	sadd.s32 s15, s13  }
0x15: {  	s13 =	sadd.s32 $0xA000, s0;
	s12 =	sadd.s32 s15, s12;
	[dreg:$0xa] =	wrdreg s19  }
0x16: {  	s22 =	sadd.s32 s11, s13;
	s19 =	sadd.s32 s11, s14;
	s11 =	rddreg [dreg:$0x1]  }
0x17: {  	s6 =	smul.u32 $0x2800, s6;
	[dreg:$0x9] =	wrdreg s12;
	s12 =	sadd.s32 s15, s20  }
0x18: {  	s10 =	smul.u32 $0x140, s10;
	s20 =	sshrl.u32 s22, $0x3;
	[dreg:$0xb] =	wrdreg s12  }
0x19: {  	s19 =	sshrl.u32 s19, $0x3;
	s12 =	rddreg [dreg:$0x2];
	s20 =	sadd.s32 s15, s20  }
0x1a: {  	s17 =	smax.u32 s17, $0x1;
	s15 =	sadd.s32 s15, s19;
	[dreg:$0xc] =	wrdreg s20  }
0x1b: {  	s10 =	sshrl.u32 s10, $0x2;
	s19 =	sadd.s32 $0x51600, s16;
	[dreg:$0xd] =	wrdreg s15  }
0x1c: {  	s15 =	sadd.s32 $0x84200, s16;
	s20 =	smul.u32 $0x4E20, s21;
	s10 =	sadd.s32 s10, s12  }
0x1d: {  	s0 =	sadd.s32 s0, s12;
	_ =	strace $0x80000047;
	[dreg:$0xe] =	wrdreg s23  }
0x1e: {  	s2 =	sadd.s32 s2, s12;
	s3 =	sadd.s32 s3, s12;
	[dreg:$0xf] =	wrdreg s24  }
0x1f: {  	s4 =	sadd.s32 s4, s12;
	s5 =	sadd.s32 s5, s12;
	[dreg:$0x10] =	wrdreg s25  }
0x20: {  	s7 =	sadd.s32 s7, s12;
	s8 =	sadd.s32 s8, s12;
	[dreg:$0x13] =	wrdreg s17  }
0x21: {  	s9 =	sadd.s32 s9, s12;
	[dreg:$0x15] =	wrdreg s10;
	s26 =	sshrl.u32 s20, $0x3  }
0x22: {  	s0 =	sshrl.u32 s0, $0x3;
	s23 =	sadd.s32 $0xA0, s20;
	s16 =	sadd.s32 s11, s26  }
0x23: {  	s22 =	sadd.s32 s15, s26;
	[dreg:$0x12] =	wrdreg s16;
	s16 =	smul.u32 $0x32000, s21  }
0x24: {  	[dreg:$0x11] =	wrdreg s22;
	s22 =	sadd.s32 $0x50, s20;
	s20 =	smul.u32 $0x140, s18  }
0x25: {  	[dreg:$0x1e] =	wrdreg s0;
	s0 =	simm.s32 $0x5150;
	s21 =	sshrl.u32 s16, $0x2  }
0x26: {  	s24 =	sadd.s32 $0xF000, s16;
	s25 =	sshrl.u32 s20, $0x2;
	s20 =	sadd.s32 $0x14000, s16  }
0x27: {  	s18 =	sadd.s32 s21, s12;
	s26 =	sshrl.u32 s24, $0x2;
	s10 =	sadd.s32 s25, s12  }
0x28: {  	s21 =	sadd.s32 $0x19000, s16;
	s24 =	sadd.s32 $0x1E000, s16;
	[dreg:$0x14] =	wrdreg s18  }
0x29: {  	[dreg:$0x16] =	wrdreg s10;
	s18 =	sadd.s32 s26, s12;
	s10 =	sshrl.u32 s20, $0x2  }
0x2a: {  	s25 =	sshrl.u32 s21, $0x2;
	s26 =	sshrl.u32 s24, $0x2;
	s20 =	sadd.s32 $0x28000, s16  }
0x2b: {  	[dreg:$0x17] =	wrdreg s18;
	s10 =	sadd.s32 s10, s12;
	s17 =	sadd.s32 s26, s12  }
0x2c: {  	s18 =	sadd.s32 $0x23000, s16;
	s16 =	sadd.s32 $0x2D000, s16;
	s21 =	sshrl.u32 s20, $0x2  }
0x2d: {  	s26 =	sadd.s32 s14, s12;
	s14 =	sshrl.u32 s2, $0x3;
	[dreg:$0x18] =	wrdreg s10  }
0x2e: {  	s20 =	sshrl.u32 s7, $0x3;
	s2 =	simm.s32 $0x2;
	[dreg:$0x1a] =	wrdreg s17  }
0x2f: {  	s7 =	simm.s32 $0x6;
	s10 =	sadd.s32 s25, s12;
	[dreg:$0x1f] =	wrdreg s14  }
0x30: {  	s16 =	sshrl.u32 s16, $0x2;
	s25 =	sadd.s32 s13, s12;
	[smem:$0x7F9] =	sst s20  }
0x31: {  	s17 =	sshrl.u32 s4, $0x3;
	s26 =	sshrl.u32 s26, $0x3;
	[dreg:$0x19] =	wrdreg s10  }
0x32: {  	s20 =	simm.s32 $0x2800;
	s4 =	simm.s32 $0x4;
	[smem:$0x7F7] =	sst s17  }
0x33: {  	s10 =	sshrl.u32 s18, $0x2;
	s24 =	sadd.s32 s16, s12;
	[smem:$0x7FD] =	sst s26  }
0x34: {  	s16 =	sshrl.u32 s3, $0x3;
	s18 =	sshrl.u32 s5, $0x3;
	[dreg:$0x1d] =	wrdreg s24  }
0x35: {  	s25 =	sshrl.u32 s25, $0x3;
	s26 =	simm.s32 $0x1;
	[smem:$0x7F6] =	sst s16  }
0x36: {  	s3 =	simm.s32 $0x6AF0;
	s5 =	simm.s32 $0x51A0;
	[smem:$0x7F8] =	sst s18  }
0x37: {  	s10 =	sadd.s32 s10, s12;
	s24 =	sshrl.u32 s9, $0x3;
	[smem:$0x7FC] =	sst s25  }
0x38: {  	s18 =	simm.s32 $0x7;
	s25 =	simm.s32 $0x50B0;
	[dreg:$0x1b] =	wrdreg s10  }
0x39: {  	s10 =	sadd.s32 s21, s12;
	s21 =	sshrl.u32 s8, $0x3;
	[smem:$0x7FB] =	sst s24  }
0x3a: {  	s24 =	simm.s32 $0x5010;
	s8 =	simm.s32 $0x0;
	[dreg:$0x1c] =	wrdreg s10  }
0x3b: {  	v1 =	vimm.f32 $0.0e+00;
	v0 =	vmov s6;
	[smem:$0x7FA] =	sst s21;
	s21 =	simm.s32 $0x83F0;
	s10 =	simm.s32 $0x3  }
.LBB2_1:
0x3c: {  	s6 =	rddreg [dreg:$0xe]  }
0x3d: {  	[tilespmem:s1], [sflag:$0x7] =	stream.linear.gather [hbm4b:s6+s1], $0x2800, $0x38;
	[tilespmem:$0x15FF0] =	vst v63  }
0x3e: {  	_ =	swait.ge [sflag:s18], $0x2800  }
0x3f: {  	[sflag:s18] =	ssyncset.done $0x0  }
0x40: {  	s16 =	rddreg [dreg:$0xf];
	[sflag:s18] =	ssyncadd.s32 $0xFFFFD800  }
0x41: {  	[tilespmem:s20], [sflag:$0x7] =	stream.linear.gather [hbm4b:s16+s1], $0x2800, $0x38;
	[tilespmem:$0x15FF0] =	vst v63  }
0x42: {  	_ =	swait.ge [sflag:s18], $0x2800  }
0x43: {  	[sflag:s18] =	ssyncset.done $0x0  }
0x44: {  	s9 =	simm.s32 $0x5000;
	s17 =	rddreg [dreg:$0x10];
	[sflag:s18] =	ssyncadd.s32 $0xFFFFD800  }
0x45: {  	[tilespmem:s9], [sflag:$0x7] =	stream.linear.gather [hbm4b:s17+s1], $0x10, $0x38;
	[tilespmem:$0x15FF0] =	vst v63  }
0x46: {  	_ =	swait.ge [sflag:s18], $0x10  }
0x47: {  	[sflag:s18] =	ssyncset.done $0x0  }
0x48: {  	[sflag:s18] =	ssyncadd.s32 $0xFFFFFFF0  }
0x49: {  	s6 =	simm.s32 $0x0;
	s9 =	simm.s32 $0x140;
	v2 =	vld [tilespmem:$0x5000]  }
.LBB2_2:
0x4a: {  	p0 =	sne.s32 s9, $0x4EC0;
	[tilespmem:s6+$0x8430] =	vst v1;
	s13 =	smov.u32 s9;
	s9 =	sadd.s32 $0x140, s9  }
.Ltmp0:
0x4b: {  	[tilespmem:s6+$0x8420] =	vst v1;
	(pc) =	sbr.rel @p0 .LBB2_2-.Ltmp0, $4  }
0x4c: {  	[tilespmem:s6+$0x8410] =	vst v1  }
0x4d: {  	[tilespmem:s6+$0x83F0] =	vst v1  }
0x4e: {  	[tilespmem:s6+$0x8400] =	vst v1  }
0x4f: {  	s6 =	sshra.s32 s13, $0x2  }
0x50: {  	[tilespmem:s6+$0x8430] =	vst v1  }
0x51: {  	[tilespmem:s6+$0x8420] =	vst v1  }
0x52: {  	[tilespmem:s6+$0x8410] =	vst v1  }
0x53: {  	[tilespmem:s6+$0x83F0] =	vst v1  }
0x54: {  	[tilespmem:s6+$0x8400] =	vst v1;
	s16 =	rddreg [dreg:$0x14]  }
0x55: {  	[spmem:s16] =	stream.linear.scatter [tilespmem:s21], [sflag:$0x7], $0x1400, $0x38;
	[tilespmem:$0x15FF0] =	vst v63  }
0x56: {  	_ =	swait.ge [sflag:s18], $0x1400  }
0x57: {  	[sflag:s18] =	ssyncset.done $0x0  }
0x58: {  	s17 =	rddreg [dreg:$0x15];
	[sflag:s18] =	ssyncadd.s32 $0xFFFFEC00  }
0x59: {  	[spmem:s17] =	stream.linear.scatter [tilespmem:s21], [sflag:$0x7], $0x1400, $0x38;
	[tilespmem:$0x15FF0] =	vst v63  }
0x5a: {  	_ =	swait.ge [sflag:s18], $0x1400  }
0x5b: {  	[sflag:s18] =	ssyncset.done $0x0  }
0x5c: {  	s9 =	rddreg [dreg:$0x16];
	[sflag:s18] =	ssyncadd.s32 $0xFFFFEC00  }
0x5d: {  	[spmem:s9] =	stream.linear.scatter [tilespmem:s21], [sflag:$0x7], $0x1400, $0x38;
	[tilespmem:$0x15FF0] =	vst v63  }
0x5e: {  	_ =	swait.ge [sflag:s18], $0x1400  }
0x5f: {  	[sflag:s18] =	ssyncset.done $0x0  }
0x60: {  	s13 =	rddreg [dreg:$0x17];
	[sflag:s18] =	ssyncadd.s32 $0xFFFFEC00  }
0x61: {  	[spmem:s13] =	stream.linear.scatter [tilespmem:s21], [sflag:$0x7], $0x1400, $0x38;
	[tilespmem:$0x15FF0] =	vst v63  }
0x62: {  	_ =	swait.ge [sflag:s18], $0x1400  }
0x63: {  	[sflag:s18] =	ssyncset.done $0x0  }
0x64: {  	s14 =	rddreg [dreg:$0x18];
	[sflag:s18] =	ssyncadd.s32 $0xFFFFEC00  }
0x65: {  	[spmem:s14] =	stream.linear.scatter [tilespmem:s21], [sflag:$0x7], $0x1400, $0x38;
	[tilespmem:$0x15FF0] =	vst v63  }
0x66: {  	_ =	swait.ge [sflag:s18], $0x1400  }
0x67: {  	[sflag:s18] =	ssyncset.done $0x0  }
0x68: {  	s16 =	rddreg [dreg:$0x19];
	[sflag:s18] =	ssyncadd.s32 $0xFFFFEC00  }
0x69: {  	[spmem:s16] =	stream.linear.scatter [tilespmem:s21], [sflag:$0x7], $0x1400, $0x38;
	[tilespmem:$0x15FF0] =	vst v63  }
0x6a: {  	_ =	swait.ge [sflag:s18], $0x1400  }
0x6b: {  	[sflag:s18] =	ssyncset.done $0x0  }
0x6c: {  	s17 =	rddreg [dreg:$0x1a];
	[sflag:s18] =	ssyncadd.s32 $0xFFFFEC00  }
0x6d: {  	[spmem:s17] =	stream.linear.scatter [tilespmem:s21], [sflag:$0x7], $0x1400, $0x38;
	[tilespmem:$0x15FF0] =	vst v63  }
0x6e: {  	_ =	swait.ge [sflag:s18], $0x1400  }
0x6f: {  	[sflag:s18] =	ssyncset.done $0x0  }
0x70: {  	s9 =	rddreg [dreg:$0x1b];
	[sflag:s18] =	ssyncadd.s32 $0xFFFFEC00  }
0x71: {  	[spmem:s9] =	stream.linear.scatter [tilespmem:s21], [sflag:$0x7], $0x1400, $0x38;
	[tilespmem:$0x15FF0] =	vst v63  }
0x72: {  	_ =	swait.ge [sflag:s18], $0x1400  }
0x73: {  	[sflag:s18] =	ssyncset.done $0x0  }
0x74: {  	s13 =	rddreg [dreg:$0x1c];
	[sflag:s18] =	ssyncadd.s32 $0xFFFFEC00  }
0x75: {  	[spmem:s13] =	stream.linear.scatter [tilespmem:s21], [sflag:$0x7], $0x1400, $0x38;
	[tilespmem:$0x15FF0] =	vst v63  }
0x76: {  	_ =	swait.ge [sflag:s18], $0x1400  }
0x77: {  	[sflag:s18] =	ssyncset.done $0x0  }
0x78: {  	s14 =	rddreg [dreg:$0x1d];
	[sflag:s18] =	ssyncadd.s32 $0xFFFFEC00  }
0x79: {  	[spmem:s14] =	stream.linear.scatter [tilespmem:s21], [sflag:$0x7], $0x1400, $0x38;
	[tilespmem:$0x15FF0] =	vst v63  }
0x7a: {  	_ =	swait.ge [sflag:s18], $0x1400  }
0x7b: {  	[sflag:s18] =	ssyncset.done $0x0  }
0x7c: {  	[sflag:s18] =	ssyncadd.s32 $0xFFFFEC00  }
0x7d: {  	[bflag:$0x0] =	sbarrier.arrive $0xFFFF  }
0x7e: {  	s9 =	simm.s32 $0x0;
	s16 =	rddreg [dreg:$0x11]  }
0x7f: {  	[tilespmem:s24], [sflag:$0x1] =	stream.linear.gather [hbm4b:s16+s9], $0x50, $0x38;
	[tilespmem:$0x15FF0] =	vst v63  }
0x80: {  	s13 =	simm.s32 $0x0;
	s17 =	rddreg [dreg:$0x12]  }
0x81: {  	[tilespmem:s25], [sflag:$0x1] =	stream.linear.gather [hbm4b:s17+s9], $0x50, $0x38;
	[tilespmem:$0x15FF0] =	vst v63  }
.LBB2_4:
0x82: {  	_ =	swait.ge [sflag:s26], $0x50  }
0x83: {  	[sflag:s26] =	ssyncset.done $0x0  }
0x84: {  	[sflag:s26] =	ssyncadd.s32 $0xFFFFFFB0  }
0x85: {  	_ =	swait.ge [sflag:s26], $0x50  }
0x86: {  	[sflag:s26] =	ssyncset.done $0x0  }
0x87: {  	[sflag:s26] =	ssyncadd.s32 $0xFFFFFFB0  }
0x88: {  	v3 =	vld [tilespmem:$0x5010]  }
0x89: {  	v4 =	vld [tilespmem:$0x50B0];
	_ =	sdelay $0x6  }
0x8a: {  	v5 =	vld.idx.msk [tilespmem:v3+s1+$0x0], $0xffff  }
0x8b: {  	v4 =	vld.idx.msk [tilespmem:v4+s20+$0x0], $0xffff;
	_ =	sdelay $0x4  }
0x8c: {  	v4 =	vadd.f32 v4, v5;
	_ =	sdelay $0x1  }
0x8d: {  	v5 =	vmul.f32 $2.000000030e-01, v4  }
0x8e: {  	vm0 =	vgt.f32 v4, $0.0e+00  }
0x8f: {  	v4 =	vsel vm0, v4, v5  }
0x90: {  	v4 =	vsub.f32 v4, v2;
	_ =	sdelay $0x1  }
0x91: {  	v4 =	vmul.f32 $1.442695020e+00, v4;
	_ =	sdelay $0x1  }
0x92: {  	(erf) = vpow2.f32 v4;
	_ =	sdelay $0x2  }
0x93: {  	v4 =	vld [tilespmem:$0x5020]  }
0x94: {  	v5 =	vld [tilespmem:$0x50C0];
	_ =	sdelay $0x3  }
0x95: {  	v3 =	vadd.s32 v0, v3  }
0x96: {  	[tilespmem:$0x5010] =	vst v3;
	v6 =	vpop (erf)  }
0x97: {  	[tilespmem:$0x5150] =	vst v6  }
0x98: {  	v3 =	vld.idx.msk [tilespmem:v4+s1+$0x0], $0xffff  }
0x99: {  	v5 =	vld.idx.msk [tilespmem:v5+s20+$0x0], $0xffff;
	_ =	sdelay $0x4  }
0x9a: {  	v3 =	vadd.f32 v5, v3;
	_ =	sdelay $0x1  }
0x9b: {  	v5 =	vmul.f32 $2.000000030e-01, v3  }
0x9c: {  	vm12 =	vgt.f32 v3, $0.0e+00  }
0x9d: {  	v3 =	vsel vm12, v3, v5  }
0x9e: {  	v3 =	vsub.f32 v3, v2;
	_ =	sdelay $0x1  }
0x9f: {  	v3 =	vmul.f32 $1.442695020e+00, v3;
	_ =	sdelay $0x1  }
0xa0: {  	(erf) = vpow2.f32 v3;
	_ =	sdelay $0x2  }
0xa1: {  	v3 =	vld [tilespmem:$0x5030]  }
0xa2: {  	v5 =	vld [tilespmem:$0x50D0];
	_ =	sdelay $0x3  }
0xa3: {  	v4 =	vadd.s32 v0, v4  }
0xa4: {  	[tilespmem:$0x5020] =	vst v4;
	v6 =	vpop (erf)  }
0xa5: {  	[tilespmem:$0x5160] =	vst v6  }
0xa6: {  	v4 =	vld.idx.msk [tilespmem:v3+s1+$0x0], $0xffff  }
0xa7: {  	v5 =	vld.idx.msk [tilespmem:v5+s20+$0x0], $0xffff;
	_ =	sdelay $0x4  }
0xa8: {  	v4 =	vadd.f32 v5, v4;
	_ =	sdelay $0x1  }
0xa9: {  	v5 =	vmul.f32 $2.000000030e-01, v4  }
0xaa: {  	vm13 =	vgt.f32 v4, $0.0e+00  }
0xab: {  	v4 =	vsel vm13, v4, v5  }
0xac: {  	v4 =	vsub.f32 v4, v2;
	_ =	sdelay $0x1  }
0xad: {  	v4 =	vmul.f32 $1.442695020e+00, v4;
	_ =	sdelay $0x1  }
0xae: {  	(erf) = vpow2.f32 v4;
	_ =	sdelay $0x2  }
0xaf: {  	v4 =	vld [tilespmem:$0x5040]  }
0xb0: {  	v5 =	vld [tilespmem:$0x50E0];
	_ =	sdelay $0x3  }
0xb1: {  	v3 =	vadd.s32 v0, v3  }
0xb2: {  	[tilespmem:$0x5030] =	vst v3;
	v6 =	vpop (erf)  }
0xb3: {  	[tilespmem:$0x5170] =	vst v6  }
0xb4: {  	v3 =	vld.idx.msk [tilespmem:v4+s1+$0x0], $0xffff  }
0xb5: {  	v5 =	vld.idx.msk [tilespmem:v5+s20+$0x0], $0xffff;
	_ =	sdelay $0x4  }
0xb6: {  	v3 =	vadd.f32 v5, v3;
	_ =	sdelay $0x1  }
0xb7: {  	v5 =	vmul.f32 $2.000000030e-01, v3  }
0xb8: {  	vm14 =	vgt.f32 v3, $0.0e+00  }
0xb9: {  	v3 =	vsel vm14, v3, v5  }
0xba: {  	v3 =	vsub.f32 v3, v2;
	_ =	sdelay $0x1  }
0xbb: {  	v3 =	vmul.f32 $1.442695020e+00, v3;
	_ =	sdelay $0x1  }
0xbc: {  	(erf) = vpow2.f32 v3;
	_ =	sdelay $0x2  }
0xbd: {  	v3 =	vld [tilespmem:$0x5050]  }
0xbe: {  	v5 =	vld [tilespmem:$0x50F0];
	_ =	sdelay $0x3  }
0xbf: {  	v4 =	vadd.s32 v0, v4  }
0xc0: {  	[tilespmem:$0x5040] =	vst v4;
	v6 =	vpop (erf)  }
0xc1: {  	[tilespmem:$0x5180] =	vst v6  }
0xc2: {  	v4 =	vld.idx.msk [tilespmem:v3+s1+$0x0], $0xffff  }
0xc3: {  	v5 =	vld.idx.msk [tilespmem:v5+s20+$0x0], $0xffff;
	_ =	sdelay $0x4  }
0xc4: {  	v4 =	vadd.f32 v5, v4;
	_ =	sdelay $0x1  }
0xc5: {  	v5 =	vmul.f32 $2.000000030e-01, v4  }
0xc6: {  	vm15 =	vgt.f32 v4, $0.0e+00  }
0xc7: {  	v4 =	vsel vm15, v4, v5  }
0xc8: {  	v4 =	vsub.f32 v4, v2;
	_ =	sdelay $0x1  }
0xc9: {  	v4 =	vmul.f32 $1.442695020e+00, v4;
	_ =	sdelay $0x1  }
0xca: {  	(erf) = vpow2.f32 v4;
	_ =	sdelay $0x7  }
0xcb: {  	v3 =	vadd.s32 v0, v3  }
0xcc: {  	p0 =	seq.s32 s13, $0x0;
	[tilespmem:$0x5050] =	vst v3;
	v4 =	vpop (erf)  }
0xcd: {  	s14 =	smul.u32 $0xA0, s13;
	s6 =	simm.s32 @!p0 $0x6;
	[tilespmem:$0x5190] =	vst v4  }
0xce: {  	[tilespmem:s29], [sflag:$0x3] =	stream.indirect.gather [hbm4b:s19+s28], $0x50, s24, s28, $0xb8;
	[tilespmem:$0x15FF0] =	vst v63  }
0xcf: {  	s16 =	sadd.s32 s14, s22;
	_ =	swait.ge @!p0 [sflag:s6], $0x1900  }
0xd0: {  	s16 =	sshrl.u32 s16, $0x3;
	[sflag:s6] =	ssyncset.done @!p0 $0x0  }
0xd1: {  	s17 =	sadd.s32 s15, s16;
	[sflag:s6] =	ssyncadd.s32 @!p0 $0xFFFFE700  }
0xd2: {  	[tilespmem:s30], [sflag:$0x2] =	stream.linear.gather [hbm4b:s17+s9], $0x50, $0x38;
	[tilespmem:$0x15FF0] =	vst v63  }
0xd3: {  	s16 =	sadd.s32 s11, s16  }
0xd4: {  	[tilespmem:s31], [sflag:$0x2] =	stream.linear.gather [hbm4b:s16+s9], $0x50, $0x38;
	[tilespmem:$0x15FF0] =	vst v63  }
0xd5: {  	v3 =	vmov s9;
	_ =	swait.ge [sflag:s10], $0x1900  }
0xd6: {  	[sflag:s10] =	ssyncset.done $0x0  }
0xd7: {  	s16 =	simm.s32 $0x5210;
	[sflag:s10] =	ssyncadd.s32 $0xFFFFE700  }
0xd8: {  	v4 =	vld [tilespmem:s16+$0xFFFFFFF0]  }
0xd9: {  	v5 =	vld [tilespmem:s16+$0x10]  }
0xda: {  	v8 =	vld.idx.msk [tilespmem:v3+s0+$0x0], $0xffff  }
0xdb: {  	v3 =	vld [tilespmem:s16+$0xFFFFFFE0]  }
0xdc: {  	v7 =	vld [tilespmem:s16+$0x0]  }
0xdd: {  	v9 =	vld [tilespmem:s16+$0x20];
	_ =	sdelay $0x2  }
0xde: {  	v10 =	vmul.f32 v3, v8  }
0xdf: {  	s17 =	simm.s32 $0x1;
	v6 =	vmul.f32 v4, v8;
	v7 =	vmul.f32 v7, v8  }
0xe0: {  	s6 =	simm.s32 $0x2;
	v4 =	vmul.f32 v5, v8;
	v3 =	vmov s17;
	v5 =	vmul.f32 v9, v8;
	s17 =	simm.s32 $0x5210;
	[tilespmem:s16+$0xFFFFFFE0] =	vst v10  }
.LBB2_5:
0xe1: {  	p0 =	sne.s32 s6, $0x4F;
	[tilespmem:s16+$0xFFFFFFF0] =	vst v6  }
0xe2: {  	s16 =	sadd.s32 $0x50, s16;
	[tilespmem:s17+$0x0] =	vst v7  }
0xe3: {  	v6 =	vld [tilespmem:s16+$0xFFFFFFF0];
	[tilespmem:s17+$0x10] =	vst v4  }
0xe4: {  	v4 =	vld [tilespmem:s16+$0x10];
	[tilespmem:s17+$0x20] =	vst v5;
	s17 =	smov.u32 s16  }
0xe5: {  	v5 =	vld.idx.msk [tilespmem:v3+s0+$0x0], $0xffff  }
0xe6: {  	v3 =	vld [tilespmem:s16+$0xFFFFFFE0]  }
0xe7: {  	v7 =	vld [tilespmem:s16+$0x0]  }
0xe8: {  	v8 =	vld [tilespmem:s16+$0x20]  }
.Ltmp1:
0xe9: {  	(pc) =	sbr.rel @p0 .LBB2_5-.Ltmp1, $4  }
0xea: {  	_ = 	snop  }
0xeb: {  	v6 =	vmul.f32 v6, v5;
	v9 =	vmul.f32 v3, v5  }
0xec: {  	v4 =	vmul.f32 v4, v5;
	v7 =	vmul.f32 v7, v5  }
0xed: {  	v3 =	vmov s6;
	s6 =	sadd.s32 $0x1, s6;
	[tilespmem:s16+$0xFFFFFFE0] =	vst v9;
	v5 =	vmul.f32 v8, v5  }
0xee: {  	[tilespmem:s16+$0xFFFFFFF0] =	vst v6  }
0xef: {  	s6 =	sadd.s32 $0x50, s16;
	[tilespmem:s17+$0x0] =	vst v7  }
0xf0: {  	v6 =	vld [tilespmem:s6+$0xFFFFFFF0];
	[tilespmem:s17+$0x10] =	vst v4  }
0xf1: {  	v4 =	vld [tilespmem:s6+$0x10]  }
0xf2: {  	[tilespmem:s17+$0x20] =	vst v5;
	v5 =	vld [tilespmem:s6+$0xFFFFFFE0]  }
0xf3: {  	v3 =	vld.idx.msk [tilespmem:v3+s0+$0x0], $0xffff;
	_ =	sdelay $0x1  }
0xf4: {  	v7 =	vld [tilespmem:s6+$0x0];
	_ =	sdelay $0x1  }
0xf5: {  	v8 =	vld [tilespmem:s6+$0x20]  }
0xf6: {  	v5 =	vmul.f32 v5, v3  }
0xf7: {  	v6 =	vmul.f32 v6, v3  }
0xf8: {  	v7 =	vmul.f32 v7, v3;
	[tilespmem:s6+$0xFFFFFFE0] =	vst v5  }
0xf9: {  	v4 =	vmul.f32 v4, v3;
	[tilespmem:s6+$0xFFFFFFF0] =	vst v6  }
0xfa: {  	v3 =	vmul.f32 v8, v3;
	[tilespmem:s6+$0x0] =	vst v7  }
0xfb: {  	[tilespmem:s6+$0x10] =	vst v4  }
0xfc: {  	[tilespmem:s6+$0x20] =	vst v3  }
0xfd: {  	[spmem:s12] =	stream.indirect.scatter.add.f32 [tilespmem:s29], [sflag:$0x5], $0x50, s25, s28, $0xb8;
	[tilespmem:$0x15FF0] =	vst v63  }
0xfe: {  	_ =	swait.ge [sflag:s2], $0x50  }
0xff: {  	[sflag:s2] =	ssyncset.done $0x0  }
0x100: {  	[sflag:s2] =	ssyncadd.s32 $0xFFFFFFB0  }
0x101: {  	_ =	swait.ge [sflag:s2], $0x50  }
0x102: {  	[sflag:s2] =	ssyncset.done $0x0  }
0x103: {  	[sflag:s2] =	ssyncadd.s32 $0xFFFFFFB0  }
0x104: {  	v3 =	vld [tilespmem:$0x5060]  }
0x105: {  	v4 =	vld [tilespmem:$0x5100];
	_ =	sdelay $0x6  }
0x106: {  	v5 =	vld.idx.msk [tilespmem:v3+s1+$0x0], $0xffff  }
0x107: {  	v4 =	vld.idx.msk [tilespmem:v4+s20+$0x0], $0xffff;
	_ =	sdelay $0x4  }
0x108: {  	v4 =	vadd.f32 v4, v5;
	_ =	sdelay $0x1  }
0x109: {  	v5 =	vmul.f32 $2.000000030e-01, v4  }
0x10a: {  	vm0 =	vgt.f32 v4, $0.0e+00  }
0x10b: {  	v4 =	vsel vm0, v4, v5  }
0x10c: {  	v4 =	vsub.f32 v4, v2;
	_ =	sdelay $0x1  }
0x10d: {  	v4 =	vmul.f32 $1.442695020e+00, v4;
	_ =	sdelay $0x1  }
0x10e: {  	(erf) = vpow2.f32 v4;
	_ =	sdelay $0x2  }
0x10f: {  	v4 =	vld [tilespmem:$0x5070]  }
0x110: {  	v5 =	vld [tilespmem:$0x5110];
	_ =	sdelay $0x3  }
0x111: {  	v3 =	vadd.s32 v0, v3  }
0x112: {  	[tilespmem:$0x5060] =	vst v3;
	v6 =	vpop (erf)  }
0x113: {  	[tilespmem:$0x51A0] =	vst v6  }
0x114: {  	v3 =	vld.idx.msk [tilespmem:v4+s1+$0x0], $0xffff  }
0x115: {  	v5 =	vld.idx.msk [tilespmem:v5+s20+$0x0], $0xffff;
	_ =	sdelay $0x4  }
0x116: {  	v3 =	vadd.f32 v5, v3;
	_ =	sdelay $0x1  }
0x117: {  	v5 =	vmul.f32 $2.000000030e-01, v3  }
0x118: {  	vm12 =	vgt.f32 v3, $0.0e+00  }
0x119: {  	v3 =	vsel vm12, v3, v5  }
0x11a: {  	v3 =	vsub.f32 v3, v2;
	_ =	sdelay $0x1  }
0x11b: {  	v3 =	vmul.f32 $1.442695020e+00, v3;
	_ =	sdelay $0x1  }
0x11c: {  	(erf) = vpow2.f32 v3;
	_ =	sdelay $0x2  }
0x11d: {  	v3 =	vld [tilespmem:$0x5080]  }
0x11e: {  	v5 =	vld [tilespmem:$0x5120];
	_ =	sdelay $0x3  }
0x11f: {  	v4 =	vadd.s32 v0, v4  }
0x120: {  	[tilespmem:$0x5070] =	vst v4;
	v6 =	vpop (erf)  }
0x121: {  	[tilespmem:$0x51B0] =	vst v6  }
0x122: {  	v4 =	vld.idx.msk [tilespmem:v3+s1+$0x0], $0xffff  }
0x123: {  	v5 =	vld.idx.msk [tilespmem:v5+s20+$0x0], $0xffff;
	_ =	sdelay $0x4  }
0x124: {  	v4 =	vadd.f32 v5, v4;
	_ =	sdelay $0x1  }
0x125: {  	v5 =	vmul.f32 $2.000000030e-01, v4  }
0x126: {  	vm13 =	vgt.f32 v4, $0.0e+00  }
0x127: {  	v4 =	vsel vm13, v4, v5  }
0x128: {  	v4 =	vsub.f32 v4, v2;
	_ =	sdelay $0x1  }
0x129: {  	v4 =	vmul.f32 $1.442695020e+00, v4;
	_ =	sdelay $0x1  }
0x12a: {  	(erf) = vpow2.f32 v4;
	_ =	sdelay $0x2  }
0x12b: {  	v4 =	vld [tilespmem:$0x5090]  }
0x12c: {  	v5 =	vld [tilespmem:$0x5130];
	_ =	sdelay $0x3  }
0x12d: {  	v3 =	vadd.s32 v0, v3  }
0x12e: {  	[tilespmem:$0x5080] =	vst v3;
	v6 =	vpop (erf)  }
0x12f: {  	[tilespmem:$0x51C0] =	vst v6  }
0x130: {  	v3 =	vld.idx.msk [tilespmem:v4+s1+$0x0], $0xffff  }
0x131: {  	v5 =	vld.idx.msk [tilespmem:v5+s20+$0x0], $0xffff;
	_ =	sdelay $0x4  }
0x132: {  	v3 =	vadd.f32 v5, v3;
	_ =	sdelay $0x1  }
0x133: {  	v5 =	vmul.f32 $2.000000030e-01, v3  }
0x134: {  	vm14 =	vgt.f32 v3, $0.0e+00  }
0x135: {  	v3 =	vsel vm14, v3, v5  }
0x136: {  	v3 =	vsub.f32 v3, v2;
	_ =	sdelay $0x1  }
0x137: {  	v3 =	vmul.f32 $1.442695020e+00, v3;
	_ =	sdelay $0x1  }
0x138: {  	(erf) = vpow2.f32 v3;
	_ =	sdelay $0x2  }
0x139: {  	v3 =	vld [tilespmem:$0x50A0]  }
0x13a: {  	v5 =	vld [tilespmem:$0x5140];
	_ =	sdelay $0x3  }
0x13b: {  	v4 =	vadd.s32 v0, v4  }
0x13c: {  	[tilespmem:$0x5090] =	vst v4;
	v6 =	vpop (erf)  }
0x13d: {  	[tilespmem:$0x51D0] =	vst v6  }
0x13e: {  	v4 =	vld.idx.msk [tilespmem:v3+s1+$0x0], $0xffff  }
0x13f: {  	v5 =	vld.idx.msk [tilespmem:v5+s20+$0x0], $0xffff;
	_ =	sdelay $0x4  }
0x140: {  	v4 =	vadd.f32 v5, v4;
	_ =	sdelay $0x1  }
0x141: {  	v5 =	vmul.f32 $2.000000030e-01, v4  }
0x142: {  	vm15 =	vgt.f32 v4, $0.0e+00  }
0x143: {  	v4 =	vsel vm15, v4, v5  }
0x144: {  	v4 =	vsub.f32 v4, v2;
	_ =	sdelay $0x1  }
0x145: {  	v4 =	vmul.f32 $1.442695020e+00, v4;
	_ =	sdelay $0x1  }
0x146: {  	(erf) = vpow2.f32 v4;
	_ =	sdelay $0x7  }
0x147: {  	v3 =	vadd.s32 v0, v3  }
0x148: {  	p0 =	seq.s32 s13, $0x7C;
	[tilespmem:$0x50A0] =	vst v3;
	v4 =	vpop (erf)  }
0x149: {  	s6 =	simm.s32 @!p0 $0x5;
	[tilespmem:$0x51E0] =	vst v4  }
0x14a: {  	[tilespmem:s3], [sflag:$0x4] =	stream.indirect.gather [hbm4b:s19+s28], $0x50, s30, s28, $0xb8;
	[tilespmem:$0x15FF0] =	vst v63  }
0x14b: {  	_ =	swait.ge @!p0 [sflag:s6], $0x1900  }
0x14c: {  	s14 =	sadd.s32 @!p0 s14, s23;
	[sflag:s6] =	ssyncset.done @!p0 $0x0  }
0x14d: {  	[sflag:s6] =	ssyncadd.s32 @!p0 $0xFFFFE700;
	s6 =	sshrl.u32 @!p0 s14, $0x3  }
0x14e: {  	s16 =	simm.s32 @!p0 $0x0;
	s17 =	simm.s32 @!p0 $0x5010;
	s14 =	sadd.s32 @!p0 s15, s6  }
0x14f: {  	[tilespmem:s17], [sflag:$0x1] =	stream.linear.gather @!p0 [hbm4b:s14+s16], $0x50, $0x38;
	[tilespmem:$0x15FF0] =	vst v63  }
0x150: {  	s6 =	sadd.s32 @!p0 s11, s6;
	s14 =	simm.s32 @!p0 $0x50B0  }
0x151: {  	[tilespmem:s14], [sflag:$0x1] =	stream.linear.gather @!p0 [hbm4b:s6+s16], $0x50, $0x38;
	[tilespmem:$0x15FF0] =	vst v63  }
0x152: {  	s16 =	simm.s32 $0x0  }
0x153: {  	_ =	swait.ge [sflag:s4], $0x1900;
	v3 =	vmov s16  }
0x154: {  	[sflag:s4] =	ssyncset.done $0x0  }
0x155: {  	s14 =	simm.s32 $0x6B10;
	[sflag:s4] =	ssyncadd.s32 $0xFFFFE700  }
0x156: {  	v4 =	vld [tilespmem:s14+$0xFFFFFFF0]  }
0x157: {  	v5 =	vld [tilespmem:s14+$0x10]  }
0x158: {  	v8 =	vld.idx.msk [tilespmem:v3+s5+$0x0], $0xffff  }
0x159: {  	v3 =	vld [tilespmem:s14+$0xFFFFFFE0]  }
0x15a: {  	v7 =	vld [tilespmem:s14+$0x0]  }
0x15b: {  	v9 =	vld [tilespmem:s14+$0x20];
	_ =	sdelay $0x2  }
0x15c: {  	v10 =	vmul.f32 v3, v8  }
0x15d: {  	s17 =	simm.s32 $0x1;
	v6 =	vmul.f32 v4, v8;
	v7 =	vmul.f32 v7, v8  }
0x15e: {  	s6 =	simm.s32 $0x2;
	s16 =	simm.s32 $0x6B10;
	v4 =	vmul.f32 v5, v8;
	v3 =	vmov s17;
	v5 =	vmul.f32 v9, v8;
	[tilespmem:s14+$0xFFFFFFE0] =	vst v10  }
.LBB2_7:
0x15f: {  	p0 =	sne.s32 s6, $0x4F;
	[tilespmem:s14+$0xFFFFFFF0] =	vst v6  }
0x160: {  	s14 =	sadd.s32 $0x50, s14;
	[tilespmem:s16+$0x0] =	vst v7  }
0x161: {  	v6 =	vld [tilespmem:s14+$0xFFFFFFF0];
	[tilespmem:s16+$0x10] =	vst v4  }
0x162: {  	v4 =	vld [tilespmem:s14+$0x10];
	[tilespmem:s16+$0x20] =	vst v5;
	s16 =	smov.u32 s14  }
0x163: {  	v5 =	vld.idx.msk [tilespmem:v3+s5+$0x0], $0xffff  }
0x164: {  	v3 =	vld [tilespmem:s14+$0xFFFFFFE0]  }
0x165: {  	v7 =	vld [tilespmem:s14+$0x0]  }
0x166: {  	v8 =	vld [tilespmem:s14+$0x20]  }
.Ltmp2:
0x167: {  	(pc) =	sbr.rel @p0 .LBB2_7-.Ltmp2, $4  }
0x168: {  	_ = 	snop  }
0x169: {  	v6 =	vmul.f32 v6, v5;
	v9 =	vmul.f32 v3, v5  }
0x16a: {  	v4 =	vmul.f32 v4, v5;
	v7 =	vmul.f32 v7, v5  }
0x16b: {  	v3 =	vmov s6;
	s6 =	sadd.s32 $0x1, s6;
	[tilespmem:s14+$0xFFFFFFE0] =	vst v9;
	v5 =	vmul.f32 v8, v5  }
0x16c: {  	[tilespmem:s14+$0xFFFFFFF0] =	vst v6  }
0x16d: {  	s6 =	sadd.s32 $0x50, s14;
	[tilespmem:s16+$0x0] =	vst v7  }
0x16e: {  	v6 =	vld [tilespmem:s6+$0xFFFFFFF0];
	[tilespmem:s16+$0x10] =	vst v4  }
0x16f: {  	v4 =	vld [tilespmem:s6+$0x10]  }
0x170: {  	[tilespmem:s16+$0x20] =	vst v5;
	v63 =	vld [tilespmem:s6+$0xFFFFFFE0]  }
0x171: {  	v3 =	vld.idx.msk [tilespmem:v3+s5+$0x0], $0xffff;
	_ =	sdelay $0x1  }
0x172: {  	v7 =	vld [tilespmem:s6+$0x0];
	_ =	sdelay $0x1  }
0x173: {  	v8 =	vld [tilespmem:s6+$0x20]  }
0x174: {  	v5 =	vmul.f32 v63, v3  }
0x175: {  	s13 =	sadd.s32 $0x1, s13;
	v6 =	vmul.f32 v6, v3  }
0x176: {  	p0 =	sne.s32 s13, $0x7D;
	v7 =	vmul.f32 v7, v3;
	[tilespmem:s6+$0xFFFFFFE0] =	vst v5  }
.Ltmp3:
0x177: {  	v4 =	vmul.f32 v4, v3;
	[tilespmem:s6+$0xFFFFFFF0] =	vst v6;
	(pc) =	sbr.rel @p0 .LBB2_4-.Ltmp3, $4  }
0x178: {  	v3 =	vmul.f32 v8, v3;
	[tilespmem:s6+$0x0] =	vst v7  }
0x179: {  	[tilespmem:s6+$0x10] =	vst v4  }
0x17a: {  	[tilespmem:s6+$0x20] =	vst v3  }
0x17b: {  	[spmem:s12] =	stream.indirect.scatter.add.f32 [tilespmem:s3], [sflag:$0x6], $0x50, s31, s28, $0xb8;
	[tilespmem:$0x15FF0] =	vst v63  }
0x17c: {  	s6 =	simm.s32 $0x5  }
0x17d: {  	_ =	swait.ge [sflag:s6], $0x1900  }
0x17e: {  	[sflag:s6] =	ssyncset.done $0x0  }
0x17f: {  	[sflag:s6] =	ssyncadd.s32 $0xFFFFE700  }
0x180: {  	_ =	swait.ge [sflag:s7], $0x1900  }
0x181: {  	[sflag:s7] =	ssyncset.done $0x0  }
0x182: {  	[sflag:s7] =	ssyncadd.s32 $0xFFFFE700  }
0x183: {  	s9 =	stileid.u32;
	[bflag:$0x0] =	sbarrier.arrive $0xFFFF  }
0x184: {  	s6 =	sshll.u32 s9, $0x6;
	s9 =	rddreg [dreg:$0x4]  }
0x185: {  	s6 =	sor.u32 $0x1C07, s6;
	s13 =	rddreg [dreg:$0x1e]  }
0x186: {  	[hbm:s9], [sflag:s6] =	dma.local [spmem:s13], $0x280  }
0x187: {  	_ =	swait.ge [sflag:s18], $0x280  }
0x188: {  	[sflag:s18] =	ssyncset.done $0x0;
	s13 =	rddreg [dreg:$0x5]  }
0x189: {  	s14 =	rddreg [dreg:$0x1f];
	[sflag:s18] =	ssyncadd.s32 $0xFFFFFD80  }
0x18a: {  	[hbm:s13], [sflag:s6] =	dma.local [spmem:s14], $0x280  }
0x18b: {  	_ =	swait.ge [sflag:s18], $0x280  }
0x18c: {  	s17 =	sld [smem:$0x7F6]  }
0x18d: {  	[sflag:s18] =	ssyncset.done $0x0  }
0x18e: {  	s16 =	rddreg [dreg:$0x6];
	[sflag:s18] =	ssyncadd.s32 $0xFFFFFD80  }
0x18f: {  	[hbm:s16], [sflag:s6] =	dma.local [spmem:s17], $0x280  }
0x190: {  	_ =	swait.ge [sflag:s18], $0x280  }
0x191: {  	s14 =	sld [smem:$0x7F7]  }
0x192: {  	[sflag:s18] =	ssyncset.done $0x0  }
0x193: {  	s13 =	rddreg [dreg:$0x7];
	[sflag:s18] =	ssyncadd.s32 $0xFFFFFD80  }
0x194: {  	[hbm:s13], [sflag:s6] =	dma.local [spmem:s14], $0x280  }
0x195: {  	_ =	swait.ge [sflag:s18], $0x280  }
0x196: {  	s17 =	sld [smem:$0x7F8]  }
0x197: {  	[sflag:s18] =	ssyncset.done $0x0  }
0x198: {  	s16 =	rddreg [dreg:$0x8];
	[sflag:s18] =	ssyncadd.s32 $0xFFFFFD80  }
0x199: {  	[hbm:s16], [sflag:s6] =	dma.local [spmem:s17], $0x280  }
0x19a: {  	_ =	swait.ge [sflag:s18], $0x280  }
0x19b: {  	s14 =	sld [smem:$0x7F9]  }
0x19c: {  	[sflag:s18] =	ssyncset.done $0x0  }
0x19d: {  	s13 =	rddreg [dreg:$0x9];
	[sflag:s18] =	ssyncadd.s32 $0xFFFFFD80  }
0x19e: {  	[hbm:s13], [sflag:s6] =	dma.local [spmem:s14], $0x280  }
0x19f: {  	_ =	swait.ge [sflag:s18], $0x280  }
0x1a0: {  	s17 =	sld [smem:$0x7FA]  }
0x1a1: {  	[sflag:s18] =	ssyncset.done $0x0  }
0x1a2: {  	s16 =	rddreg [dreg:$0xa];
	[sflag:s18] =	ssyncadd.s32 $0xFFFFFD80  }
0x1a3: {  	[hbm:s16], [sflag:s6] =	dma.local [spmem:s17], $0x280  }
0x1a4: {  	_ =	swait.ge [sflag:s18], $0x280  }
0x1a5: {  	s14 =	sld [smem:$0x7FB]  }
0x1a6: {  	[sflag:s18] =	ssyncset.done $0x0  }
0x1a7: {  	s13 =	rddreg [dreg:$0xb];
	[sflag:s18] =	ssyncadd.s32 $0xFFFFFD80  }
0x1a8: {  	[hbm:s13], [sflag:s6] =	dma.local [spmem:s14], $0x280  }
0x1a9: {  	_ =	swait.ge [sflag:s18], $0x280  }
0x1aa: {  	s17 =	sld [smem:$0x7FC]  }
0x1ab: {  	[sflag:s18] =	ssyncset.done $0x0  }
0x1ac: {  	s16 =	rddreg [dreg:$0xc];
	[sflag:s18] =	ssyncadd.s32 $0xFFFFFD80  }
0x1ad: {  	[hbm:s16], [sflag:s6] =	dma.local [spmem:s17], $0x280  }
0x1ae: {  	_ =	swait.ge [sflag:s18], $0x280  }
0x1af: {  	s16 =	sld [smem:$0x7FD]  }
0x1b0: {  	[sflag:s18] =	ssyncset.done $0x0  }
0x1b1: {  	s14 =	rddreg [dreg:$0xd];
	[sflag:s18] =	ssyncadd.s32 $0xFFFFFD80  }
0x1b2: {  	[hbm:s14], [sflag:s6] =	dma.local [spmem:s16], $0x280  }
0x1b3: {  	_ =	swait.ge [sflag:s18], $0x280  }
0x1b4: {  	s8 =	sadd.s32 $0x1, s8;
	s17 =	rddreg [dreg:$0x13]  }
0x1b5: {  	p0 =	sne.s32 s8, s17  }
.Ltmp4:
0x1b6: {  	_ = 	snop;
	(pc) =	sbr.rel @p0 .LBB2_1-.Ltmp4, $3  }
0x1b7: {  	_ =	sdelay $0x1  }
0x1b8: {  	[sflag:s18] =	ssyncset.done $0x0  }
0x1b9: {  	[sflag:s18] =	ssyncadd.s32 $0xFFFFFD80  }
0x1ba: {  	_ =	sfence.sel $0x180000  }
0x1bb: {  	[bflag:$0x0] =	sbarrier.arrive $0xFFFF  }
0x1bc: {  	_ =	strace $0x90000047  }
0x1bd: {  	s0 =	stileid.u32;
	[bflag:$0x2] =	sbarrier.arrive $0xFFFF  }
0x1be: {  	p0 =	sne.s32 s0, $0x0;
	s0 =	rddreg [dreg:$0x3]  }
0x1bf: {  	s0 =	sadd.s32 @!p0 $0x100000, s0  }
0x1c0: {  	[sflag:s0] =	ssyncadd.tile.s32 @!p0 $0x1;
	_ =	shalt  }
.Lfunc_end2:
_tile_overlayer_lowered:
.L_overlay_start_2:
0x1c1: {  	(tag) =	ssettag $0x2  }
0x1c2: {  	s0 =	rddreg [dreg:$0x0];
	s2 =	stileid.u32  }
0x1c3: {  	s1 =	rddreg [dreg:$0x1];
	p0 =	sne.s32 s2, $0x0  }
0x1c4: {  	s3 =	rddreg [dreg:$0x2];
	[bflag:$0x3] =	sbarrier.arrive $0xFFFF;
	s2 =	simm.s32 @!p0 $0x1C07  }
0x1c5: {  	[timem:s3], [sflag:s2] =	dma.local @!p0 [hbm:s0], s1  }
0x1c6: {  	s0 =	simm.s32 @!p0 $0x7  }
0x1c7: {  	_ =	swait.ge @!p0 [sflag:s0], s1  }
0x1c8: {  	s1 =	ssub.s32 @!p0 $0x0, s1;
	[sflag:s0] =	ssyncset.done @!p0 $0x0  }
0x1c9: {  	[sflag:s0] =	ssyncadd.s32 @!p0 s1  }
0x1ca: {  	[bflag:$0x3] =	sbarrier.arrive $0xFFFF  }
0x1cb: {  	_ =	shalt  }

</sc_bundles>
